<compile_context>
chip_gen: v7x
topology: tpu7x:2x2x1
jax: 0.10.2.dev20260603
libtpu: 0.0.44.dev20260713+nightly
codegen_flags: <defaults>
</compile_context>

<pallas_src>
import functools

import jax
import jax.numpy as jnp
from jax import lax
from jax.experimental import pallas as pl
from jax.experimental.pallas import tpu as pltpu
from jax.experimental.pallas import tpu_sc as plsc

N = 10000
E = 320000
IN_DIM = 128
HID = 64

NC = 2
NS = 16
NW = NC * NS
B = 80
CHUNKS = E // B
PER_W = CHUNKS // NW
PW_PAD = 128
NPAD = 10240
RPT = NPAD // NS
W = 128

R = 2048
G = NPAD // R

f32 = jnp.float32



def _mesh():
    return plsc.VectorSubcoreMesh(core_axis_name="c", subcore_axis_name="s",
                                  num_cores=NC, num_subcores=NS)


@functools.lru_cache(maxsize=None)
def _make_edge_pass(gather=True):

    @functools.partial(
        pl.kernel,
        out_type=jax.ShapeDtypeStruct((NC, NPAD, W), f32),
        mesh=_mesh(),
        scratch_types=[
            pltpu.VMEM((PER_W * B,), jnp.int32),
            pltpu.VMEM((PW_PAD, B), jnp.int32),
            pltpu.VMEM((B, W), f32),
            pltpu.VMEM((B, W), f32),
            pltpu.VMEM_SHARED((NPAD, W), f32),
            pltpu.SemaphoreType.DMA,
            pltpu.SemaphoreType.DMA,
        ],
    )
    def edge_pass(table_hbm, src_hbm, dst_hbm, zeros_hbm, out_hbm,
                  src_v, dst_v, rows_a, rows_b, acc_sh, sem_a, sem_b):
        rows_bufs = (rows_a, rows_b)
        gsems = (sem_a, sem_b)
        c = lax.axis_index("c")
        s = lax.axis_index("s")
        wid = s * NC + c
        pltpu.sync_copy(zeros_hbm, acc_sh.at[pl.ds(s * RPT, RPT)])
        pltpu.sync_copy(src_hbm.at[wid], src_v)
        pltpu.sync_copy(dst_hbm.at[wid], dst_v.at[pl.ds(0, PER_W)])
        if not gather:
            pltpu.sync_copy(table_hbm, rows_a)
        plsc.subcore_barrier()

        def g_start(k, u):
            idx = src_v.at[pl.ds(pl.multiple_of(k * B, B), B)]
            pltpu.async_copy(table_hbm.at[idx], rows_bufs[u], gsems[u])

        def g_wait(u):
            pltpu.make_async_copy(table_hbm.at[src_v.at[pl.ds(0, B)]],
                                  rows_bufs[u], gsems[u]).wait()

        def scat(k, ub):
            pltpu.sync_copy(rows_bufs[ub], acc_sh.at[dst_v.at[k]], add=True)

        if gather:
            g_start(0, 0)
            g_start(1, 1)

            def step_body(st, carry):
                for u in range(2):
                    k = 2 * st + u
                    g_wait(u)
                    scat(k, u)
                    if u == 0:
                        g_start(k + 2, u)
                    else:
                        @pl.when(st < (PER_W - 1) // 2 - 1)
                        def _():
                            g_start(k + 2, u)
                return carry

            lax.fori_loop(0, (PER_W - 1) // 2, step_body, 0)
            g_wait(0)
            scat(PER_W - 1, 0)
        else:
            def deg_body(k, carry):
                scat(k, 0)
                return carry

            lax.fori_loop(0, PER_W, deg_body, 0)

        plsc.subcore_barrier()
        pltpu.sync_copy(acc_sh.at[pl.ds(s * RPT, RPT)],
                        out_hbm.at[c, pl.ds(s * RPT, RPT)])

    return edge_pass


def _deg_pass(*args):
    return _make_edge_pass(gather=False)(*args)


def _pass128(*args):
    return _make_edge_pass(gather=True)(*args)



def _row_spec(w):
    return pl.BlockSpec((R, w), lambda i: (i, 0))


def _part_spec(w):
    return pl.BlockSpec((NC, R, w), lambda i: (0, i, 0))


def _full_spec(a, b):
    return pl.BlockSpec((a, b), lambda i: (0, 0))


def _t1_body(x_ref, degp_ref, we1_ref, t1_ref):
    x = x_ref[...]
    deg = degp_ref[0, :, 0:1] + degp_ref[1, :, 0:1] + 1.0
    dinv = lax.rsqrt(jnp.maximum(deg, 1.0))
    h1 = jnp.dot(x, we1_ref[...], preferred_element_type=f32)
    dcol = (1.0 - 2.0 * x[:, 0:1]) * dinv
    pad = jnp.zeros((R, 62), f32)
    t1_ref[...] = jnp.concatenate([h1 * dinv, dcol, dinv, pad], axis=1)


def _t1(x, degp, we1):
    return pl.pallas_call(
        _t1_body,
        grid=(G,),
        in_specs=[_row_spec(IN_DIM), _part_spec(W), _full_spec(IN_DIM, HID)],
        out_specs=_row_spec(W),
        out_shape=jax.ShapeDtypeStruct((NPAD, W), f32),
    )(x, degp, we1)


def _t2_body(t1_ref, a1p_ref, we1r0_ref, be1_ref, t2_ref):
    t1 = t1_ref[...]
    dinv = t1[:, 65:66]
    m = dinv * (a1p_ref[0] + a1p_ref[1] + t1)
    pre1 = m[:, :64] + be1_ref[...]
    pre1cf = pre1 + m[:, 64:65] * we1r0_ref[...]
    a1 = jnp.maximum(pre1, 0.0)
    a1cf = jnp.maximum(pre1cf, 0.0)
    t2_ref[...] = jnp.concatenate([a1 * dinv, a1cf * dinv], axis=1)


def _t2(t1, a1p, we1r0, be1):
    return pl.pallas_call(
        _t2_body,
        grid=(G,),
        in_specs=[_row_spec(W), _part_spec(W), _full_spec(1, HID),
                  _full_spec(1, HID)],
        out_specs=_row_spec(W),
        out_shape=jax.ShapeDtypeStruct((NPAD, W), f32),
    )(t1, a1p, we1r0, be1)


def _t3_body(t2_ref, a2p_ref, t1_ref, we2_ref, be2_ref, z_ref, t3_ref):
    dinv = t1_ref[:, 65:66]
    m = dinv * (a2p_ref[0] + a2p_ref[1] + t2_ref[...])
    we2 = we2_ref[...]
    be2 = be2_ref[...]
    z = jnp.dot(m[:, :64], we2, preferred_element_type=f32) + be2
    zcf = jnp.dot(m[:, 64:], we2, preferred_element_type=f32) + be2
    z_ref[...] = z
    pad = jnp.zeros((R, 32), f32)
    t3_ref[...] = jnp.concatenate(
        [z[:, :32], z[:, 32:], zcf[:, :32], pad], axis=1) * dinv


def _t3(t2, a2p, t1, we2, be2):
    return pl.pallas_call(
        _t3_body,
        grid=(G,),
        in_specs=[_row_spec(W), _part_spec(W), _row_spec(W),
                  _full_spec(HID, HID), _full_spec(1, HID)],
        out_specs=[_row_spec(64), _row_spec(W)],
        out_shape=[jax.ShapeDtypeStruct((NPAD, 64), f32),
                   jax.ShapeDtypeStruct((NPAD, W), f32)],
    )(t2, a2p, t1, we2, be2)


def _t4_body(t3_ref, a3p_ref, t1_ref, wa11_ref, wa21_ref, ws_ref, ba11_ref,
             ba21_ref, bs_ref, hs_ref, t4_ref, t5_ref):
    dinv = t1_ref[:, 65:66]
    m = dinv * (a3p_ref[0] + a3p_ref[1] + t3_ref[...])
    m_s, m_ns, m_scf = m[:, :32], m[:, 32:64], m[:, 64:96]
    wa11 = wa11_ref[...]
    ba11 = ba11_ref[...]
    a_s1 = jnp.maximum(
        jnp.dot(m_s, wa11, preferred_element_type=f32) + ba11, 0.0)
    a_ns1 = jnp.maximum(
        jnp.dot(m_ns, wa21_ref[...], preferred_element_type=f32)
        + ba21_ref[...], 0.0)
    a_scf1 = jnp.maximum(
        jnp.dot(m_scf, wa11, preferred_element_type=f32) + ba11, 0.0)
    hs_ref[...] = jnp.dot(m_ns, ws_ref[...],
                          preferred_element_type=f32) + bs_ref[...]
    t4_ref[...] = jnp.concatenate([a_s1, a_ns1], axis=1) * dinv
    t5_ref[...] = jnp.concatenate(
        [a_scf1 * dinv, jnp.zeros((R, 64), f32)], axis=1)


def _t4(t3, a3p, t1, wa11, wa21, ws, ba11, ba21, bs):
    return pl.pallas_call(
        _t4_body,
        grid=(G,),
        in_specs=[_row_spec(W), _part_spec(W), _row_spec(W),
                  _full_spec(32, HID), _full_spec(32, HID),
                  _full_spec(32, HID), _full_spec(1, HID),
                  _full_spec(1, HID), _full_spec(1, HID)],
        out_specs=[_row_spec(64), _row_spec(W), _row_spec(W)],
        out_shape=[jax.ShapeDtypeStruct((NPAD, 64), f32),
                   jax.ShapeDtypeStruct((NPAD, W), f32),
                   jax.ShapeDtypeStruct((NPAD, W), f32)],
    )(t3, a3p, t1, wa11, wa21, ws, ba11, ba21, bs)


def _t5_body(t4_ref, t5_ref, a4p_ref, a5p_ref, t1_ref, wa12_ref, wa22_ref,
             ba12_ref, ba22_ref, xs_ref, xns_ref, xscf_ref):
    dinv = t1_ref[:, 65:66]
    m4 = dinv * (a4p_ref[0] + a4p_ref[1] + t4_ref[...])
    m5 = dinv * (a5p_ref[0] + a5p_ref[1] + t5_ref[...])
    wa12 = wa12_ref[...]
    ba12 = ba12_ref[...]
    xs_ref[...] = jnp.dot(m4[:, :64], wa12,
                          preferred_element_type=f32) + ba12
    xns_ref[...] = jnp.dot(m4[:, 64:], wa22_ref[...],
                           preferred_element_type=f32) + ba22_ref[...]
    xscf_ref[...] = jnp.dot(m5[:, :64], wa12,
                            preferred_element_type=f32) + ba12


def _t5(t4, t5, a4p, a5p, t1, wa12, wa22, ba12, ba22):
    return pl.pallas_call(
        _t5_body,
        grid=(G,),
        in_specs=[_row_spec(W), _row_spec(W), _part_spec(W), _part_spec(W),
                  _row_spec(W), _full_spec(HID, IN_DIM),
                  _full_spec(HID, IN_DIM), _full_spec(1, 128),
                  _full_spec(1, 128)],
        out_specs=[_row_spec(128), _row_spec(128), _row_spec(128)],
        out_shape=[jax.ShapeDtypeStruct((NPAD, 128), f32),
                   jax.ShapeDtypeStruct((NPAD, 128), f32),
                   jax.ShapeDtypeStruct((NPAD, 128), f32)],
    )(t4, t5, a4p, a5p, t1, wa12, wa22, ba12, ba22)


def _t6_body(a_ref, b_ref, out_ref):
    out_ref[...] = lax.dot_general(
        a_ref[...], b_ref[...], (((1,), (1,)), ((), ())),
        preferred_element_type=f32)


def _t6(hs):
    M = 2048
    gm = pl.cdiv(N, M)
    return pl.pallas_call(
        _t6_body,
        grid=(gm, gm),
        in_specs=[pl.BlockSpec((M, HID), lambda i, j: (i, 0)),
                  pl.BlockSpec((M, HID), lambda i, j: (j, 0))],
        out_specs=pl.BlockSpec((M, M), lambda i, j: (i, j)),
        out_shape=jax.ShapeDtypeStruct((N, N), f32),
    )(hs, hs)



def kernel(x, W_e1, b_e1, W_e2, b_e2, Wa11, ba11, Wa12, ba12, Wa21, ba21,
           Wa22, ba22, Ws, bs, edge_index):
    src = edge_index[0].astype(jnp.int32).reshape(NW, PER_W * B)
    dst = edge_index[1].astype(jnp.int32).reshape(NW, PER_W, B)
    xp = jnp.pad(x, ((0, NPAD - N), (0, 0)))
    ones = jnp.ones((B, W), f32)
    z128 = jnp.zeros((RPT, W), f32)

    degp = _deg_pass(ones, src, dst, z128)
    t1 = _t1(xp, degp, W_e1)
    a1p = _pass128(t1, src, dst, z128)
    t2 = _t2(t1, a1p, W_e1[0:1, :], b_e1.reshape(1, -1))
    a2p = _pass128(t2, src, dst, z128)
    z, t3 = _t3(t2, a2p, t1, W_e2, b_e2.reshape(1, -1))
    a3p = _pass128(t3, src, dst, z128)
    hs, t4, t5 = _t4(t3, a3p, t1, Wa11, Wa21, Ws, ba11.reshape(1, -1),
                     ba21.reshape(1, -1), bs.reshape(1, -1))
    a4p = _pass128(t4, src, dst, z128)
    a5p = _pass128(t5, src, dst, z128)
    s_ = _t6(hs)
    xs, xns, xscf = _t5(t4, t5, a4p, a5p, t1, Wa12, Wa22,
                        ba12.reshape(1, -1), ba22.reshape(1, -1))
    return (z[:N, :32], z[:N, 32:], xs[:N], xns[:N], xscf[:N], s_)

# --- scband reference (transcript-rebuilt; emitter-appended) ---
"""Pipeline reference for scband-custom-dominant-7559142441736 (READ-ONLY COPY).

The authoritative reference and input builder live on the scoring server;
editing this copy changes nothing except your own understanding.
"""

import jax, jax.numpy as jnp
import numpy as np

N = 10000
E = 320000
IN_DIM = 128
HID = 64


def gcn_conv(x, src, dst, W, b, n_nodes):
    loop = jnp.arange(n_nodes)
    s = jnp.concatenate([src, loop])
    d = jnp.concatenate([dst, loop])
    deg = jnp.zeros((n_nodes,), jnp.float32).at[d].add(1.0)
    dinv = jax.lax.rsqrt(jnp.maximum(deg, 1.0))
    norm = dinv[s] * dinv[d]
    h = x @ W
    msg = h[s] * norm[:, None]
    out = jnp.zeros((n_nodes, h.shape[1]), h.dtype).at[d].add(msg)
    return out + b


def gcn2(x, src, dst, W1, b1, W2, b2, n):
    h = jax.nn.relu(gcn_conv(x, src, dst, W1, b1, n))
    return gcn_conv(h, src, dst, W2, b2, n)


def setup_inputs(seed: int = 0):
    key = jax.random.key(seed)
    ks = jax.random.split(key, 20)
    x = jax.random.normal(ks[0], (N, IN_DIM), jnp.float32)
    edge_index = jax.random.randint(ks[1], (2, E), 0, N)

    def w(k, fi, fo):
        return (jax.random.normal(k, (fi, fo), jnp.float32) / np.sqrt(fi)).astype(jnp.float32)

    return {
        'x': x,
        'W_e1': w(ks[2], IN_DIM, HID), 'b_e1': jnp.zeros((HID,), jnp.float32),
        'W_e2': w(ks[3], HID, HID), 'b_e2': jnp.zeros((HID,), jnp.float32),
        'Wa11': w(ks[4], HID // 2, HID), 'ba11': jnp.zeros((HID,), jnp.float32),
        'Wa12': w(ks[5], HID, IN_DIM), 'ba12': jnp.zeros((IN_DIM,), jnp.float32),
        'Wa21': w(ks[6], HID // 2, HID), 'ba21': jnp.zeros((HID,), jnp.float32),
        'Wa22': w(ks[7], HID, IN_DIM), 'ba22': jnp.zeros((IN_DIM,), jnp.float32),
        'Ws': w(ks[8], HID // 2, HID), 'bs': jnp.zeros((HID,), jnp.float32),
        'edge_index': edge_index,
    }


def reference(x, W_e1, b_e1, W_e2, b_e2, Wa11, ba11, Wa12, ba12, Wa21, ba21, Wa22, ba22, Ws, bs, edge_index):
    src, dst = edge_index[0], edge_index[1]
    # shared GCN encoder (2 layers, relu between)
    z = gcn2(x, src, dst, W_e1, b_e1, W_e2, b_e2, N)
    # counterfactual: flip sensitive attribute (column 0)
    x_cf = x.at[:, 0].set(1.0 - x[:, 0])
    z_cf = gcn2(x_cf, src, dst, W_e1, b_e1, W_e2, b_e2, N)
    h = HID // 2
    z_s, z_ns = z[:, :h], z[:, h:]
    z_s_cf = z_cf[:, :h]
    # attribute decoders (2-layer GCNs)
    x_s_hat = gcn2(z_s, src, dst, Wa11, ba11, Wa12, ba12, N)
    x_ns_hat = gcn2(z_ns, src, dst, Wa21, ba21, Wa22, ba22, N)
    x_s_cf_hat = gcn2(z_s_cf, src, dst, Wa11, ba11, Wa12, ba12, N)
    # structure decoder: 1-layer GCN then dot product (sigmoid_s=False)
    hs = gcn_conv(z_ns, src, dst, Ws, bs, N)
    s_ = hs @ hs.T
    return (z_s, z_ns, x_s_hat, x_ns_hat, x_s_cf_hat, s_)

if __name__ == "__main__":
    import jax
    _d = setup_inputs()
    print(jax.jit(kernel)(*tuple(_d.values())))

</pallas_src>

<mosaic_0001>
#map = affine_map<(d0, d1) -> (0, 0)>
#map1 = affine_map<(d0, d1) -> (0, 0, 0)>
module attributes {stable_mosaic.version = 14 : i64} {
  func.func @edge_pass(%arg0: i32, %arg1: i32, %arg2: memref<10240x128xf32, #tpu.memory_space<hbm>>, %arg3: memref<32x10000xi32, #tpu.memory_space<hbm>>, %arg4: memref<32x125x80xi32, #tpu.memory_space<hbm>>, %arg5: memref<640x128xf32, #tpu.memory_space<hbm>>, %arg6: memref<2x10240x128xf32, #tpu.memory_space<hbm>>, %arg7: memref<10000xi32, #tpu.memory_space<vmem>>, %arg8: memref<128x80xi32, #tpu.memory_space<vmem>>, %arg9: memref<80x128xf32, #tpu.memory_space<vmem>>, %arg10: memref<80x128xf32, #tpu.memory_space<vmem>>, %arg11: memref<10240x128xf32, #tpu.memory_space<vmem_shared>>, %arg12: memref<!tpu.dma_semaphore, #tpu.memory_space<semaphore_mem>>, %arg13: memref<!tpu.dma_semaphore, #tpu.memory_space<semaphore_mem>>) attributes {dimension_semantics = [#tpu.dimension_semantics<core_parallel>, #tpu.dimension_semantics<subcore_parallel>], iteration_bounds = array<i64: 2, 16>, scalar_prefetch = 0 : i64, scratch_operands = 7 : i64, tpu.core_type = #tpu.core_type<sc_vector_subcore>, window_params = [{transform_indices = #map}, {transform_indices = #map}, {transform_indices = #map1}, {transform_indices = #map}, {transform_indices = #map1}]} {
    %mul3A = arith.constant 2 : i32
    %mul3A_0 = arith.muli %arg1, %mul3A : i32
    %add3A = arith.addi %mul3A_0, %arg0 : i32
    %mul3A_1 = arith.constant 640 : i32
    %mul3A_2 = arith.muli %arg1, %mul3A_1 : i32
    "tpu.region"() ({
      %run_scoped3A_27 = tpu.sem_alloc : memref<!tpu.dma_semaphore, #tpu.memory_space<semaphore_mem>>
      %dma_start3A_28 = arith.constant 0 : i32
      %dma_start3A_29 = tpu.memref_slice %arg11[%mul3A_2, %dma_start3A_28] : memref<10240x128xf32, #tpu.memory_space<vmem_shared>> -> memref<640x128xf32, #tpu.memory_space<vmem_shared>>
      tpu.enqueue_dma source(%arg5 : memref<640x128xf32, #tpu.memory_space<hbm>>) target(%dma_start3A_29 : memref<640x128xf32, #tpu.memory_space<vmem_shared>>) target_semaphore(%run_scoped3A_27 : memref<!tpu.dma_semaphore, #tpu.memory_space<semaphore_mem>>)
      %dma_wait3A_30 = arith.constant 0 : i32
      %dma_wait3A_31 = tpu.memref_slice %arg11[%mul3A_2, %dma_wait3A_30] : memref<10240x128xf32, #tpu.memory_space<vmem_shared>> -> memref<640x128xf32, #tpu.memory_space<vmem_shared>>
      tpu.wait_dma2 semaphore(%run_scoped3A_27 : memref<!tpu.dma_semaphore, #tpu.memory_space<semaphore_mem>>) src(%arg5 : memref<640x128xf32, #tpu.memory_space<hbm>>) dst(%dma_wait3A_31 : memref<640x128xf32, #tpu.memory_space<vmem_shared>>)
      tpu.yield
    }) : () -> ()
    "tpu.region"() ({
      %run_scoped3A_27 = tpu.sem_alloc : memref<!tpu.dma_semaphore, #tpu.memory_space<semaphore_mem>>
      %dma_start3A_28 = arith.constant 0 : i32
      %dma_start3A_29 = tpu.memref_slice %arg3[%add3A, %dma_start3A_28] : memref<32x10000xi32, #tpu.memory_space<hbm>> -> memref<1x10000xi32, #tpu.memory_space<hbm>>
      %dma_start3A_30 = tpu.memref_squeeze %dma_start3A_29 : memref<1x10000xi32, #tpu.memory_space<hbm>> -> memref<10000xi32, #tpu.memory_space<hbm>>
      %dma_start3A_31 = arith.constant 0 : i32
      %dma_start3A_32 = tpu.memref_slice %arg3[%add3A, %dma_start3A_31] : memref<32x10000xi32, #tpu.memory_space<hbm>> -> memref<1x10000xi32, #tpu.memory_space<hbm>>
      %dma_start3A_33 = tpu.memref_squeeze %dma_start3A_32 : memref<1x10000xi32, #tpu.memory_space<hbm>> -> memref<10000xi32, #tpu.memory_space<hbm>>
      tpu.enqueue_dma source(%dma_start3A_33 : memref<10000xi32, #tpu.memory_space<hbm>>) target(%arg7 : memref<10000xi32, #tpu.memory_space<vmem>>) target_semaphore(%run_scoped3A_27 : memref<!tpu.dma_semaphore, #tpu.memory_space<semaphore_mem>>)
      %dma_wait3A_34 = arith.constant 0 : i32
      %dma_wait3A_35 = tpu.memref_slice %arg3[%add3A, %dma_wait3A_34] : memref<32x10000xi32, #tpu.memory_space<hbm>> -> memref<1x10000xi32, #tpu.memory_space<hbm>>
      %dma_wait3A_36 = tpu.memref_squeeze %dma_wait3A_35 : memref<1x10000xi32, #tpu.memory_space<hbm>> -> memref<10000xi32, #tpu.memory_space<hbm>>
      %dma_wait3A_37 = arith.constant 0 : i32
      %dma_wait3A_38 = tpu.memref_slice %arg3[%add3A, %dma_wait3A_37] : memref<32x10000xi32, #tpu.memory_space<hbm>> -> memref<1x10000xi32, #tpu.memory_space<hbm>>
      %dma_wait3A_39 = tpu.memref_squeeze %dma_wait3A_38 : memref<1x10000xi32, #tpu.memory_space<hbm>> -> memref<10000xi32, #tpu.memory_space<hbm>>
      tpu.wait_dma2 semaphore(%run_scoped3A_27 : memref<!tpu.dma_semaphore, #tpu.memory_space<semaphore_mem>>) src(%dma_wait3A_39 : memref<10000xi32, #tpu.memory_space<hbm>>) dst(%arg7 : memref<10000xi32, #tpu.memory_space<vmem>>)
      tpu.yield
    }) : () -> ()
    "tpu.region"() ({
      %run_scoped3A_27 = tpu.sem_alloc : memref<!tpu.dma_semaphore, #tpu.memory_space<semaphore_mem>>
      %dma_start3A_28 = arith.constant 0 : i32
      %dma_start3A_29 = arith.constant 0 : i32
      %dma_start3A_30 = tpu.memref_slice %arg8[%dma_start3A_28, %dma_start3A_29] : memref<128x80xi32, #tpu.memory_space<vmem>> -> memref<125x80xi32, #tpu.memory_space<vmem>>
      %dma_start3A_31 = arith.constant 0 : i32
      %dma_start3A_32 = arith.constant 0 : i32
      %dma_start3A_33 = tpu.memref_slice %arg4[%add3A, %dma_start3A_31, %dma_start3A_32] : memref<32x125x80xi32, #tpu.memory_space<hbm>> -> memref<1x125x80xi32, #tpu.memory_space<hbm>>
      %dma_start3A_34 = tpu.memref_squeeze %dma_start3A_33 : memref<1x125x80xi32, #tpu.memory_space<hbm>> -> memref<125x80xi32, #tpu.memory_space<hbm>>
      %dma_start3A_35 = arith.constant 0 : i32
      %dma_start3A_36 = arith.constant 0 : i32
      %dma_start3A_37 = tpu.memref_slice %arg8[%dma_start3A_35, %dma_start3A_36] : memref<128x80xi32, #tpu.memory_space<vmem>> -> memref<125x80xi32, #tpu.memory_space<vmem>>
      %dma_start3A_38 = arith.constant 0 : i32
      %dma_start3A_39 = arith.constant 0 : i32
      %dma_start3A_40 = tpu.memref_slice %arg4[%add3A, %dma_start3A_38, %dma_start3A_39] : memref<32x125x80xi32, #tpu.memory_space<hbm>> -> memref<1x125x80xi32, #tpu.memory_space<hbm>>
      %dma_start3A_41 = tpu.memref_squeeze %dma_start3A_40 : memref<1x125x80xi32, #tpu.memory_space<hbm>> -> memref<125x80xi32, #tpu.memory_space<hbm>>
      tpu.enqueue_dma source(%dma_start3A_41 : memref<125x80xi32, #tpu.memory_space<hbm>>) target(%dma_start3A_37 : memref<125x80xi32, #tpu.memory_space<vmem>>) target_semaphore(%run_scoped3A_27 : memref<!tpu.dma_semaphore, #tpu.memory_space<semaphore_mem>>)
      %dma_wait3A_42 = arith.constant 0 : i32
      %dma_wait3A_43 = arith.constant 0 : i32
      %dma_wait3A_44 = tpu.memref_slice %arg8[%dma_wait3A_42, %dma_wait3A_43] : memref<128x80xi32, #tpu.memory_space<vmem>> -> memref<125x80xi32, #tpu.memory_space<vmem>>
      %dma_wait3A_45 = arith.constant 0 : i32
      %dma_wait3A_46 = arith.constant 0 : i32
      %dma_wait3A_47 = tpu.memref_slice %arg4[%add3A, %dma_wait3A_45, %dma_wait3A_46] : memref<32x125x80xi32, #tpu.memory_space<hbm>> -> memref<1x125x80xi32, #tpu.memory_space<hbm>>
      %dma_wait3A_48 = tpu.memref_squeeze %dma_wait3A_47 : memref<1x125x80xi32, #tpu.memory_space<hbm>> -> memref<125x80xi32, #tpu.memory_space<hbm>>
      %dma_wait3A_49 = arith.constant 0 : i32
      %dma_wait3A_50 = arith.constant 0 : i32
      %dma_wait3A_51 = tpu.memref_slice %arg8[%dma_wait3A_49, %dma_wait3A_50] : memref<128x80xi32, #tpu.memory_space<vmem>> -> memref<125x80xi32, #tpu.memory_space<vmem>>
      %dma_wait3A_52 = arith.constant 0 : i32
      %dma_wait3A_53 = arith.constant 0 : i32
      %dma_wait3A_54 = tpu.memref_slice %arg4[%add3A, %dma_wait3A_52, %dma_wait3A_53] : memref<32x125x80xi32, #tpu.memory_space<hbm>> -> memref<1x125x80xi32, #tpu.memory_space<hbm>>
      %dma_wait3A_55 = tpu.memref_squeeze %dma_wait3A_54 : memref<1x125x80xi32, #tpu.memory_space<hbm>> -> memref<125x80xi32, #tpu.memory_space<hbm>>
      tpu.wait_dma2 semaphore(%run_scoped3A_27 : memref<!tpu.dma_semaphore, #tpu.memory_space<semaphore_mem>>) src(%dma_wait3A_55 : memref<125x80xi32, #tpu.memory_space<hbm>>) dst(%dma_wait3A_51 : memref<125x80xi32, #tpu.memory_space<vmem>>)
      tpu.yield
    }) : () -> ()
    %barrier3A = arith.constant 0 : index
    tpu.barrier barrier_id(%barrier3A)
    %multiple_of3A = arith.constant 0 : i32
    %multiple_of3A_3 = tpu.assume_multiple %multiple_of3A, 80 : i32
    %dma_start3A = tpu.memref_slice %arg7[%multiple_of3A_3] : memref<10000xi32, #tpu.memory_space<vmem>> -> memref<80xi32, #tpu.memory_space<vmem>>
    %dma_start3A_4 = arith.constant 0 : i32
    %dma_start3A_5 = arith.constant 0 : i32
    %dma_start3A_6 = tpu.memref_slice %arg2[%dma_start3A_4, %dma_start3A_5] : memref<10240x128xf32, #tpu.memory_space<hbm>> -> memref<10240x128xf32, #tpu.memory_space<hbm>>
    tpu.enqueue_indirect_dma source(%dma_start3A_6 : memref<10240x128xf32, #tpu.memory_space<hbm>>) target(%arg9 : memref<80x128xf32, #tpu.memory_space<vmem>>) offsets(%dma_start3A : memref<80xi32, #tpu.memory_space<vmem>>) semaphore(%arg12 : memref<!tpu.dma_semaphore, #tpu.memory_space<semaphore_mem>>)
    %multiple_of3A_7 = arith.constant 80 : i32
    %multiple_of3A_8 = tpu.assume_multiple %multiple_of3A_7, 80 : i32
    %dma_start3A_9 = tpu.memref_slice %arg7[%multiple_of3A_8] : memref<10000xi32, #tpu.memory_space<vmem>> -> memref<80xi32, #tpu.memory_space<vmem>>
    %dma_start3A_10 = arith.constant 0 : i32
    %dma_start3A_11 = arith.constant 0 : i32
    %dma_start3A_12 = tpu.memref_slice %arg2[%dma_start3A_10, %dma_start3A_11] : memref<10240x128xf32, #tpu.memory_space<hbm>> -> memref<10240x128xf32, #tpu.memory_space<hbm>>
    tpu.enqueue_indirect_dma source(%dma_start3A_12 : memref<10240x128xf32, #tpu.memory_space<hbm>>) target(%arg10 : memref<80x128xf32, #tpu.memory_space<vmem>>) offsets(%dma_start3A_9 : memref<80xi32, #tpu.memory_space<vmem>>) semaphore(%arg13 : memref<!tpu.dma_semaphore, #tpu.memory_space<semaphore_mem>>)
    %scan3A = arith.constant 0 : i32
    %scan3A_13 = arith.constant 0 : i32
    %scan3A_14 = arith.constant 62 : i32
    %scan3A_15 = arith.addi %scan3A_13, %scan3A_14 : i32
    %scan3A_16 = arith.constant 1 : i32
    scf.for %scan3A_27 = %scan3A_13 to %scan3A_15 step %scan3A_16  : i32 {
      %mul3A_28 = arith.constant 2 : i32
      %mul3A_29 = arith.muli %mul3A_28, %scan3A_27 : i32
      %add3A_30 = arith.constant 0 : i32
      %add3A_31 = arith.addi %mul3A_29, %add3A_30 : i32
      %dma_wait3A_32 = arith.constant 0 : i32
      %dma_wait3A_33 = tpu.memref_slice %arg7[%dma_wait3A_32] : memref<10000xi32, #tpu.memory_space<vmem>> -> memref<80xi32, #tpu.memory_space<vmem>>
      %dma_wait3A_34 = arith.constant 0 : i32
      %dma_wait3A_35 = arith.constant 0 : i32
      %dma_wait3A_36 = tpu.memref_slice %arg2[%dma_wait3A_34, %dma_wait3A_35] : memref<10240x128xf32, #tpu.memory_space<hbm>> -> memref<10240x128xf32, #tpu.memory_space<hbm>>
      tpu.wait_indirect_dma semaphore(%arg12 : memref<!tpu.dma_semaphore, #tpu.memory_space<semaphore_mem>>) src(%dma_wait3A_36 : memref<10240x128xf32, #tpu.memory_space<hbm>>) dst(%arg9 : memref<80x128xf32, #tpu.memory_space<vmem>>)
      "tpu.region"() ({
        %run_scoped3A_57 = tpu.sem_alloc : memref<!tpu.dma_semaphore, #tpu.memory_space<semaphore_mem>>
        %dma_start3A_58 = arith.constant 0 : i32
        %dma_start3A_59 = tpu.memref_slice %arg8[%add3A_31, %dma_start3A_58] : memref<128x80xi32, #tpu.memory_space<vmem>> -> memref<1x80xi32, #tpu.memory_space<vmem>>
        %dma_start3A_60 = tpu.memref_squeeze %dma_start3A_59 : memref<1x80xi32, #tpu.memory_space<vmem>> -> memref<80xi32, #tpu.memory_space<vmem>>
        %dma_start3A_61 = arith.constant 0 : i32
        %dma_start3A_62 = arith.constant 0 : i32
        %dma_start3A_63 = tpu.memref_slice %arg11[%dma_start3A_61, %dma_start3A_62] : memref<10240x128xf32, #tpu.memory_space<vmem_shared>> -> memref<10240x128xf32, #tpu.memory_space<vmem_shared>>
        tpu.enqueue_indirect_dma source(%arg9 : memref<80x128xf32, #tpu.memory_space<vmem>>) target(%dma_start3A_63 : memref<10240x128xf32, #tpu.memory_space<vmem_shared>>) offsets(%dma_start3A_60 : memref<80xi32, #tpu.memory_space<vmem>>) semaphore(%run_scoped3A_57 : memref<!tpu.dma_semaphore, #tpu.memory_space<semaphore_mem>>) {add = true}
        %dma_wait3A_64 = arith.constant 0 : i32
        %dma_wait3A_65 = tpu.memref_slice %arg8[%add3A_31, %dma_wait3A_64] : memref<128x80xi32, #tpu.memory_space<vmem>> -> memref<1x80xi32, #tpu.memory_space<vmem>>
        %dma_wait3A_66 = tpu.memref_squeeze %dma_wait3A_65 : memref<1x80xi32, #tpu.memory_space<vmem>> -> memref<80xi32, #tpu.memory_space<vmem>>
        %dma_wait3A_67 = arith.constant 0 : i32
        %dma_wait3A_68 = arith.constant 0 : i32
        %dma_wait3A_69 = tpu.memref_slice %arg11[%dma_wait3A_67, %dma_wait3A_68] : memref<10240x128xf32, #tpu.memory_space<vmem_shared>> -> memref<10240x128xf32, #tpu.memory_space<vmem_shared>>
        tpu.wait_indirect_dma semaphore(%run_scoped3A_57 : memref<!tpu.dma_semaphore, #tpu.memory_space<semaphore_mem>>) src(%arg9 : memref<80x128xf32, #tpu.memory_space<vmem>>) dst(%dma_wait3A_69 : memref<10240x128xf32, #tpu.memory_space<vmem_shared>>)
        tpu.yield
      }) : () -> ()
      %add3A_37 = arith.constant 2 : i32
      %add3A_38 = arith.addi %add3A_31, %add3A_37 : i32
      %mul3A_39 = arith.constant 80 : i32
      %mul3A_40 = arith.muli %add3A_38, %mul3A_39 : i32
      %multiple_of3A_41 = tpu.assume_multiple %mul3A_40, 80 : i32
      %dma_start3A_42 = tpu.memref_slice %arg7[%multiple_of3A_41] : memref<10000xi32, #tpu.memory_space<vmem>> -> memref<80xi32, #tpu.memory_space<vmem>>
      %dma_start3A_43 = arith.constant 0 : i32
      %dma_start3A_44 = arith.constant 0 : i32
      %dma_start3A_45 = tpu.memref_slice %arg2[%dma_start3A_43, %dma_start3A_44] : memref<10240x128xf32, #tpu.memory_space<hbm>> -> memref<10240x128xf32, #tpu.memory_space<hbm>>
      tpu.enqueue_indirect_dma source(%dma_start3A_45 : memref<10240x128xf32, #tpu.memory_space<hbm>>) target(%arg9 : memref<80x128xf32, #tpu.memory_space<vmem>>) offsets(%dma_start3A_42 : memref<80xi32, #tpu.memory_space<vmem>>) semaphore(%arg12 : memref<!tpu.dma_semaphore, #tpu.memory_space<semaphore_mem>>)
      %mul3A_46 = arith.constant 2 : i32
      %mul3A_47 = arith.muli %mul3A_46, %scan3A_27 : i32
      %add3A_48 = arith.constant 1 : i32
      %add3A_49 = arith.addi %mul3A_47, %add3A_48 : i32
      %dma_wait3A_50 = arith.constant 0 : i32
      %dma_wait3A_51 = tpu.memref_slice %arg7[%dma_wait3A_50] : memref<10000xi32, #tpu.memory_space<vmem>> -> memref<80xi32, #tpu.memory_space<vmem>>
      %dma_wait3A_52 = arith.constant 0 : i32
      %dma_wait3A_53 = arith.constant 0 : i32
      %dma_wait3A_54 = tpu.memref_slice %arg2[%dma_wait3A_52, %dma_wait3A_53] : memref<10240x128xf32, #tpu.memory_space<hbm>> -> memref<10240x128xf32, #tpu.memory_space<hbm>>
      tpu.wait_indirect_dma semaphore(%arg13 : memref<!tpu.dma_semaphore, #tpu.memory_space<semaphore_mem>>) src(%dma_wait3A_54 : memref<10240x128xf32, #tpu.memory_space<hbm>>) dst(%arg10 : memref<80x128xf32, #tpu.memory_space<vmem>>)
      "tpu.region"() ({
        %run_scoped3A_57 = tpu.sem_alloc : memref<!tpu.dma_semaphore, #tpu.memory_space<semaphore_mem>>
        %dma_start3A_58 = arith.constant 0 : i32
        %dma_start3A_59 = tpu.memref_slice %arg8[%add3A_49, %dma_start3A_58] : memref<128x80xi32, #tpu.memory_space<vmem>> -> memref<1x80xi32, #tpu.memory_space<vmem>>
        %dma_start3A_60 = tpu.memref_squeeze %dma_start3A_59 : memref<1x80xi32, #tpu.memory_space<vmem>> -> memref<80xi32, #tpu.memory_space<vmem>>
        %dma_start3A_61 = arith.constant 0 : i32
        %dma_start3A_62 = arith.constant 0 : i32
        %dma_start3A_63 = tpu.memref_slice %arg11[%dma_start3A_61, %dma_start3A_62] : memref<10240x128xf32, #tpu.memory_space<vmem_shared>> -> memref<10240x128xf32, #tpu.memory_space<vmem_shared>>
        tpu.enqueue_indirect_dma source(%arg10 : memref<80x128xf32, #tpu.memory_space<vmem>>) target(%dma_start3A_63 : memref<10240x128xf32, #tpu.memory_space<vmem_shared>>) offsets(%dma_start3A_60 : memref<80xi32, #tpu.memory_space<vmem>>) semaphore(%run_scoped3A_57 : memref<!tpu.dma_semaphore, #tpu.memory_space<semaphore_mem>>) {add = true}
        %dma_wait3A_64 = arith.constant 0 : i32
        %dma_wait3A_65 = tpu.memref_slice %arg8[%add3A_49, %dma_wait3A_64] : memref<128x80xi32, #tpu.memory_space<vmem>> -> memref<1x80xi32, #tpu.memory_space<vmem>>
        %dma_wait3A_66 = tpu.memref_squeeze %dma_wait3A_65 : memref<1x80xi32, #tpu.memory_space<vmem>> -> memref<80xi32, #tpu.memory_space<vmem>>
        %dma_wait3A_67 = arith.constant 0 : i32
        %dma_wait3A_68 = arith.constant 0 : i32
        %dma_wait3A_69 = tpu.memref_slice %arg11[%dma_wait3A_67, %dma_wait3A_68] : memref<10240x128xf32, #tpu.memory_space<vmem_shared>> -> memref<10240x128xf32, #tpu.memory_space<vmem_shared>>
        tpu.wait_indirect_dma semaphore(%run_scoped3A_57 : memref<!tpu.dma_semaphore, #tpu.memory_space<semaphore_mem>>) src(%arg10 : memref<80x128xf32, #tpu.memory_space<vmem>>) dst(%dma_wait3A_69 : memref<10240x128xf32, #tpu.memory_space<vmem_shared>>)
        tpu.yield
      }) : () -> ()
      %lt3A = arith.constant 61 : i32
      %lt3A_55 = arith.cmpi slt, %scan3A_27, %lt3A : i32
      %convert_element_type3A = arith.extui %lt3A_55 : i1 to i32
      %cond3A = arith.constant 0 : i32
      %cond3A_56 = arith.cmpi ne, %convert_element_type3A, %cond3A : i32
      scf.if %cond3A_56 {
        %add3A_57 = arith.constant 2 : i32
        %add3A_58 = arith.addi %add3A_49, %add3A_57 : i32
        %mul3A_59 = arith.constant 80 : i32
        %mul3A_60 = arith.muli %add3A_58, %mul3A_59 : i32
        %multiple_of3A_61 = tpu.assume_multiple %mul3A_60, 80 : i32
        %dma_start3A_62 = tpu.memref_slice %arg7[%multiple_of3A_61] : memref<10000xi32, #tpu.memory_space<vmem>> -> memref<80xi32, #tpu.memory_space<vmem>>
        %dma_start3A_63 = arith.constant 0 : i32
        %dma_start3A_64 = arith.constant 0 : i32
        %dma_start3A_65 = tpu.memref_slice %arg2[%dma_start3A_63, %dma_start3A_64] : memref<10240x128xf32, #tpu.memory_space<hbm>> -> memref<10240x128xf32, #tpu.memory_space<hbm>>
        tpu.enqueue_indirect_dma source(%dma_start3A_65 : memref<10240x128xf32, #tpu.memory_space<hbm>>) target(%arg10 : memref<80x128xf32, #tpu.memory_space<vmem>>) offsets(%dma_start3A_62 : memref<80xi32, #tpu.memory_space<vmem>>) semaphore(%arg13 : memref<!tpu.dma_semaphore, #tpu.memory_space<semaphore_mem>>)
      } else {
      }
    }
    %scan3A_17 = arith.constant 62 : i32
    %dma_wait3A = arith.constant 0 : i32
    %dma_wait3A_18 = tpu.memref_slice %arg7[%dma_wait3A] : memref<10000xi32, #tpu.memory_space<vmem>> -> memref<80xi32, #tpu.memory_space<vmem>>
    %dma_wait3A_19 = arith.constant 0 : i32
    %dma_wait3A_20 = arith.constant 0 : i32
    %dma_wait3A_21 = tpu.memref_slice %arg2[%dma_wait3A_19, %dma_wait3A_20] : memref<10240x128xf32, #tpu.memory_space<hbm>> -> memref<10240x128xf32, #tpu.memory_space<hbm>>
    tpu.wait_indirect_dma semaphore(%arg12 : memref<!tpu.dma_semaphore, #tpu.memory_space<semaphore_mem>>) src(%dma_wait3A_21 : memref<10240x128xf32, #tpu.memory_space<hbm>>) dst(%arg9 : memref<80x128xf32, #tpu.memory_space<vmem>>)
    %run_scoped3A = arith.constant 124 : i32
    "tpu.region"() ({
      %run_scoped3A_27 = tpu.sem_alloc : memref<!tpu.dma_semaphore, #tpu.memory_space<semaphore_mem>>
      %dma_start3A_28 = arith.constant 0 : i32
      %dma_start3A_29 = tpu.memref_slice %arg8[%run_scoped3A, %dma_start3A_28] : memref<128x80xi32, #tpu.memory_space<vmem>> -> memref<1x80xi32, #tpu.memory_space<vmem>>
      %dma_start3A_30 = tpu.memref_squeeze %dma_start3A_29 : memref<1x80xi32, #tpu.memory_space<vmem>> -> memref<80xi32, #tpu.memory_space<vmem>>
      %dma_start3A_31 = arith.constant 0 : i32
      %dma_start3A_32 = arith.constant 0 : i32
      %dma_start3A_33 = tpu.memref_slice %arg11[%dma_start3A_31, %dma_start3A_32] : memref<10240x128xf32, #tpu.memory_space<vmem_shared>> -> memref<10240x128xf32, #tpu.memory_space<vmem_shared>>
      tpu.enqueue_indirect_dma source(%arg9 : memref<80x128xf32, #tpu.memory_space<vmem>>) target(%dma_start3A_33 : memref<10240x128xf32, #tpu.memory_space<vmem_shared>>) offsets(%dma_start3A_30 : memref<80xi32, #tpu.memory_space<vmem>>) semaphore(%run_scoped3A_27 : memref<!tpu.dma_semaphore, #tpu.memory_space<semaphore_mem>>) {add = true}
      %dma_wait3A_34 = arith.constant 0 : i32
      %dma_wait3A_35 = tpu.memref_slice %arg8[%run_scoped3A, %dma_wait3A_34] : memref<128x80xi32, #tpu.memory_space<vmem>> -> memref<1x80xi32, #tpu.memory_space<vmem>>
      %dma_wait3A_36 = tpu.memref_squeeze %dma_wait3A_35 : memref<1x80xi32, #tpu.memory_space<vmem>> -> memref<80xi32, #tpu.memory_space<vmem>>
      %dma_wait3A_37 = arith.constant 0 : i32
      %dma_wait3A_38 = arith.constant 0 : i32
      %dma_wait3A_39 = tpu.memref_slice %arg11[%dma_wait3A_37, %dma_wait3A_38] : memref<10240x128xf32, #tpu.memory_space<vmem_shared>> -> memref<10240x128xf32, #tpu.memory_space<vmem_shared>>
      tpu.wait_indirect_dma semaphore(%run_scoped3A_27 : memref<!tpu.dma_semaphore, #tpu.memory_space<semaphore_mem>>) src(%arg9 : memref<80x128xf32, #tpu.memory_space<vmem>>) dst(%dma_wait3A_39 : memref<10240x128xf32, #tpu.memory_space<vmem_shared>>)
      tpu.yield
    }) : () -> ()
    %barrier3A_22 = arith.constant 0 : index
    tpu.barrier barrier_id(%barrier3A_22)
    %mul3A_23 = arith.constant 640 : i32
    %mul3A_24 = arith.muli %arg1, %mul3A_23 : i32
    %mul3A_25 = arith.constant 640 : i32
    %mul3A_26 = arith.muli %arg1, %mul3A_25 : i32
    "tpu.region"() ({
      %run_scoped3A_27 = tpu.sem_alloc : memref<!tpu.dma_semaphore, #tpu.memory_space<semaphore_mem>>
      %dma_start3A_28 = arith.constant 0 : i32
      %dma_start3A_29 = tpu.memref_slice %arg6[%arg0, %mul3A_26, %dma_start3A_28] : memref<2x10240x128xf32, #tpu.memory_space<hbm>> -> memref<1x640x128xf32, #tpu.memory_space<hbm>>
      %dma_start3A_30 = tpu.memref_squeeze %dma_start3A_29 : memref<1x640x128xf32, #tpu.memory_space<hbm>> -> memref<640x128xf32, #tpu.memory_space<hbm>>
      %dma_start3A_31 = arith.constant 0 : i32
      %dma_start3A_32 = tpu.memref_slice %arg11[%mul3A_24, %dma_start3A_31] : memref<10240x128xf32, #tpu.memory_space<vmem_shared>> -> memref<640x128xf32, #tpu.memory_space<vmem_shared>>
      tpu.enqueue_dma source(%dma_start3A_32 : memref<640x128xf32, #tpu.memory_space<vmem_shared>>) target(%dma_start3A_30 : memref<640x128xf32, #tpu.memory_space<hbm>>) target_semaphore(%run_scoped3A_27 : memref<!tpu.dma_semaphore, #tpu.memory_space<semaphore_mem>>)
      %dma_wait3A_33 = arith.constant 0 : i32
      %dma_wait3A_34 = tpu.memref_slice %arg6[%arg0, %mul3A_26, %dma_wait3A_33] : memref<2x10240x128xf32, #tpu.memory_space<hbm>> -> memref<1x640x128xf32, #tpu.memory_space<hbm>>
      %dma_wait3A_35 = tpu.memref_squeeze %dma_wait3A_34 : memref<1x640x128xf32, #tpu.memory_space<hbm>> -> memref<640x128xf32, #tpu.memory_space<hbm>>
      %dma_wait3A_36 = arith.constant 0 : i32
      %dma_wait3A_37 = tpu.memref_slice %arg11[%mul3A_24, %dma_wait3A_36] : memref<10240x128xf32, #tpu.memory_space<vmem_shared>> -> memref<640x128xf32, #tpu.memory_space<vmem_shared>>
      tpu.wait_dma2 semaphore(%run_scoped3A_27 : memref<!tpu.dma_semaphore, #tpu.memory_space<semaphore_mem>>) src(%dma_wait3A_37 : memref<640x128xf32, #tpu.memory_space<vmem_shared>>) dst(%dma_wait3A_35 : memref<640x128xf32, #tpu.memory_space<hbm>>)
      tpu.yield
    }) : () -> ()
    return
  }
}

#map = affine_map<(d0, d1) -> (0, 0)>
#map1 = affine_map<(d0, d1) -> (0, 0, 0)>
module attributes {stable_mosaic.version = 14 : i64} {
  func.func @edge_pass(%arg0: i32, %arg1: i32, %arg2: memref<80x128xf32, #tpu.memory_space<hbm>>, %arg3: memref<32x10000xi32, #tpu.memory_space<hbm>>, %arg4: memref<32x125x80xi32, #tpu.memory_space<hbm>>, %arg5: memref<640x128xf32, #tpu.memory_space<hbm>>, %arg6: memref<2x10240x128xf32, #tpu.memory_space<hbm>>, %arg7: memref<10000xi32, #tpu.memory_space<vmem>>, %arg8: memref<128x80xi32, #tpu.memory_space<vmem>>, %arg9: memref<80x128xf32, #tpu.memory_space<vmem>>, %arg10: memref<80x128xf32, #tpu.memory_space<vmem>>, %arg11: memref<10240x128xf32, #tpu.memory_space<vmem_shared>>, %arg12: memref<!tpu.dma_semaphore, #tpu.memory_space<semaphore_mem>>, %arg13: memref<!tpu.dma_semaphore, #tpu.memory_space<semaphore_mem>>) attributes {dimension_semantics = [#tpu.dimension_semantics<core_parallel>, #tpu.dimension_semantics<subcore_parallel>], iteration_bounds = array<i64: 2, 16>, scalar_prefetch = 0 : i64, scratch_operands = 7 : i64, tpu.core_type = #tpu.core_type<sc_vector_subcore>, window_params = [{transform_indices = #map}, {transform_indices = #map}, {transform_indices = #map1}, {transform_indices = #map}, {transform_indices = #map1}]} {
    %mul3A = arith.constant 2 : i32
    %mul3A_0 = arith.muli %arg1, %mul3A : i32
    %add3A = arith.addi %mul3A_0, %arg0 : i32
    %mul3A_1 = arith.constant 640 : i32
    %mul3A_2 = arith.muli %arg1, %mul3A_1 : i32
    "tpu.region"() ({
      %run_scoped3A = tpu.sem_alloc : memref<!tpu.dma_semaphore, #tpu.memory_space<semaphore_mem>>
      %dma_start3A = arith.constant 0 : i32
      %dma_start3A_13 = tpu.memref_slice %arg11[%mul3A_2, %dma_start3A] : memref<10240x128xf32, #tpu.memory_space<vmem_shared>> -> memref<640x128xf32, #tpu.memory_space<vmem_shared>>
      tpu.enqueue_dma source(%arg5 : memref<640x128xf32, #tpu.memory_space<hbm>>) target(%dma_start3A_13 : memref<640x128xf32, #tpu.memory_space<vmem_shared>>) target_semaphore(%run_scoped3A : memref<!tpu.dma_semaphore, #tpu.memory_space<semaphore_mem>>)
      %dma_wait3A = arith.constant 0 : i32
      %dma_wait3A_14 = tpu.memref_slice %arg11[%mul3A_2, %dma_wait3A] : memref<10240x128xf32, #tpu.memory_space<vmem_shared>> -> memref<640x128xf32, #tpu.memory_space<vmem_shared>>
      tpu.wait_dma2 semaphore(%run_scoped3A : memref<!tpu.dma_semaphore, #tpu.memory_space<semaphore_mem>>) src(%arg5 : memref<640x128xf32, #tpu.memory_space<hbm>>) dst(%dma_wait3A_14 : memref<640x128xf32, #tpu.memory_space<vmem_shared>>)
      tpu.yield
    }) : () -> ()
    "tpu.region"() ({
      %run_scoped3A = tpu.sem_alloc : memref<!tpu.dma_semaphore, #tpu.memory_space<semaphore_mem>>
      %dma_start3A = arith.constant 0 : i32
      %dma_start3A_13 = tpu.memref_slice %arg3[%add3A, %dma_start3A] : memref<32x10000xi32, #tpu.memory_space<hbm>> -> memref<1x10000xi32, #tpu.memory_space<hbm>>
      %dma_start3A_14 = tpu.memref_squeeze %dma_start3A_13 : memref<1x10000xi32, #tpu.memory_space<hbm>> -> memref<10000xi32, #tpu.memory_space<hbm>>
      %dma_start3A_15 = arith.constant 0 : i32
      %dma_start3A_16 = tpu.memref_slice %arg3[%add3A, %dma_start3A_15] : memref<32x10000xi32, #tpu.memory_space<hbm>> -> memref<1x10000xi32, #tpu.memory_space<hbm>>
      %dma_start3A_17 = tpu.memref_squeeze %dma_start3A_16 : memref<1x10000xi32, #tpu.memory_space<hbm>> -> memref<10000xi32, #tpu.memory_space<hbm>>
      tpu.enqueue_dma source(%dma_start3A_17 : memref<10000xi32, #tpu.memory_space<hbm>>) target(%arg7 : memref<10000xi32, #tpu.memory_space<vmem>>) target_semaphore(%run_scoped3A : memref<!tpu.dma_semaphore, #tpu.memory_space<semaphore_mem>>)
      %dma_wait3A = arith.constant 0 : i32
      %dma_wait3A_18 = tpu.memref_slice %arg3[%add3A, %dma_wait3A] : memref<32x10000xi32, #tpu.memory_space<hbm>> -> memref<1x10000xi32, #tpu.memory_space<hbm>>
      %dma_wait3A_19 = tpu.memref_squeeze %dma_wait3A_18 : memref<1x10000xi32, #tpu.memory_space<hbm>> -> memref<10000xi32, #tpu.memory_space<hbm>>
      %dma_wait3A_20 = arith.constant 0 : i32
      %dma_wait3A_21 = tpu.memref_slice %arg3[%add3A, %dma_wait3A_20] : memref<32x10000xi32, #tpu.memory_space<hbm>> -> memref<1x10000xi32, #tpu.memory_space<hbm>>
      %dma_wait3A_22 = tpu.memref_squeeze %dma_wait3A_21 : memref<1x10000xi32, #tpu.memory_space<hbm>> -> memref<10000xi32, #tpu.memory_space<hbm>>
      tpu.wait_dma2 semaphore(%run_scoped3A : memref<!tpu.dma_semaphore, #tpu.memory_space<semaphore_mem>>) src(%dma_wait3A_22 : memref<10000xi32, #tpu.memory_space<hbm>>) dst(%arg7 : memref<10000xi32, #tpu.memory_space<vmem>>)
      tpu.yield
    }) : () -> ()
    "tpu.region"() ({
      %run_scoped3A = tpu.sem_alloc : memref<!tpu.dma_semaphore, #tpu.memory_space<semaphore_mem>>
      %dma_start3A = arith.constant 0 : i32
      %dma_start3A_13 = arith.constant 0 : i32
      %dma_start3A_14 = tpu.memref_slice %arg8[%dma_start3A, %dma_start3A_13] : memref<128x80xi32, #tpu.memory_space<vmem>> -> memref<125x80xi32, #tpu.memory_space<vmem>>
      %dma_start3A_15 = arith.constant 0 : i32
      %dma_start3A_16 = arith.constant 0 : i32
      %dma_start3A_17 = tpu.memref_slice %arg4[%add3A, %dma_start3A_15, %dma_start3A_16] : memref<32x125x80xi32, #tpu.memory_space<hbm>> -> memref<1x125x80xi32, #tpu.memory_space<hbm>>
      %dma_start3A_18 = tpu.memref_squeeze %dma_start3A_17 : memref<1x125x80xi32, #tpu.memory_space<hbm>> -> memref<125x80xi32, #tpu.memory_space<hbm>>
      %dma_start3A_19 = arith.constant 0 : i32
      %dma_start3A_20 = arith.constant 0 : i32
      %dma_start3A_21 = tpu.memref_slice %arg8[%dma_start3A_19, %dma_start3A_20] : memref<128x80xi32, #tpu.memory_space<vmem>> -> memref<125x80xi32, #tpu.memory_space<vmem>>
      %dma_start3A_22 = arith.constant 0 : i32
      %dma_start3A_23 = arith.constant 0 : i32
      %dma_start3A_24 = tpu.memref_slice %arg4[%add3A, %dma_start3A_22, %dma_start3A_23] : memref<32x125x80xi32, #tpu.memory_space<hbm>> -> memref<1x125x80xi32, #tpu.memory_space<hbm>>
      %dma_start3A_25 = tpu.memref_squeeze %dma_start3A_24 : memref<1x125x80xi32, #tpu.memory_space<hbm>> -> memref<125x80xi32, #tpu.memory_space<hbm>>
      tpu.enqueue_dma source(%dma_start3A_25 : memref<125x80xi32, #tpu.memory_space<hbm>>) target(%dma_start3A_21 : memref<125x80xi32, #tpu.memory_space<vmem>>) target_semaphore(%run_scoped3A : memref<!tpu.dma_semaphore, #tpu.memory_space<semaphore_mem>>)
      %dma_wait3A = arith.constant 0 : i32
      %dma_wait3A_26 = arith.constant 0 : i32
      %dma_wait3A_27 = tpu.memref_slice %arg8[%dma_wait3A, %dma_wait3A_26] : memref<128x80xi32, #tpu.memory_space<vmem>> -> memref<125x80xi32, #tpu.memory_space<vmem>>
      %dma_wait3A_28 = arith.constant 0 : i32
      %dma_wait3A_29 = arith.constant 0 : i32
      %dma_wait3A_30 = tpu.memref_slice %arg4[%add3A, %dma_wait3A_28, %dma_wait3A_29] : memref<32x125x80xi32, #tpu.memory_space<hbm>> -> memref<1x125x80xi32, #tpu.memory_space<hbm>>
      %dma_wait3A_31 = tpu.memref_squeeze %dma_wait3A_30 : memref<1x125x80xi32, #tpu.memory_space<hbm>> -> memref<125x80xi32, #tpu.memory_space<hbm>>
      %dma_wait3A_32 = arith.constant 0 : i32
      %dma_wait3A_33 = arith.constant 0 : i32
      %dma_wait3A_34 = tpu.memref_slice %arg8[%dma_wait3A_32, %dma_wait3A_33] : memref<128x80xi32, #tpu.memory_space<vmem>> -> memref<125x80xi32, #tpu.memory_space<vmem>>
      %dma_wait3A_35 = arith.constant 0 : i32
      %dma_wait3A_36 = arith.constant 0 : i32
      %dma_wait3A_37 = tpu.memref_slice %arg4[%add3A, %dma_wait3A_35, %dma_wait3A_36] : memref<32x125x80xi32, #tpu.memory_space<hbm>> -> memref<1x125x80xi32, #tpu.memory_space<hbm>>
      %dma_wait3A_38 = tpu.memref_squeeze %dma_wait3A_37 : memref<1x125x80xi32, #tpu.memory_space<hbm>> -> memref<125x80xi32, #tpu.memory_space<hbm>>
      tpu.wait_dma2 semaphore(%run_scoped3A : memref<!tpu.dma_semaphore, #tpu.memory_space<semaphore_mem>>) src(%dma_wait3A_38 : memref<125x80xi32, #tpu.memory_space<hbm>>) dst(%dma_wait3A_34 : memref<125x80xi32, #tpu.memory_space<vmem>>)
      tpu.yield
    }) : () -> ()
    "tpu.region"() ({
      %run_scoped3A = tpu.sem_alloc : memref<!tpu.dma_semaphore, #tpu.memory_space<semaphore_mem>>
      tpu.enqueue_dma source(%arg2 : memref<80x128xf32, #tpu.memory_space<hbm>>) target(%arg9 : memref<80x128xf32, #tpu.memory_space<vmem>>) target_semaphore(%run_scoped3A : memref<!tpu.dma_semaphore, #tpu.memory_space<semaphore_mem>>)
      tpu.wait_dma2 semaphore(%run_scoped3A : memref<!tpu.dma_semaphore, #tpu.memory_space<semaphore_mem>>) src(%arg2 : memref<80x128xf32, #tpu.memory_space<hbm>>) dst(%arg9 : memref<80x128xf32, #tpu.memory_space<vmem>>)
      tpu.yield
    }) : () -> ()
    %barrier3A = arith.constant 0 : index
    tpu.barrier barrier_id(%barrier3A)
    %scan3A = arith.constant 0 : i32
    %scan3A_3 = arith.constant 0 : i32
    %scan3A_4 = arith.constant 125 : i32
    %scan3A_5 = arith.addi %scan3A_3, %scan3A_4 : i32
    %scan3A_6 = arith.constant 1 : i32
    scf.for %scan3A_13 = %scan3A_3 to %scan3A_5 step %scan3A_6  : i32 {
      "tpu.region"() ({
        %run_scoped3A = tpu.sem_alloc : memref<!tpu.dma_semaphore, #tpu.memory_space<semaphore_mem>>
        %dma_start3A = arith.constant 0 : i32
        %dma_start3A_14 = tpu.memref_slice %arg8[%scan3A_13, %dma_start3A] : memref<128x80xi32, #tpu.memory_space<vmem>> -> memref<1x80xi32, #tpu.memory_space<vmem>>
        %dma_start3A_15 = tpu.memref_squeeze %dma_start3A_14 : memref<1x80xi32, #tpu.memory_space<vmem>> -> memref<80xi32, #tpu.memory_space<vmem>>
        %dma_start3A_16 = arith.constant 0 : i32
        %dma_start3A_17 = arith.constant 0 : i32
        %dma_start3A_18 = tpu.memref_slice %arg11[%dma_start3A_16, %dma_start3A_17] : memref<10240x128xf32, #tpu.memory_space<vmem_shared>> -> memref<10240x128xf32, #tpu.memory_space<vmem_shared>>
        tpu.enqueue_indirect_dma source(%arg9 : memref<80x128xf32, #tpu.memory_space<vmem>>) target(%dma_start3A_18 : memref<10240x128xf32, #tpu.memory_space<vmem_shared>>) offsets(%dma_start3A_15 : memref<80xi32, #tpu.memory_space<vmem>>) semaphore(%run_scoped3A : memref<!tpu.dma_semaphore, #tpu.memory_space<semaphore_mem>>) {add = true}
        %dma_wait3A = arith.constant 0 : i32
        %dma_wait3A_19 = tpu.memref_slice %arg8[%scan3A_13, %dma_wait3A] : memref<128x80xi32, #tpu.memory_space<vmem>> -> memref<1x80xi32, #tpu.memory_space<vmem>>
        %dma_wait3A_20 = tpu.memref_squeeze %dma_wait3A_19 : memref<1x80xi32, #tpu.memory_space<vmem>> -> memref<80xi32, #tpu.memory_space<vmem>>
        %dma_wait3A_21 = arith.constant 0 : i32
        %dma_wait3A_22 = arith.constant 0 : i32
        %dma_wait3A_23 = tpu.memref_slice %arg11[%dma_wait3A_21, %dma_wait3A_22] : memref<10240x128xf32, #tpu.memory_space<vmem_shared>> -> memref<10240x128xf32, #tpu.memory_space<vmem_shared>>
        tpu.wait_indirect_dma semaphore(%run_scoped3A : memref<!tpu.dma_semaphore, #tpu.memory_space<semaphore_mem>>) src(%arg9 : memref<80x128xf32, #tpu.memory_space<vmem>>) dst(%dma_wait3A_23 : memref<10240x128xf32, #tpu.memory_space<vmem_shared>>)
        tpu.yield
      }) : () -> ()
    }
    %scan3A_7 = arith.constant 125 : i32
    %barrier3A_8 = arith.constant 0 : index
    tpu.barrier barrier_id(%barrier3A_8)
    %mul3A_9 = arith.constant 640 : i32
    %mul3A_10 = arith.muli %arg1, %mul3A_9 : i32
    %mul3A_11 = arith.constant 640 : i32
    %mul3A_12 = arith.muli %arg1, %mul3A_11 : i32
    "tpu.region"() ({
      %run_scoped3A = tpu.sem_alloc : memref<!tpu.dma_semaphore, #tpu.memory_space<semaphore_mem>>
      %dma_start3A = arith.constant 0 : i32
      %dma_start3A_13 = tpu.memref_slice %arg6[%arg0, %mul3A_12, %dma_start3A] : memref<2x10240x128xf32, #tpu.memory_space<hbm>> -> memref<1x640x128xf32, #tpu.memory_space<hbm>>
      %dma_start3A_14 = tpu.memref_squeeze %dma_start3A_13 : memref<1x640x128xf32, #tpu.memory_space<hbm>> -> memref<640x128xf32, #tpu.memory_space<hbm>>
      %dma_start3A_15 = arith.constant 0 : i32
      %dma_start3A_16 = tpu.memref_slice %arg11[%mul3A_10, %dma_start3A_15] : memref<10240x128xf32, #tpu.memory_space<vmem_shared>> -> memref<640x128xf32, #tpu.memory_space<vmem_shared>>
      tpu.enqueue_dma source(%dma_start3A_16 : memref<640x128xf32, #tpu.memory_space<vmem_shared>>) target(%dma_start3A_14 : memref<640x128xf32, #tpu.memory_space<hbm>>) target_semaphore(%run_scoped3A : memref<!tpu.dma_semaphore, #tpu.memory_space<semaphore_mem>>)
      %dma_wait3A = arith.constant 0 : i32
      %dma_wait3A_17 = tpu.memref_slice %arg6[%arg0, %mul3A_12, %dma_wait3A] : memref<2x10240x128xf32, #tpu.memory_space<hbm>> -> memref<1x640x128xf32, #tpu.memory_space<hbm>>
      %dma_wait3A_18 = tpu.memref_squeeze %dma_wait3A_17 : memref<1x640x128xf32, #tpu.memory_space<hbm>> -> memref<640x128xf32, #tpu.memory_space<hbm>>
      %dma_wait3A_19 = arith.constant 0 : i32
      %dma_wait3A_20 = tpu.memref_slice %arg11[%mul3A_10, %dma_wait3A_19] : memref<10240x128xf32, #tpu.memory_space<vmem_shared>> -> memref<640x128xf32, #tpu.memory_space<vmem_shared>>
      tpu.wait_dma2 semaphore(%run_scoped3A : memref<!tpu.dma_semaphore, #tpu.memory_space<semaphore_mem>>) src(%dma_wait3A_20 : memref<640x128xf32, #tpu.memory_space<vmem_shared>>) dst(%dma_wait3A_18 : memref<640x128xf32, #tpu.memory_space<hbm>>)
      tpu.yield
    }) : () -> ()
    return
  }
}

#map = affine_map<(d0, d1) -> (0, 0)>
#map1 = affine_map<(d0, d1) -> (0, 0, 0)>
module attributes {stable_mosaic.version = 14 : i64} {
  func.func @edge_pass(%arg0: i32, %arg1: i32, %arg2: memref<10240x128xf32, #tpu.memory_space<hbm>>, %arg3: memref<32x10000xi32, #tpu.memory_space<hbm>>, %arg4: memref<32x125x80xi32, #tpu.memory_space<hbm>>, %arg5: memref<640x128xf32, #tpu.memory_space<hbm>>, %arg6: memref<2x10240x128xf32, #tpu.memory_space<hbm>>, %arg7: memref<10000xi32, #tpu.memory_space<vmem>>, %arg8: memref<128x80xi32, #tpu.memory_space<vmem>>, %arg9: memref<80x128xf32, #tpu.memory_space<vmem>>, %arg10: memref<80x128xf32, #tpu.memory_space<vmem>>, %arg11: memref<10240x128xf32, #tpu.memory_space<vmem_shared>>, %arg12: memref<!tpu.dma_semaphore, #tpu.memory_space<semaphore_mem>>, %arg13: memref<!tpu.dma_semaphore, #tpu.memory_space<semaphore_mem>>) attributes {dimension_semantics = [#tpu.dimension_semantics<core_parallel>, #tpu.dimension_semantics<subcore_parallel>], iteration_bounds = array<i64: 2, 16>, scalar_prefetch = 0 : i64, scratch_operands = 7 : i64, tpu.core_type = #tpu.core_type<sc_vector_subcore>, window_params = [{transform_indices = #map}, {transform_indices = #map}, {transform_indices = #map1}, {transform_indices = #map}, {transform_indices = #map1}]} {
    %mul3A = arith.constant 2 : i32
    %mul3A_0 = arith.muli %arg1, %mul3A : i32
    %add3A = arith.addi %mul3A_0, %arg0 : i32
    %mul3A_1 = arith.constant 640 : i32
    %mul3A_2 = arith.muli %arg1, %mul3A_1 : i32
    "tpu.region"() ({
      %run_scoped3A_27 = tpu.sem_alloc : memref<!tpu.dma_semaphore, #tpu.memory_space<semaphore_mem>>
      %dma_start3A_28 = arith.constant 0 : i32
      %dma_start3A_29 = tpu.memref_slice %arg11[%mul3A_2, %dma_start3A_28] : memref<10240x128xf32, #tpu.memory_space<vmem_shared>> -> memref<640x128xf32, #tpu.memory_space<vmem_shared>>
      tpu.enqueue_dma source(%arg5 : memref<640x128xf32, #tpu.memory_space<hbm>>) target(%dma_start3A_29 : memref<640x128xf32, #tpu.memory_space<vmem_shared>>) target_semaphore(%run_scoped3A_27 : memref<!tpu.dma_semaphore, #tpu.memory_space<semaphore_mem>>)
      %dma_wait3A_30 = arith.constant 0 : i32
      %dma_wait3A_31 = tpu.memref_slice %arg11[%mul3A_2, %dma_wait3A_30] : memref<10240x128xf32, #tpu.memory_space<vmem_shared>> -> memref<640x128xf32, #tpu.memory_space<vmem_shared>>
      tpu.wait_dma2 semaphore(%run_scoped3A_27 : memref<!tpu.dma_semaphore, #tpu.memory_space<semaphore_mem>>) src(%arg5 : memref<640x128xf32, #tpu.memory_space<hbm>>) dst(%dma_wait3A_31 : memref<640x128xf32, #tpu.memory_space<vmem_shared>>)
      tpu.yield
    }) : () -> ()
    "tpu.region"() ({
      %run_scoped3A_27 = tpu.sem_alloc : memref<!tpu.dma_semaphore, #tpu.memory_space<semaphore_mem>>
      %dma_start3A_28 = arith.constant 0 : i32
      %dma_start3A_29 = tpu.memref_slice %arg3[%add3A, %dma_start3A_28] : memref<32x10000xi32, #tpu.memory_space<hbm>> -> memref<1x10000xi32, #tpu.memory_space<hbm>>
      %dma_start3A_30 = tpu.memref_squeeze %dma_start3A_29 : memref<1x10000xi32, #tpu.memory_space<hbm>> -> memref<10000xi32, #tpu.memory_space<hbm>>
      %dma_start3A_31 = arith.constant 0 : i32
      %dma_start3A_32 = tpu.memref_slice %arg3[%add3A, %dma_start3A_31] : memref<32x10000xi32, #tpu.memory_space<hbm>> -> memref<1x10000xi32, #tpu.memory_space<hbm>>
      %dma_start3A_33 = tpu.memref_squeeze %dma_start3A_32 : memref<1x10000xi32, #tpu.memory_space<hbm>> -> memref<10000xi32, #tpu.memory_space<hbm>>
      tpu.enqueue_dma source(%dma_start3A_33 : memref<10000xi32, #tpu.memory_space<hbm>>) target(%arg7 : memref<10000xi32, #tpu.memory_space<vmem>>) target_semaphore(%run_scoped3A_27 : memref<!tpu.dma_semaphore, #tpu.memory_space<semaphore_mem>>)
      %dma_wait3A_34 = arith.constant 0 : i32
      %dma_wait3A_35 = tpu.memref_slice %arg3[%add3A, %dma_wait3A_34] : memref<32x10000xi32, #tpu.memory_space<hbm>> -> memref<1x10000xi32, #tpu.memory_space<hbm>>
      %dma_wait3A_36 = tpu.memref_squeeze %dma_wait3A_35 : memref<1x10000xi32, #tpu.memory_space<hbm>> -> memref<10000xi32, #tpu.memory_space<hbm>>
      %dma_wait3A_37 = arith.constant 0 : i32
      %dma_wait3A_38 = tpu.memref_slice %arg3[%add3A, %dma_wait3A_37] : memref<32x10000xi32, #tpu.memory_space<hbm>> -> memref<1x10000xi32, #tpu.memory_space<hbm>>
      %dma_wait3A_39 = tpu.memref_squeeze %dma_wait3A_38 : memref<1x10000xi32, #tpu.memory_space<hbm>> -> memref<10000xi32, #tpu.memory_space<hbm>>
      tpu.wait_dma2 semaphore(%run_scoped3A_27 : memref<!tpu.dma_semaphore, #tpu.memory_space<semaphore_mem>>) src(%dma_wait3A_39 : memref<10000xi32, #tpu.memory_space<hbm>>) dst(%arg7 : memref<10000xi32, #tpu.memory_space<vmem>>)
      tpu.yield
    }) : () -> ()
    "tpu.region"() ({
      %run_scoped3A_27 = tpu.sem_alloc : memref<!tpu.dma_semaphore, #tpu.memory_space<semaphore_mem>>
      %dma_start3A_28 = arith.constant 0 : i32
      %dma_start3A_29 = arith.constant 0 : i32
      %dma_start3A_30 = tpu.memref_slice %arg8[%dma_start3A_28, %dma_start3A_29] : memref<128x80xi32, #tpu.memory_space<vmem>> -> memref<125x80xi32, #tpu.memory_space<vmem>>
      %dma_start3A_31 = arith.constant 0 : i32
      %dma_start3A_32 = arith.constant 0 : i32
      %dma_start3A_33 = tpu.memref_slice %arg4[%add3A, %dma_start3A_31, %dma_start3A_32] : memref<32x125x80xi32, #tpu.memory_space<hbm>> -> memref<1x125x80xi32, #tpu.memory_space<hbm>>
      %dma_start3A_34 = tpu.memref_squeeze %dma_start3A_33 : memref<1x125x80xi32, #tpu.memory_space<hbm>> -> memref<125x80xi32, #tpu.memory_space<hbm>>
      %dma_start3A_35 = arith.constant 0 : i32
      %dma_start3A_36 = arith.constant 0 : i32
      %dma_start3A_37 = tpu.memref_slice %arg8[%dma_start3A_35, %dma_start3A_36] : memref<128x80xi32, #tpu.memory_space<vmem>> -> memref<125x80xi32, #tpu.memory_space<vmem>>
      %dma_start3A_38 = arith.constant 0 : i32
      %dma_start3A_39 = arith.constant 0 : i32
      %dma_start3A_40 = tpu.memref_slice %arg4[%add3A, %dma_start3A_38, %dma_start3A_39] : memref<32x125x80xi32, #tpu.memory_space<hbm>> -> memref<1x125x80xi32, #tpu.memory_space<hbm>>
      %dma_start3A_41 = tpu.memref_squeeze %dma_start3A_40 : memref<1x125x80xi32, #tpu.memory_space<hbm>> -> memref<125x80xi32, #tpu.memory_space<hbm>>
      tpu.enqueue_dma source(%dma_start3A_41 : memref<125x80xi32, #tpu.memory_space<hbm>>) target(%dma_start3A_37 : memref<125x80xi32, #tpu.memory_space<vmem>>) target_semaphore(%run_scoped3A_27 : memref<!tpu.dma_semaphore, #tpu.memory_space<semaphore_mem>>)
      %dma_wait3A_42 = arith.constant 0 : i32
      %dma_wait3A_43 = arith.constant 0 : i32
      %dma_wait3A_44 = tpu.memref_slice %arg8[%dma_wait3A_42, %dma_wait3A_43] : memref<128x80xi32, #tpu.memory_space<vmem>> -> memref<125x80xi32, #tpu.memory_space<vmem>>
      %dma_wait3A_45 = arith.constant 0 : i32
      %dma_wait3A_46 = arith.constant 0 : i32
      %dma_wait3A_47 = tpu.memref_slice %arg4[%add3A, %dma_wait3A_45, %dma_wait3A_46] : memref<32x125x80xi32, #tpu.memory_space<hbm>> -> memref<1x125x80xi32, #tpu.memory_space<hbm>>
      %dma_wait3A_48 = tpu.memref_squeeze %dma_wait3A_47 : memref<1x125x80xi32, #tpu.memory_space<hbm>> -> memref<125x80xi32, #tpu.memory_space<hbm>>
      %dma_wait3A_49 = arith.constant 0 : i32
      %dma_wait3A_50 = arith.constant 0 : i32
      %dma_wait3A_51 = tpu.memref_slice %arg8[%dma_wait3A_49, %dma_wait3A_50] : memref<128x80xi32, #tpu.memory_space<vmem>> -> memref<125x80xi32, #tpu.memory_space<vmem>>
      %dma_wait3A_52 = arith.constant 0 : i32
      %dma_wait3A_53 = arith.constant 0 : i32
      %dma_wait3A_54 = tpu.memref_slice %arg4[%add3A, %dma_wait3A_52, %dma_wait3A_53] : memref<32x125x80xi32, #tpu.memory_space<hbm>> -> memref<1x125x80xi32, #tpu.memory_space<hbm>>
      %dma_wait3A_55 = tpu.memref_squeeze %dma_wait3A_54 : memref<1x125x80xi32, #tpu.memory_space<hbm>> -> memref<125x80xi32, #tpu.memory_space<hbm>>
      tpu.wait_dma2 semaphore(%run_scoped3A_27 : memref<!tpu.dma_semaphore, #tpu.memory_space<semaphore_mem>>) src(%dma_wait3A_55 : memref<125x80xi32, #tpu.memory_space<hbm>>) dst(%dma_wait3A_51 : memref<125x80xi32, #tpu.memory_space<vmem>>)
      tpu.yield
    }) : () -> ()
    %barrier3A = arith.constant 0 : index
    tpu.barrier barrier_id(%barrier3A)
    %multiple_of3A = arith.constant 0 : i32
    %multiple_of3A_3 = tpu.assume_multiple %multiple_of3A, 80 : i32
    %dma_start3A = tpu.memref_slice %arg7[%multiple_of3A_3] : memref<10000xi32, #tpu.memory_space<vmem>> -> memref<80xi32, #tpu.memory_space<vmem>>
    %dma_start3A_4 = arith.constant 0 : i32
    %dma_start3A_5 = arith.constant 0 : i32
    %dma_start3A_6 = tpu.memref_slice %arg2[%dma_start3A_4, %dma_start3A_5] : memref<10240x128xf32, #tpu.memory_space<hbm>> -> memref<10240x128xf32, #tpu.memory_space<hbm>>
    tpu.enqueue_indirect_dma source(%dma_start3A_6 : memref<10240x128xf32, #tpu.memory_space<hbm>>) target(%arg9 : memref<80x128xf32, #tpu.memory_space<vmem>>) offsets(%dma_start3A : memref<80xi32, #tpu.memory_space<vmem>>) semaphore(%arg12 : memref<!tpu.dma_semaphore, #tpu.memory_space<semaphore_mem>>)
    %multiple_of3A_7 = arith.constant 80 : i32
    %multiple_of3A_8 = tpu.assume_multiple %multiple_of3A_7, 80 : i32
    %dma_start3A_9 = tpu.memref_slice %arg7[%multiple_of3A_8] : memref<10000xi32, #tpu.memory_space<vmem>> -> memref<80xi32, #tpu.memory_space<vmem>>
    %dma_start3A_10 = arith.constant 0 : i32
    %dma_start3A_11 = arith.constant 0 : i32
    %dma_start3A_12 = tpu.memref_slice %arg2[%dma_start3A_10, %dma_start3A_11] : memref<10240x128xf32, #tpu.memory_space<hbm>> -> memref<10240x128xf32, #tpu.memory_space<hbm>>
    tpu.enqueue_indirect_dma source(%dma_start3A_12 : memref<10240x128xf32, #tpu.memory_space<hbm>>) target(%arg10 : memref<80x128xf32, #tpu.memory_space<vmem>>) offsets(%dma_start3A_9 : memref<80xi32, #tpu.memory_space<vmem>>) semaphore(%arg13 : memref<!tpu.dma_semaphore, #tpu.memory_space<semaphore_mem>>)
    %scan3A = arith.constant 0 : i32
    %scan3A_13 = arith.constant 0 : i32
    %scan3A_14 = arith.constant 62 : i32
    %scan3A_15 = arith.addi %scan3A_13, %scan3A_14 : i32
    %scan3A_16 = arith.constant 1 : i32
    scf.for %scan3A_27 = %scan3A_13 to %scan3A_15 step %scan3A_16  : i32 {
      %mul3A_28 = arith.constant 2 : i32
      %mul3A_29 = arith.muli %mul3A_28, %scan3A_27 : i32
      %add3A_30 = arith.constant 0 : i32
      %add3A_31 = arith.addi %mul3A_29, %add3A_30 : i32
      %dma_wait3A_32 = arith.constant 0 : i32
      %dma_wait3A_33 = tpu.memref_slice %arg7[%dma_wait3A_32] : memref<10000xi32, #tpu.memory_space<vmem>> -> memref<80xi32, #tpu.memory_space<vmem>>
      %dma_wait3A_34 = arith.constant 0 : i32
      %dma_wait3A_35 = arith.constant 0 : i32
      %dma_wait3A_36 = tpu.memref_slice %arg2[%dma_wait3A_34, %dma_wait3A_35] : memref<10240x128xf32, #tpu.memory_space<hbm>> -> memref<10240x128xf32, #tpu.memory_space<hbm>>
      tpu.wait_indirect_dma semaphore(%arg12 : memref<!tpu.dma_semaphore, #tpu.memory_space<semaphore_mem>>) src(%dma_wait3A_36 : memref<10240x128xf32, #tpu.memory_space<hbm>>) dst(%arg9 : memref<80x128xf32, #tpu.memory_space<vmem>>)
      "tpu.region"() ({
        %run_scoped3A_57 = tpu.sem_alloc : memref<!tpu.dma_semaphore, #tpu.memory_space<semaphore_mem>>
        %dma_start3A_58 = arith.constant 0 : i32
        %dma_start3A_59 = tpu.memref_slice %arg8[%add3A_31, %dma_start3A_58] : memref<128x80xi32, #tpu.memory_space<vmem>> -> memref<1x80xi32, #tpu.memory_space<vmem>>
        %dma_start3A_60 = tpu.memref_squeeze %dma_start3A_59 : memref<1x80xi32, #tpu.memory_space<vmem>> -> memref<80xi32, #tpu.memory_space<vmem>>
        %dma_start3A_61 = arith.constant 0 : i32
        %dma_start3A_62 = arith.constant 0 : i32
        %dma_start3A_63 = tpu.memref_slice %arg11[%dma_start3A_61, %dma_start3A_62] : memref<10240x128xf32, #tpu.memory_space<vmem_shared>> -> memref<10240x128xf32, #tpu.memory_space<vmem_shared>>
        tpu.enqueue_indirect_dma source(%arg9 : memref<80x128xf32, #tpu.memory_space<vmem>>) target(%dma_start3A_63 : memref<10240x128xf32, #tpu.memory_space<vmem_shared>>) offsets(%dma_start3A_60 : memref<80xi32, #tpu.memory_space<vmem>>) semaphore(%run_scoped3A_57 : memref<!tpu.dma_semaphore, #tpu.memory_space<semaphore_mem>>) {add = true}
        %dma_wait3A_64 = arith.constant 0 : i32
        %dma_wait3A_65 = tpu.memref_slice %arg8[%add3A_31, %dma_wait3A_64] : memref<128x80xi32, #tpu.memory_space<vmem>> -> memref<1x80xi32, #tpu.memory_space<vmem>>
        %dma_wait3A_66 = tpu.memref_squeeze %dma_wait3A_65 : memref<1x80xi32, #tpu.memory_space<vmem>> -> memref<80xi32, #tpu.memory_space<vmem>>
        %dma_wait3A_67 = arith.constant 0 : i32
        %dma_wait3A_68 = arith.constant 0 : i32
        %dma_wait3A_69 = tpu.memref_slice %arg11[%dma_wait3A_67, %dma_wait3A_68] : memref<10240x128xf32, #tpu.memory_space<vmem_shared>> -> memref<10240x128xf32, #tpu.memory_space<vmem_shared>>
        tpu.wait_indirect_dma semaphore(%run_scoped3A_57 : memref<!tpu.dma_semaphore, #tpu.memory_space<semaphore_mem>>) src(%arg9 : memref<80x128xf32, #tpu.memory_space<vmem>>) dst(%dma_wait3A_69 : memref<10240x128xf32, #tpu.memory_space<vmem_shared>>)
        tpu.yield
      }) : () -> ()
      %add3A_37 = arith.constant 2 : i32
      %add3A_38 = arith.addi %add3A_31, %add3A_37 : i32
      %mul3A_39 = arith.constant 80 : i32
      %mul3A_40 = arith.muli %add3A_38, %mul3A_39 : i32
      %multiple_of3A_41 = tpu.assume_multiple %mul3A_40, 80 : i32
      %dma_start3A_42 = tpu.memref_slice %arg7[%multiple_of3A_41] : memref<10000xi32, #tpu.memory_space<vmem>> -> memref<80xi32, #tpu.memory_space<vmem>>
      %dma_start3A_43 = arith.constant 0 : i32
      %dma_start3A_44 = arith.constant 0 : i32
      %dma_start3A_45 = tpu.memref_slice %arg2[%dma_start3A_43, %dma_start3A_44] : memref<10240x128xf32, #tpu.memory_space<hbm>> -> memref<10240x128xf32, #tpu.memory_space<hbm>>
      tpu.enqueue_indirect_dma source(%dma_start3A_45 : memref<10240x128xf32, #tpu.memory_space<hbm>>) target(%arg9 : memref<80x128xf32, #tpu.memory_space<vmem>>) offsets(%dma_start3A_42 : memref<80xi32, #tpu.memory_space<vmem>>) semaphore(%arg12 : memref<!tpu.dma_semaphore, #tpu.memory_space<semaphore_mem>>)
      %mul3A_46 = arith.constant 2 : i32
      %mul3A_47 = arith.muli %mul3A_46, %scan3A_27 : i32
      %add3A_48 = arith.constant 1 : i32
      %add3A_49 = arith.addi %mul3A_47, %add3A_48 : i32
      %dma_wait3A_50 = arith.constant 0 : i32
      %dma_wait3A_51 = tpu.memref_slice %arg7[%dma_wait3A_50] : memref<10000xi32, #tpu.memory_space<vmem>> -> memref<80xi32, #tpu.memory_space<vmem>>
      %dma_wait3A_52 = arith.constant 0 : i32
      %dma_wait3A_53 = arith.constant 0 : i32
      %dma_wait3A_54 = tpu.memref_slice %arg2[%dma_wait3A_52, %dma_wait3A_53] : memref<10240x128xf32, #tpu.memory_space<hbm>> -> memref<10240x128xf32, #tpu.memory_space<hbm>>
      tpu.wait_indirect_dma semaphore(%arg13 : memref<!tpu.dma_semaphore, #tpu.memory_space<semaphore_mem>>) src(%dma_wait3A_54 : memref<10240x128xf32, #tpu.memory_space<hbm>>) dst(%arg10 : memref<80x128xf32, #tpu.memory_space<vmem>>)
      "tpu.region"() ({
        %run_scoped3A_57 = tpu.sem_alloc : memref<!tpu.dma_semaphore, #tpu.memory_space<semaphore_mem>>
        %dma_start3A_58 = arith.constant 0 : i32
        %dma_start3A_59 = tpu.memref_slice %arg8[%add3A_49, %dma_start3A_58] : memref<128x80xi32, #tpu.memory_space<vmem>> -> memref<1x80xi32, #tpu.memory_space<vmem>>
        %dma_start3A_60 = tpu.memref_squeeze %dma_start3A_59 : memref<1x80xi32, #tpu.memory_space<vmem>> -> memref<80xi32, #tpu.memory_space<vmem>>
        %dma_start3A_61 = arith.constant 0 : i32
        %dma_start3A_62 = arith.constant 0 : i32
        %dma_start3A_63 = tpu.memref_slice %arg11[%dma_start3A_61, %dma_start3A_62] : memref<10240x128xf32, #tpu.memory_space<vmem_shared>> -> memref<10240x128xf32, #tpu.memory_space<vmem_shared>>
        tpu.enqueue_indirect_dma source(%arg10 : memref<80x128xf32, #tpu.memory_space<vmem>>) target(%dma_start3A_63 : memref<10240x128xf32, #tpu.memory_space<vmem_shared>>) offsets(%dma_start3A_60 : memref<80xi32, #tpu.memory_space<vmem>>) semaphore(%run_scoped3A_57 : memref<!tpu.dma_semaphore, #tpu.memory_space<semaphore_mem>>) {add = true}
        %dma_wait3A_64 = arith.constant 0 : i32
        %dma_wait3A_65 = tpu.memref_slice %arg8[%add3A_49, %dma_wait3A_64] : memref<128x80xi32, #tpu.memory_space<vmem>> -> memref<1x80xi32, #tpu.memory_space<vmem>>
        %dma_wait3A_66 = tpu.memref_squeeze %dma_wait3A_65 : memref<1x80xi32, #tpu.memory_space<vmem>> -> memref<80xi32, #tpu.memory_space<vmem>>
        %dma_wait3A_67 = arith.constant 0 : i32
        %dma_wait3A_68 = arith.constant 0 : i32
        %dma_wait3A_69 = tpu.memref_slice %arg11[%dma_wait3A_67, %dma_wait3A_68] : memref<10240x128xf32, #tpu.memory_space<vmem_shared>> -> memref<10240x128xf32, #tpu.memory_space<vmem_shared>>
        tpu.wait_indirect_dma semaphore(%run_scoped3A_57 : memref<!tpu.dma_semaphore, #tpu.memory_space<semaphore_mem>>) src(%arg10 : memref<80x128xf32, #tpu.memory_space<vmem>>) dst(%dma_wait3A_69 : memref<10240x128xf32, #tpu.memory_space<vmem_shared>>)
        tpu.yield
      }) : () -> ()
      %lt3A = arith.constant 61 : i32
      %lt3A_55 = arith.cmpi slt, %scan3A_27, %lt3A : i32
      %convert_element_type3A = arith.extui %lt3A_55 : i1 to i32
      %cond3A = arith.constant 0 : i32
      %cond3A_56 = arith.cmpi ne, %convert_element_type3A, %cond3A : i32
      scf.if %cond3A_56 {
        %add3A_57 = arith.constant 2 : i32
        %add3A_58 = arith.addi %add3A_49, %add3A_57 : i32
        %mul3A_59 = arith.constant 80 : i32
        %mul3A_60 = arith.muli %add3A_58, %mul3A_59 : i32
        %multiple_of3A_61 = tpu.assume_multiple %mul3A_60, 80 : i32
        %dma_start3A_62 = tpu.memref_slice %arg7[%multiple_of3A_61] : memref<10000xi32, #tpu.memory_space<vmem>> -> memref<80xi32, #tpu.memory_space<vmem>>
        %dma_start3A_63 = arith.constant 0 : i32
        %dma_start3A_64 = arith.constant 0 : i32
        %dma_start3A_65 = tpu.memref_slice %arg2[%dma_start3A_63, %dma_start3A_64] : memref<10240x128xf32, #tpu.memory_space<hbm>> -> memref<10240x128xf32, #tpu.memory_space<hbm>>
        tpu.enqueue_indirect_dma source(%dma_start3A_65 : memref<10240x128xf32, #tpu.memory_space<hbm>>) target(%arg10 : memref<80x128xf32, #tpu.memory_space<vmem>>) offsets(%dma_start3A_62 : memref<80xi32, #tpu.memory_space<vmem>>) semaphore(%arg13 : memref<!tpu.dma_semaphore, #tpu.memory_space<semaphore_mem>>)
      } else {
      }
    }
    %scan3A_17 = arith.constant 62 : i32
    %dma_wait3A = arith.constant 0 : i32
    %dma_wait3A_18 = tpu.memref_slice %arg7[%dma_wait3A] : memref<10000xi32, #tpu.memory_space<vmem>> -> memref<80xi32, #tpu.memory_space<vmem>>
    %dma_wait3A_19 = arith.constant 0 : i32
    %dma_wait3A_20 = arith.constant 0 : i32
    %dma_wait3A_21 = tpu.memref_slice %arg2[%dma_wait3A_19, %dma_wait3A_20] : memref<10240x128xf32, #tpu.memory_space<hbm>> -> memref<10240x128xf32, #tpu.memory_space<hbm>>
    tpu.wait_indirect_dma semaphore(%arg12 : memref<!tpu.dma_semaphore, #tpu.memory_space<semaphore_mem>>) src(%dma_wait3A_21 : memref<10240x128xf32, #tpu.memory_space<hbm>>) dst(%arg9 : memref<80x128xf32, #tpu.memory_space<vmem>>)
    %run_scoped3A = arith.constant 124 : i32
    "tpu.region"() ({
      %run_scoped3A_27 = tpu.sem_alloc : memref<!tpu.dma_semaphore, #tpu.memory_space<semaphore_mem>>
      %dma_start3A_28 = arith.constant 0 : i32
      %dma_start3A_29 = tpu.memref_slice %arg8[%run_scoped3A, %dma_start3A_28] : memref<128x80xi32, #tpu.memory_space<vmem>> -> memref<1x80xi32, #tpu.memory_space<vmem>>
      %dma_start3A_30 = tpu.memref_squeeze %dma_start3A_29 : memref<1x80xi32, #tpu.memory_space<vmem>> -> memref<80xi32, #tpu.memory_space<vmem>>
      %dma_start3A_31 = arith.constant 0 : i32
      %dma_start3A_32 = arith.constant 0 : i32
      %dma_start3A_33 = tpu.memref_slice %arg11[%dma_start3A_31, %dma_start3A_32] : memref<10240x128xf32, #tpu.memory_space<vmem_shared>> -> memref<10240x128xf32, #tpu.memory_space<vmem_shared>>
      tpu.enqueue_indirect_dma source(%arg9 : memref<80x128xf32, #tpu.memory_space<vmem>>) target(%dma_start3A_33 : memref<10240x128xf32, #tpu.memory_space<vmem_shared>>) offsets(%dma_start3A_30 : memref<80xi32, #tpu.memory_space<vmem>>) semaphore(%run_scoped3A_27 : memref<!tpu.dma_semaphore, #tpu.memory_space<semaphore_mem>>) {add = true}
      %dma_wait3A_34 = arith.constant 0 : i32
      %dma_wait3A_35 = tpu.memref_slice %arg8[%run_scoped3A, %dma_wait3A_34] : memref<128x80xi32, #tpu.memory_space<vmem>> -> memref<1x80xi32, #tpu.memory_space<vmem>>
      %dma_wait3A_36 = tpu.memref_squeeze %dma_wait3A_35 : memref<1x80xi32, #tpu.memory_space<vmem>> -> memref<80xi32, #tpu.memory_space<vmem>>
      %dma_wait3A_37 = arith.constant 0 : i32
      %dma_wait3A_38 = arith.constant 0 : i32
      %dma_wait3A_39 = tpu.memref_slice %arg11[%dma_wait3A_37, %dma_wait3A_38] : memref<10240x128xf32, #tpu.memory_space<vmem_shared>> -> memref<10240x128xf32, #tpu.memory_space<vmem_shared>>
      tpu.wait_indirect_dma semaphore(%run_scoped3A_27 : memref<!tpu.dma_semaphore, #tpu.memory_space<semaphore_mem>>) src(%arg9 : memref<80x128xf32, #tpu.memory_space<vmem>>) dst(%dma_wait3A_39 : memref<10240x128xf32, #tpu.memory_space<vmem_shared>>)
      tpu.yield
    }) : () -> ()
    %barrier3A_22 = arith.constant 0 : index
    tpu.barrier barrier_id(%barrier3A_22)
    %mul3A_23 = arith.constant 640 : i32
    %mul3A_24 = arith.muli %arg1, %mul3A_23 : i32
    %mul3A_25 = arith.constant 640 : i32
    %mul3A_26 = arith.muli %arg1, %mul3A_25 : i32
    "tpu.region"() ({
      %run_scoped3A_27 = tpu.sem_alloc : memref<!tpu.dma_semaphore, #tpu.memory_space<semaphore_mem>>
      %dma_start3A_28 = arith.constant 0 : i32
      %dma_start3A_29 = tpu.memref_slice %arg6[%arg0, %mul3A_26, %dma_start3A_28] : memref<2x10240x128xf32, #tpu.memory_space<hbm>> -> memref<1x640x128xf32, #tpu.memory_space<hbm>>
      %dma_start3A_30 = tpu.memref_squeeze %dma_start3A_29 : memref<1x640x128xf32, #tpu.memory_space<hbm>> -> memref<640x128xf32, #tpu.memory_space<hbm>>
      %dma_start3A_31 = arith.constant 0 : i32
      %dma_start3A_32 = tpu.memref_slice %arg11[%mul3A_24, %dma_start3A_31] : memref<10240x128xf32, #tpu.memory_space<vmem_shared>> -> memref<640x128xf32, #tpu.memory_space<vmem_shared>>
      tpu.enqueue_dma source(%dma_start3A_32 : memref<640x128xf32, #tpu.memory_space<vmem_shared>>) target(%dma_start3A_30 : memref<640x128xf32, #tpu.memory_space<hbm>>) target_semaphore(%run_scoped3A_27 : memref<!tpu.dma_semaphore, #tpu.memory_space<semaphore_mem>>)
      %dma_wait3A_33 = arith.constant 0 : i32
      %dma_wait3A_34 = tpu.memref_slice %arg6[%arg0, %mul3A_26, %dma_wait3A_33] : memref<2x10240x128xf32, #tpu.memory_space<hbm>> -> memref<1x640x128xf32, #tpu.memory_space<hbm>>
      %dma_wait3A_35 = tpu.memref_squeeze %dma_wait3A_34 : memref<1x640x128xf32, #tpu.memory_space<hbm>> -> memref<640x128xf32, #tpu.memory_space<hbm>>
      %dma_wait3A_36 = arith.constant 0 : i32
      %dma_wait3A_37 = tpu.memref_slice %arg11[%mul3A_24, %dma_wait3A_36] : memref<10240x128xf32, #tpu.memory_space<vmem_shared>> -> memref<640x128xf32, #tpu.memory_space<vmem_shared>>
      tpu.wait_dma2 semaphore(%run_scoped3A_27 : memref<!tpu.dma_semaphore, #tpu.memory_space<semaphore_mem>>) src(%dma_wait3A_37 : memref<640x128xf32, #tpu.memory_space<vmem_shared>>) dst(%dma_wait3A_35 : memref<640x128xf32, #tpu.memory_space<hbm>>)
      tpu.yield
    }) : () -> ()
    return
  }
}

#map = affine_map<(d0, d1) -> (0, 0)>
#map1 = affine_map<(d0, d1) -> (0, 0, 0)>
module attributes {stable_mosaic.version = 14 : i64} {
  func.func @edge_pass(%arg0: i32, %arg1: i32, %arg2: memref<10240x128xf32, #tpu.memory_space<hbm>>, %arg3: memref<32x10000xi32, #tpu.memory_space<hbm>>, %arg4: memref<32x125x80xi32, #tpu.memory_space<hbm>>, %arg5: memref<640x128xf32, #tpu.memory_space<hbm>>, %arg6: memref<2x10240x128xf32, #tpu.memory_space<hbm>>, %arg7: memref<10000xi32, #tpu.memory_space<vmem>>, %arg8: memref<128x80xi32, #tpu.memory_space<vmem>>, %arg9: memref<80x128xf32, #tpu.memory_space<vmem>>, %arg10: memref<80x128xf32, #tpu.memory_space<vmem>>, %arg11: memref<10240x128xf32, #tpu.memory_space<vmem_shared>>, %arg12: memref<!tpu.dma_semaphore, #tpu.memory_space<semaphore_mem>>, %arg13: memref<!tpu.dma_semaphore, #tpu.memory_space<semaphore_mem>>) attributes {dimension_semantics = [#tpu.dimension_semantics<core_parallel>, #tpu.dimension_semantics<subcore_parallel>], iteration_bounds = array<i64: 2, 16>, scalar_prefetch = 0 : i64, scratch_operands = 7 : i64, tpu.core_type = #tpu.core_type<sc_vector_subcore>, window_params = [{transform_indices = #map}, {transform_indices = #map}, {transform_indices = #map1}, {transform_indices = #map}, {transform_indices = #map1}]} {
    %mul3A = arith.constant 2 : i32
    %mul3A_0 = arith.muli %arg1, %mul3A : i32
    %add3A = arith.addi %mul3A_0, %arg0 : i32
    %mul3A_1 = arith.constant 640 : i32
    %mul3A_2 = arith.muli %arg1, %mul3A_1 : i32
    "tpu.region"() ({
      %run_scoped3A_27 = tpu.sem_alloc : memref<!tpu.dma_semaphore, #tpu.memory_space<semaphore_mem>>
      %dma_start3A_28 = arith.constant 0 : i32
      %dma_start3A_29 = tpu.memref_slice %arg11[%mul3A_2, %dma_start3A_28] : memref<10240x128xf32, #tpu.memory_space<vmem_shared>> -> memref<640x128xf32, #tpu.memory_space<vmem_shared>>
      tpu.enqueue_dma source(%arg5 : memref<640x128xf32, #tpu.memory_space<hbm>>) target(%dma_start3A_29 : memref<640x128xf32, #tpu.memory_space<vmem_shared>>) target_semaphore(%run_scoped3A_27 : memref<!tpu.dma_semaphore, #tpu.memory_space<semaphore_mem>>)
      %dma_wait3A_30 = arith.constant 0 : i32
      %dma_wait3A_31 = tpu.memref_slice %arg11[%mul3A_2, %dma_wait3A_30] : memref<10240x128xf32, #tpu.memory_space<vmem_shared>> -> memref<640x128xf32, #tpu.memory_space<vmem_shared>>
      tpu.wait_dma2 semaphore(%run_scoped3A_27 : memref<!tpu.dma_semaphore, #tpu.memory_space<semaphore_mem>>) src(%arg5 : memref<640x128xf32, #tpu.memory_space<hbm>>) dst(%dma_wait3A_31 : memref<640x128xf32, #tpu.memory_space<vmem_shared>>)
      tpu.yield
    }) : () -> ()
    "tpu.region"() ({
      %run_scoped3A_27 = tpu.sem_alloc : memref<!tpu.dma_semaphore, #tpu.memory_space<semaphore_mem>>
      %dma_start3A_28 = arith.constant 0 : i32
      %dma_start3A_29 = tpu.memref_slice %arg3[%add3A, %dma_start3A_28] : memref<32x10000xi32, #tpu.memory_space<hbm>> -> memref<1x10000xi32, #tpu.memory_space<hbm>>
      %dma_start3A_30 = tpu.memref_squeeze %dma_start3A_29 : memref<1x10000xi32, #tpu.memory_space<hbm>> -> memref<10000xi32, #tpu.memory_space<hbm>>
      %dma_start3A_31 = arith.constant 0 : i32
      %dma_start3A_32 = tpu.memref_slice %arg3[%add3A, %dma_start3A_31] : memref<32x10000xi32, #tpu.memory_space<hbm>> -> memref<1x10000xi32, #tpu.memory_space<hbm>>
      %dma_start3A_33 = tpu.memref_squeeze %dma_start3A_32 : memref<1x10000xi32, #tpu.memory_space<hbm>> -> memref<10000xi32, #tpu.memory_space<hbm>>
      tpu.enqueue_dma source(%dma_start3A_33 : memref<10000xi32, #tpu.memory_space<hbm>>) target(%arg7 : memref<10000xi32, #tpu.memory_space<vmem>>) target_semaphore(%run_scoped3A_27 : memref<!tpu.dma_semaphore, #tpu.memory_space<semaphore_mem>>)
      %dma_wait3A_34 = arith.constant 0 : i32
      %dma_wait3A_35 = tpu.memref_slice %arg3[%add3A, %dma_wait3A_34] : memref<32x10000xi32, #tpu.memory_space<hbm>> -> memref<1x10000xi32, #tpu.memory_space<hbm>>
      %dma_wait3A_36 = tpu.memref_squeeze %dma_wait3A_35 : memref<1x10000xi32, #tpu.memory_space<hbm>> -> memref<10000xi32, #tpu.memory_space<hbm>>
      %dma_wait3A_37 = arith.constant 0 : i32
      %dma_wait3A_38 = tpu.memref_slice %arg3[%add3A, %dma_wait3A_37] : memref<32x10000xi32, #tpu.memory_space<hbm>> -> memref<1x10000xi32, #tpu.memory_space<hbm>>
      %dma_wait3A_39 = tpu.memref_squeeze %dma_wait3A_38 : memref<1x10000xi32, #tpu.memory_space<hbm>> -> memref<10000xi32, #tpu.memory_space<hbm>>
      tpu.wait_dma2 semaphore(%run_scoped3A_27 : memref<!tpu.dma_semaphore, #tpu.memory_space<semaphore_mem>>) src(%dma_wait3A_39 : memref<10000xi32, #tpu.memory_space<hbm>>) dst(%arg7 : memref<10000xi32, #tpu.memory_space<vmem>>)
      tpu.yield
    }) : () -> ()
    "tpu.region"() ({
      %run_scoped3A_27 = tpu.sem_alloc : memref<!tpu.dma_semaphore, #tpu.memory_space<semaphore_mem>>
      %dma_start3A_28 = arith.constant 0 : i32
      %dma_start3A_29 = arith.constant 0 : i32
      %dma_start3A_30 = tpu.memref_slice %arg8[%dma_start3A_28, %dma_start3A_29] : memref<128x80xi32, #tpu.memory_space<vmem>> -> memref<125x80xi32, #tpu.memory_space<vmem>>
      %dma_start3A_31 = arith.constant 0 : i32
      %dma_start3A_32 = arith.constant 0 : i32
      %dma_start3A_33 = tpu.memref_slice %arg4[%add3A, %dma_start3A_31, %dma_start3A_32] : memref<32x125x80xi32, #tpu.memory_space<hbm>> -> memref<1x125x80xi32, #tpu.memory_space<hbm>>
      %dma_start3A_34 = tpu.memref_squeeze %dma_start3A_33 : memref<1x125x80xi32, #tpu.memory_space<hbm>> -> memref<125x80xi32, #tpu.memory_space<hbm>>
      %dma_start3A_35 = arith.constant 0 : i32
      %dma_start3A_36 = arith.constant 0 : i32
      %dma_start3A_37 = tpu.memref_slice %arg8[%dma_start3A_35, %dma_start3A_36] : memref<128x80xi32, #tpu.memory_space<vmem>> -> memref<125x80xi32, #tpu.memory_space<vmem>>
      %dma_start3A_38 = arith.constant 0 : i32
      %dma_start3A_39 = arith.constant 0 : i32
      %dma_start3A_40 = tpu.memref_slice %arg4[%add3A, %dma_start3A_38, %dma_start3A_39] : memref<32x125x80xi32, #tpu.memory_space<hbm>> -> memref<1x125x80xi32, #tpu.memory_space<hbm>>
      %dma_start3A_41 = tpu.memref_squeeze %dma_start3A_40 : memref<1x125x80xi32, #tpu.memory_space<hbm>> -> memref<125x80xi32, #tpu.memory_space<hbm>>
      tpu.enqueue_dma source(%dma_start3A_41 : memref<125x80xi32, #tpu.memory_space<hbm>>) target(%dma_start3A_37 : memref<125x80xi32, #tpu.memory_space<vmem>>) target_semaphore(%run_scoped3A_27 : memref<!tpu.dma_semaphore, #tpu.memory_space<semaphore_mem>>)
      %dma_wait3A_42 = arith.constant 0 : i32
      %dma_wait3A_43 = arith.constant 0 : i32
      %dma_wait3A_44 = tpu.memref_slice %arg8[%dma_wait3A_42, %dma_wait3A_43] : memref<128x80xi32, #tpu.memory_space<vmem>> -> memref<125x80xi32, #tpu.memory_space<vmem>>
      %dma_wait3A_45 = arith.constant 0 : i32
      %dma_wait3A_46 = arith.constant 0 : i32
      %dma_wait3A_47 = tpu.memref_slice %arg4[%add3A, %dma_wait3A_45, %dma_wait3A_46] : memref<32x125x80xi32, #tpu.memory_space<hbm>> -> memref<1x125x80xi32, #tpu.memory_space<hbm>>
      %dma_wait3A_48 = tpu.memref_squeeze %dma_wait3A_47 : memref<1x125x80xi32, #tpu.memory_space<hbm>> -> memref<125x80xi32, #tpu.memory_space<hbm>>
      %dma_wait3A_49 = arith.constant 0 : i32
      %dma_wait3A_50 = arith.constant 0 : i32
      %dma_wait3A_51 = tpu.memref_slice %arg8[%dma_wait3A_49, %dma_wait3A_50] : memref<128x80xi32, #tpu.memory_space<vmem>> -> memref<125x80xi32, #tpu.memory_space<vmem>>
      %dma_wait3A_52 = arith.constant 0 : i32
      %dma_wait3A_53 = arith.constant 0 : i32
      %dma_wait3A_54 = tpu.memref_slice %arg4[%add3A, %dma_wait3A_52, %dma_wait3A_53] : memref<32x125x80xi32, #tpu.memory_space<hbm>> -> memref<1x125x80xi32, #tpu.memory_space<hbm>>
      %dma_wait3A_55 = tpu.memref_squeeze %dma_wait3A_54 : memref<1x125x80xi32, #tpu.memory_space<hbm>> -> memref<125x80xi32, #tpu.memory_space<hbm>>
      tpu.wait_dma2 semaphore(%run_scoped3A_27 : memref<!tpu.dma_semaphore, #tpu.memory_space<semaphore_mem>>) src(%dma_wait3A_55 : memref<125x80xi32, #tpu.memory_space<hbm>>) dst(%dma_wait3A_51 : memref<125x80xi32, #tpu.memory_space<vmem>>)
      tpu.yield
    }) : () -> ()
    %barrier3A = arith.constant 0 : index
    tpu.barrier barrier_id(%barrier3A)
    %multiple_of3A = arith.constant 0 : i32
    %multiple_of3A_3 = tpu.assume_multiple %multiple_of3A, 80 : i32
    %dma_start3A = tpu.memref_slice %arg7[%multiple_of3A_3] : memref<10000xi32, #tpu.memory_space<vmem>> -> memref<80xi32, #tpu.memory_space<vmem>>
    %dma_start3A_4 = arith.constant 0 : i32
    %dma_start3A_5 = arith.constant 0 : i32
    %dma_start3A_6 = tpu.memref_slice %arg2[%dma_start3A_4, %dma_start3A_5] : memref<10240x128xf32, #tpu.memory_space<hbm>> -> memref<10240x128xf32, #tpu.memory_space<hbm>>
    tpu.enqueue_indirect_dma source(%dma_start3A_6 : memref<10240x128xf32, #tpu.memory_space<hbm>>) target(%arg9 : memref<80x128xf32, #tpu.memory_space<vmem>>) offsets(%dma_start3A : memref<80xi32, #tpu.memory_space<vmem>>) semaphore(%arg12 : memref<!tpu.dma_semaphore, #tpu.memory_space<semaphore_mem>>)
    %multiple_of3A_7 = arith.constant 80 : i32
    %multiple_of3A_8 = tpu.assume_multiple %multiple_of3A_7, 80 : i32
    %dma_start3A_9 = tpu.memref_slice %arg7[%multiple_of3A_8] : memref<10000xi32, #tpu.memory_space<vmem>> -> memref<80xi32, #tpu.memory_space<vmem>>
    %dma_start3A_10 = arith.constant 0 : i32
    %dma_start3A_11 = arith.constant 0 : i32
    %dma_start3A_12 = tpu.memref_slice %arg2[%dma_start3A_10, %dma_start3A_11] : memref<10240x128xf32, #tpu.memory_space<hbm>> -> memref<10240x128xf32, #tpu.memory_space<hbm>>
    tpu.enqueue_indirect_dma source(%dma_start3A_12 : memref<10240x128xf32, #tpu.memory_space<hbm>>) target(%arg10 : memref<80x128xf32, #tpu.memory_space<vmem>>) offsets(%dma_start3A_9 : memref<80xi32, #tpu.memory_space<vmem>>) semaphore(%arg13 : memref<!tpu.dma_semaphore, #tpu.memory_space<semaphore_mem>>)
    %scan3A = arith.constant 0 : i32
    %scan3A_13 = arith.constant 0 : i32
    %scan3A_14 = arith.constant 62 : i32
    %scan3A_15 = arith.addi %scan3A_13, %scan3A_14 : i32
    %scan3A_16 = arith.constant 1 : i32
    scf.for %scan3A_27 = %scan3A_13 to %scan3A_15 step %scan3A_16  : i32 {
      %mul3A_28 = arith.constant 2 : i32
      %mul3A_29 = arith.muli %mul3A_28, %scan3A_27 : i32
      %add3A_30 = arith.constant 0 : i32
      %add3A_31 = arith.addi %mul3A_29, %add3A_30 : i32
      %dma_wait3A_32 = arith.constant 0 : i32
      %dma_wait3A_33 = tpu.memref_slice %arg7[%dma_wait3A_32] : memref<10000xi32, #tpu.memory_space<vmem>> -> memref<80xi32, #tpu.memory_space<vmem>>
      %dma_wait3A_34 = arith.constant 0 : i32
      %dma_wait3A_35 = arith.constant 0 : i32
      %dma_wait3A_36 = tpu.memref_slice %arg2[%dma_wait3A_34, %dma_wait3A_35] : memref<10240x128xf32, #tpu.memory_space<hbm>> -> memref<10240x128xf32, #tpu.memory_space<hbm>>
      tpu.wait_indirect_dma semaphore(%arg12 : memref<!tpu.dma_semaphore, #tpu.memory_space<semaphore_mem>>) src(%dma_wait3A_36 : memref<10240x128xf32, #tpu.memory_space<hbm>>) dst(%arg9 : memref<80x128xf32, #tpu.memory_space<vmem>>)
      "tpu.region"() ({
        %run_scoped3A_57 = tpu.sem_alloc : memref<!tpu.dma_semaphore, #tpu.memory_space<semaphore_mem>>
        %dma_start3A_58 = arith.constant 0 : i32
        %dma_start3A_59 = tpu.memref_slice %arg8[%add3A_31, %dma_start3A_58] : memref<128x80xi32, #tpu.memory_space<vmem>> -> memref<1x80xi32, #tpu.memory_space<vmem>>
        %dma_start3A_60 = tpu.memref_squeeze %dma_start3A_59 : memref<1x80xi32, #tpu.memory_space<vmem>> -> memref<80xi32, #tpu.memory_space<vmem>>
        %dma_start3A_61 = arith.constant 0 : i32
        %dma_start3A_62 = arith.constant 0 : i32
        %dma_start3A_63 = tpu.memref_slice %arg11[%dma_start3A_61, %dma_start3A_62] : memref<10240x128xf32, #tpu.memory_space<vmem_shared>> -> memref<10240x128xf32, #tpu.memory_space<vmem_shared>>
        tpu.enqueue_indirect_dma source(%arg9 : memref<80x128xf32, #tpu.memory_space<vmem>>) target(%dma_start3A_63 : memref<10240x128xf32, #tpu.memory_space<vmem_shared>>) offsets(%dma_start3A_60 : memref<80xi32, #tpu.memory_space<vmem>>) semaphore(%run_scoped3A_57 : memref<!tpu.dma_semaphore, #tpu.memory_space<semaphore_mem>>) {add = true}
        %dma_wait3A_64 = arith.constant 0 : i32
        %dma_wait3A_65 = tpu.memref_slice %arg8[%add3A_31, %dma_wait3A_64] : memref<128x80xi32, #tpu.memory_space<vmem>> -> memref<1x80xi32, #tpu.memory_space<vmem>>
        %dma_wait3A_66 = tpu.memref_squeeze %dma_wait3A_65 : memref<1x80xi32, #tpu.memory_space<vmem>> -> memref<80xi32, #tpu.memory_space<vmem>>
        %dma_wait3A_67 = arith.constant 0 : i32
        %dma_wait3A_68 = arith.constant 0 : i32
        %dma_wait3A_69 = tpu.memref_slice %arg11[%dma_wait3A_67, %dma_wait3A_68] : memref<10240x128xf32, #tpu.memory_space<vmem_shared>> -> memref<10240x128xf32, #tpu.memory_space<vmem_shared>>
        tpu.wait_indirect_dma semaphore(%run_scoped3A_57 : memref<!tpu.dma_semaphore, #tpu.memory_space<semaphore_mem>>) src(%arg9 : memref<80x128xf32, #tpu.memory_space<vmem>>) dst(%dma_wait3A_69 : memref<10240x128xf32, #tpu.memory_space<vmem_shared>>)
        tpu.yield
      }) : () -> ()
      %add3A_37 = arith.constant 2 : i32
      %add3A_38 = arith.addi %add3A_31, %add3A_37 : i32
      %mul3A_39 = arith.constant 80 : i32
      %mul3A_40 = arith.muli %add3A_38, %mul3A_39 : i32
      %multiple_of3A_41 = tpu.assume_multiple %mul3A_40, 80 : i32
      %dma_start3A_42 = tpu.memref_slice %arg7[%multiple_of3A_41] : memref<10000xi32, #tpu.memory_space<vmem>> -> memref<80xi32, #tpu.memory_space<vmem>>
      %dma_start3A_43 = arith.constant 0 : i32
      %dma_start3A_44 = arith.constant 0 : i32
      %dma_start3A_45 = tpu.memref_slice %arg2[%dma_start3A_43, %dma_start3A_44] : memref<10240x128xf32, #tpu.memory_space<hbm>> -> memref<10240x128xf32, #tpu.memory_space<hbm>>
      tpu.enqueue_indirect_dma source(%dma_start3A_45 : memref<10240x128xf32, #tpu.memory_space<hbm>>) target(%arg9 : memref<80x128xf32, #tpu.memory_space<vmem>>) offsets(%dma_start3A_42 : memref<80xi32, #tpu.memory_space<vmem>>) semaphore(%arg12 : memref<!tpu.dma_semaphore, #tpu.memory_space<semaphore_mem>>)
      %mul3A_46 = arith.constant 2 : i32
      %mul3A_47 = arith.muli %mul3A_46, %scan3A_27 : i32
      %add3A_48 = arith.constant 1 : i32
      %add3A_49 = arith.addi %mul3A_47, %add3A_48 : i32
      %dma_wait3A_50 = arith.constant 0 : i32
      %dma_wait3A_51 = tpu.memref_slice %arg7[%dma_wait3A_50] : memref<10000xi32, #tpu.memory_space<vmem>> -> memref<80xi32, #tpu.memory_space<vmem>>
      %dma_wait3A_52 = arith.constant 0 : i32
      %dma_wait3A_53 = arith.constant 0 : i32
      %dma_wait3A_54 = tpu.memref_slice %arg2[%dma_wait3A_52, %dma_wait3A_53] : memref<10240x128xf32, #tpu.memory_space<hbm>> -> memref<10240x128xf32, #tpu.memory_space<hbm>>
      tpu.wait_indirect_dma semaphore(%arg13 : memref<!tpu.dma_semaphore, #tpu.memory_space<semaphore_mem>>) src(%dma_wait3A_54 : memref<10240x128xf32, #tpu.memory_space<hbm>>) dst(%arg10 : memref<80x128xf32, #tpu.memory_space<vmem>>)
      "tpu.region"() ({
        %run_scoped3A_57 = tpu.sem_alloc : memref<!tpu.dma_semaphore, #tpu.memory_space<semaphore_mem>>
        %dma_start3A_58 = arith.constant 0 : i32
        %dma_start3A_59 = tpu.memref_slice %arg8[%add3A_49, %dma_start3A_58] : memref<128x80xi32, #tpu.memory_space<vmem>> -> memref<1x80xi32, #tpu.memory_space<vmem>>
        %dma_start3A_60 = tpu.memref_squeeze %dma_start3A_59 : memref<1x80xi32, #tpu.memory_space<vmem>> -> memref<80xi32, #tpu.memory_space<vmem>>
        %dma_start3A_61 = arith.constant 0 : i32
        %dma_start3A_62 = arith.constant 0 : i32
        %dma_start3A_63 = tpu.memref_slice %arg11[%dma_start3A_61, %dma_start3A_62] : memref<10240x128xf32, #tpu.memory_space<vmem_shared>> -> memref<10240x128xf32, #tpu.memory_space<vmem_shared>>
        tpu.enqueue_indirect_dma source(%arg10 : memref<80x128xf32, #tpu.memory_space<vmem>>) target(%dma_start3A_63 : memref<10240x128xf32, #tpu.memory_space<vmem_shared>>) offsets(%dma_start3A_60 : memref<80xi32, #tpu.memory_space<vmem>>) semaphore(%run_scoped3A_57 : memref<!tpu.dma_semaphore, #tpu.memory_space<semaphore_mem>>) {add = true}
        %dma_wait3A_64 = arith.constant 0 : i32
        %dma_wait3A_65 = tpu.memref_slice %arg8[%add3A_49, %dma_wait3A_64] : memref<128x80xi32, #tpu.memory_space<vmem>> -> memref<1x80xi32, #tpu.memory_space<vmem>>
        %dma_wait3A_66 = tpu.memref_squeeze %dma_wait3A_65 : memref<1x80xi32, #tpu.memory_space<vmem>> -> memref<80xi32, #tpu.memory_space<vmem>>
        %dma_wait3A_67 = arith.constant 0 : i32
        %dma_wait3A_68 = arith.constant 0 : i32
        %dma_wait3A_69 = tpu.memref_slice %arg11[%dma_wait3A_67, %dma_wait3A_68] : memref<10240x128xf32, #tpu.memory_space<vmem_shared>> -> memref<10240x128xf32, #tpu.memory_space<vmem_shared>>
        tpu.wait_indirect_dma semaphore(%run_scoped3A_57 : memref<!tpu.dma_semaphore, #tpu.memory_space<semaphore_mem>>) src(%arg10 : memref<80x128xf32, #tpu.memory_space<vmem>>) dst(%dma_wait3A_69 : memref<10240x128xf32, #tpu.memory_space<vmem_shared>>)
        tpu.yield
      }) : () -> ()
      %lt3A = arith.constant 61 : i32
      %lt3A_55 = arith.cmpi slt, %scan3A_27, %lt3A : i32
      %convert_element_type3A = arith.extui %lt3A_55 : i1 to i32
      %cond3A = arith.constant 0 : i32
      %cond3A_56 = arith.cmpi ne, %convert_element_type3A, %cond3A : i32
      scf.if %cond3A_56 {
        %add3A_57 = arith.constant 2 : i32
        %add3A_58 = arith.addi %add3A_49, %add3A_57 : i32
        %mul3A_59 = arith.constant 80 : i32
        %mul3A_60 = arith.muli %add3A_58, %mul3A_59 : i32
        %multiple_of3A_61 = tpu.assume_multiple %mul3A_60, 80 : i32
        %dma_start3A_62 = tpu.memref_slice %arg7[%multiple_of3A_61] : memref<10000xi32, #tpu.memory_space<vmem>> -> memref<80xi32, #tpu.memory_space<vmem>>
        %dma_start3A_63 = arith.constant 0 : i32
        %dma_start3A_64 = arith.constant 0 : i32
        %dma_start3A_65 = tpu.memref_slice %arg2[%dma_start3A_63, %dma_start3A_64] : memref<10240x128xf32, #tpu.memory_space<hbm>> -> memref<10240x128xf32, #tpu.memory_space<hbm>>
        tpu.enqueue_indirect_dma source(%dma_start3A_65 : memref<10240x128xf32, #tpu.memory_space<hbm>>) target(%arg10 : memref<80x128xf32, #tpu.memory_space<vmem>>) offsets(%dma_start3A_62 : memref<80xi32, #tpu.memory_space<vmem>>) semaphore(%arg13 : memref<!tpu.dma_semaphore, #tpu.memory_space<semaphore_mem>>)
      } else {
      }
    }
    %scan3A_17 = arith.constant 62 : i32
    %dma_wait3A = arith.constant 0 : i32
    %dma_wait3A_18 = tpu.memref_slice %arg7[%dma_wait3A] : memref<10000xi32, #tpu.memory_space<vmem>> -> memref<80xi32, #tpu.memory_space<vmem>>
    %dma_wait3A_19 = arith.constant 0 : i32
    %dma_wait3A_20 = arith.constant 0 : i32
    %dma_wait3A_21 = tpu.memref_slice %arg2[%dma_wait3A_19, %dma_wait3A_20] : memref<10240x128xf32, #tpu.memory_space<hbm>> -> memref<10240x128xf32, #tpu.memory_space<hbm>>
    tpu.wait_indirect_dma semaphore(%arg12 : memref<!tpu.dma_semaphore, #tpu.memory_space<semaphore_mem>>) src(%dma_wait3A_21 : memref<10240x128xf32, #tpu.memory_space<hbm>>) dst(%arg9 : memref<80x128xf32, #tpu.memory_space<vmem>>)
    %run_scoped3A = arith.constant 124 : i32
    "tpu.region"() ({
      %run_scoped3A_27 = tpu.sem_alloc : memref<!tpu.dma_semaphore, #tpu.memory_space<semaphore_mem>>
      %dma_start3A_28 = arith.constant 0 : i32
      %dma_start3A_29 = tpu.memref_slice %arg8[%run_scoped3A, %dma_start3A_28] : memref<128x80xi32, #tpu.memory_space<vmem>> -> memref<1x80xi32, #tpu.memory_space<vmem>>
      %dma_start3A_30 = tpu.memref_squeeze %dma_start3A_29 : memref<1x80xi32, #tpu.memory_space<vmem>> -> memref<80xi32, #tpu.memory_space<vmem>>
      %dma_start3A_31 = arith.constant 0 : i32
      %dma_start3A_32 = arith.constant 0 : i32
      %dma_start3A_33 = tpu.memref_slice %arg11[%dma_start3A_31, %dma_start3A_32] : memref<10240x128xf32, #tpu.memory_space<vmem_shared>> -> memref<10240x128xf32, #tpu.memory_space<vmem_shared>>
      tpu.enqueue_indirect_dma source(%arg9 : memref<80x128xf32, #tpu.memory_space<vmem>>) target(%dma_start3A_33 : memref<10240x128xf32, #tpu.memory_space<vmem_shared>>) offsets(%dma_start3A_30 : memref<80xi32, #tpu.memory_space<vmem>>) semaphore(%run_scoped3A_27 : memref<!tpu.dma_semaphore, #tpu.memory_space<semaphore_mem>>) {add = true}
      %dma_wait3A_34 = arith.constant 0 : i32
      %dma_wait3A_35 = tpu.memref_slice %arg8[%run_scoped3A, %dma_wait3A_34] : memref<128x80xi32, #tpu.memory_space<vmem>> -> memref<1x80xi32, #tpu.memory_space<vmem>>
      %dma_wait3A_36 = tpu.memref_squeeze %dma_wait3A_35 : memref<1x80xi32, #tpu.memory_space<vmem>> -> memref<80xi32, #tpu.memory_space<vmem>>
      %dma_wait3A_37 = arith.constant 0 : i32
      %dma_wait3A_38 = arith.constant 0 : i32
      %dma_wait3A_39 = tpu.memref_slice %arg11[%dma_wait3A_37, %dma_wait3A_38] : memref<10240x128xf32, #tpu.memory_space<vmem_shared>> -> memref<10240x128xf32, #tpu.memory_space<vmem_shared>>
      tpu.wait_indirect_dma semaphore(%run_scoped3A_27 : memref<!tpu.dma_semaphore, #tpu.memory_space<semaphore_mem>>) src(%arg9 : memref<80x128xf32, #tpu.memory_space<vmem>>) dst(%dma_wait3A_39 : memref<10240x128xf32, #tpu.memory_space<vmem_shared>>)
      tpu.yield
    }) : () -> ()
    %barrier3A_22 = arith.constant 0 : index
    tpu.barrier barrier_id(%barrier3A_22)
    %mul3A_23 = arith.constant 640 : i32
    %mul3A_24 = arith.muli %arg1, %mul3A_23 : i32
    %mul3A_25 = arith.constant 640 : i32
    %mul3A_26 = arith.muli %arg1, %mul3A_25 : i32
    "tpu.region"() ({
      %run_scoped3A_27 = tpu.sem_alloc : memref<!tpu.dma_semaphore, #tpu.memory_space<semaphore_mem>>
      %dma_start3A_28 = arith.constant 0 : i32
      %dma_start3A_29 = tpu.memref_slice %arg6[%arg0, %mul3A_26, %dma_start3A_28] : memref<2x10240x128xf32, #tpu.memory_space<hbm>> -> memref<1x640x128xf32, #tpu.memory_space<hbm>>
      %dma_start3A_30 = tpu.memref_squeeze %dma_start3A_29 : memref<1x640x128xf32, #tpu.memory_space<hbm>> -> memref<640x128xf32, #tpu.memory_space<hbm>>
      %dma_start3A_31 = arith.constant 0 : i32
      %dma_start3A_32 = tpu.memref_slice %arg11[%mul3A_24, %dma_start3A_31] : memref<10240x128xf32, #tpu.memory_space<vmem_shared>> -> memref<640x128xf32, #tpu.memory_space<vmem_shared>>
      tpu.enqueue_dma source(%dma_start3A_32 : memref<640x128xf32, #tpu.memory_space<vmem_shared>>) target(%dma_start3A_30 : memref<640x128xf32, #tpu.memory_space<hbm>>) target_semaphore(%run_scoped3A_27 : memref<!tpu.dma_semaphore, #tpu.memory_space<semaphore_mem>>)
      %dma_wait3A_33 = arith.constant 0 : i32
      %dma_wait3A_34 = tpu.memref_slice %arg6[%arg0, %mul3A_26, %dma_wait3A_33] : memref<2x10240x128xf32, #tpu.memory_space<hbm>> -> memref<1x640x128xf32, #tpu.memory_space<hbm>>
      %dma_wait3A_35 = tpu.memref_squeeze %dma_wait3A_34 : memref<1x640x128xf32, #tpu.memory_space<hbm>> -> memref<640x128xf32, #tpu.memory_space<hbm>>
      %dma_wait3A_36 = arith.constant 0 : i32
      %dma_wait3A_37 = tpu.memref_slice %arg11[%mul3A_24, %dma_wait3A_36] : memref<10240x128xf32, #tpu.memory_space<vmem_shared>> -> memref<640x128xf32, #tpu.memory_space<vmem_shared>>
      tpu.wait_dma2 semaphore(%run_scoped3A_27 : memref<!tpu.dma_semaphore, #tpu.memory_space<semaphore_mem>>) src(%dma_wait3A_37 : memref<640x128xf32, #tpu.memory_space<vmem_shared>>) dst(%dma_wait3A_35 : memref<640x128xf32, #tpu.memory_space<hbm>>)
      tpu.yield
    }) : () -> ()
    return
  }
}

#map = affine_map<(d0, d1) -> (0, 0)>
#map1 = affine_map<(d0, d1) -> (0, 0, 0)>
module attributes {stable_mosaic.version = 14 : i64} {
  func.func @edge_pass(%arg0: i32, %arg1: i32, %arg2: memref<10240x128xf32, #tpu.memory_space<hbm>>, %arg3: memref<32x10000xi32, #tpu.memory_space<hbm>>, %arg4: memref<32x125x80xi32, #tpu.memory_space<hbm>>, %arg5: memref<640x128xf32, #tpu.memory_space<hbm>>, %arg6: memref<2x10240x128xf32, #tpu.memory_space<hbm>>, %arg7: memref<10000xi32, #tpu.memory_space<vmem>>, %arg8: memref<128x80xi32, #tpu.memory_space<vmem>>, %arg9: memref<80x128xf32, #tpu.memory_space<vmem>>, %arg10: memref<80x128xf32, #tpu.memory_space<vmem>>, %arg11: memref<10240x128xf32, #tpu.memory_space<vmem_shared>>, %arg12: memref<!tpu.dma_semaphore, #tpu.memory_space<semaphore_mem>>, %arg13: memref<!tpu.dma_semaphore, #tpu.memory_space<semaphore_mem>>) attributes {dimension_semantics = [#tpu.dimension_semantics<core_parallel>, #tpu.dimension_semantics<subcore_parallel>], iteration_bounds = array<i64: 2, 16>, scalar_prefetch = 0 : i64, scratch_operands = 7 : i64, tpu.core_type = #tpu.core_type<sc_vector_subcore>, window_params = [{transform_indices = #map}, {transform_indices = #map}, {transform_indices = #map1}, {transform_indices = #map}, {transform_indices = #map1}]} {
    %mul3A = arith.constant 2 : i32
    %mul3A_0 = arith.muli %arg1, %mul3A : i32
    %add3A = arith.addi %mul3A_0, %arg0 : i32
    %mul3A_1 = arith.constant 640 : i32
    %mul3A_2 = arith.muli %arg1, %mul3A_1 : i32
    "tpu.region"() ({
      %run_scoped3A_27 = tpu.sem_alloc : memref<!tpu.dma_semaphore, #tpu.memory_space<semaphore_mem>>
      %dma_start3A_28 = arith.constant 0 : i32
      %dma_start3A_29 = tpu.memref_slice %arg11[%mul3A_2, %dma_start3A_28] : memref<10240x128xf32, #tpu.memory_space<vmem_shared>> -> memref<640x128xf32, #tpu.memory_space<vmem_shared>>
      tpu.enqueue_dma source(%arg5 : memref<640x128xf32, #tpu.memory_space<hbm>>) target(%dma_start3A_29 : memref<640x128xf32, #tpu.memory_space<vmem_shared>>) target_semaphore(%run_scoped3A_27 : memref<!tpu.dma_semaphore, #tpu.memory_space<semaphore_mem>>)
      %dma_wait3A_30 = arith.constant 0 : i32
      %dma_wait3A_31 = tpu.memref_slice %arg11[%mul3A_2, %dma_wait3A_30] : memref<10240x128xf32, #tpu.memory_space<vmem_shared>> -> memref<640x128xf32, #tpu.memory_space<vmem_shared>>
      tpu.wait_dma2 semaphore(%run_scoped3A_27 : memref<!tpu.dma_semaphore, #tpu.memory_space<semaphore_mem>>) src(%arg5 : memref<640x128xf32, #tpu.memory_space<hbm>>) dst(%dma_wait3A_31 : memref<640x128xf32, #tpu.memory_space<vmem_shared>>)
      tpu.yield
    }) : () -> ()
    "tpu.region"() ({
      %run_scoped3A_27 = tpu.sem_alloc : memref<!tpu.dma_semaphore, #tpu.memory_space<semaphore_mem>>
      %dma_start3A_28 = arith.constant 0 : i32
      %dma_start3A_29 = tpu.memref_slice %arg3[%add3A, %dma_start3A_28] : memref<32x10000xi32, #tpu.memory_space<hbm>> -> memref<1x10000xi32, #tpu.memory_space<hbm>>
      %dma_start3A_30 = tpu.memref_squeeze %dma_start3A_29 : memref<1x10000xi32, #tpu.memory_space<hbm>> -> memref<10000xi32, #tpu.memory_space<hbm>>
      %dma_start3A_31 = arith.constant 0 : i32
      %dma_start3A_32 = tpu.memref_slice %arg3[%add3A, %dma_start3A_31] : memref<32x10000xi32, #tpu.memory_space<hbm>> -> memref<1x10000xi32, #tpu.memory_space<hbm>>
      %dma_start3A_33 = tpu.memref_squeeze %dma_start3A_32 : memref<1x10000xi32, #tpu.memory_space<hbm>> -> memref<10000xi32, #tpu.memory_space<hbm>>
      tpu.enqueue_dma source(%dma_start3A_33 : memref<10000xi32, #tpu.memory_space<hbm>>) target(%arg7 : memref<10000xi32, #tpu.memory_space<vmem>>) target_semaphore(%run_scoped3A_27 : memref<!tpu.dma_semaphore, #tpu.memory_space<semaphore_mem>>)
      %dma_wait3A_34 = arith.constant 0 : i32
      %dma_wait3A_35 = tpu.memref_slice %arg3[%add3A, %dma_wait3A_34] : memref<32x10000xi32, #tpu.memory_space<hbm>> -> memref<1x10000xi32, #tpu.memory_space<hbm>>
      %dma_wait3A_36 = tpu.memref_squeeze %dma_wait3A_35 : memref<1x10000xi32, #tpu.memory_space<hbm>> -> memref<10000xi32, #tpu.memory_space<hbm>>
      %dma_wait3A_37 = arith.constant 0 : i32
      %dma_wait3A_38 = tpu.memref_slice %arg3[%add3A, %dma_wait3A_37] : memref<32x10000xi32, #tpu.memory_space<hbm>> -> memref<1x10000xi32, #tpu.memory_space<hbm>>
      %dma_wait3A_39 = tpu.memref_squeeze %dma_wait3A_38 : memref<1x10000xi32, #tpu.memory_space<hbm>> -> memref<10000xi32, #tpu.memory_space<hbm>>
      tpu.wait_dma2 semaphore(%run_scoped3A_27 : memref<!tpu.dma_semaphore, #tpu.memory_space<semaphore_mem>>) src(%dma_wait3A_39 : memref<10000xi32, #tpu.memory_space<hbm>>) dst(%arg7 : memref<10000xi32, #tpu.memory_space<vmem>>)
      tpu.yield
    }) : () -> ()
    "tpu.region"() ({
      %run_scoped3A_27 = tpu.sem_alloc : memref<!tpu.dma_semaphore, #tpu.memory_space<semaphore_mem>>
      %dma_start3A_28 = arith.constant 0 : i32
      %dma_start3A_29 = arith.constant 0 : i32
      %dma_start3A_30 = tpu.memref_slice %arg8[%dma_start3A_28, %dma_start3A_29] : memref<128x80xi32, #tpu.memory_space<vmem>> -> memref<125x80xi32, #tpu.memory_space<vmem>>
      %dma_start3A_31 = arith.constant 0 : i32
      %dma_start3A_32 = arith.constant 0 : i32
      %dma_start3A_33 = tpu.memref_slice %arg4[%add3A, %dma_start3A_31, %dma_start3A_32] : memref<32x125x80xi32, #tpu.memory_space<hbm>> -> memref<1x125x80xi32, #tpu.memory_space<hbm>>
      %dma_start3A_34 = tpu.memref_squeeze %dma_start3A_33 : memref<1x125x80xi32, #tpu.memory_space<hbm>> -> memref<125x80xi32, #tpu.memory_space<hbm>>
      %dma_start3A_35 = arith.constant 0 : i32
      %dma_start3A_36 = arith.constant 0 : i32
      %dma_start3A_37 = tpu.memref_slice %arg8[%dma_start3A_35, %dma_start3A_36] : memref<128x80xi32, #tpu.memory_space<vmem>> -> memref<125x80xi32, #tpu.memory_space<vmem>>
      %dma_start3A_38 = arith.constant 0 : i32
      %dma_start3A_39 = arith.constant 0 : i32
      %dma_start3A_40 = tpu.memref_slice %arg4[%add3A, %dma_start3A_38, %dma_start3A_39] : memref<32x125x80xi32, #tpu.memory_space<hbm>> -> memref<1x125x80xi32, #tpu.memory_space<hbm>>
      %dma_start3A_41 = tpu.memref_squeeze %dma_start3A_40 : memref<1x125x80xi32, #tpu.memory_space<hbm>> -> memref<125x80xi32, #tpu.memory_space<hbm>>
      tpu.enqueue_dma source(%dma_start3A_41 : memref<125x80xi32, #tpu.memory_space<hbm>>) target(%dma_start3A_37 : memref<125x80xi32, #tpu.memory_space<vmem>>) target_semaphore(%run_scoped3A_27 : memref<!tpu.dma_semaphore, #tpu.memory_space<semaphore_mem>>)
      %dma_wait3A_42 = arith.constant 0 : i32
      %dma_wait3A_43 = arith.constant 0 : i32
      %dma_wait3A_44 = tpu.memref_slice %arg8[%dma_wait3A_42, %dma_wait3A_43] : memref<128x80xi32, #tpu.memory_space<vmem>> -> memref<125x80xi32, #tpu.memory_space<vmem>>
      %dma_wait3A_45 = arith.constant 0 : i32
      %dma_wait3A_46 = arith.constant 0 : i32
      %dma_wait3A_47 = tpu.memref_slice %arg4[%add3A, %dma_wait3A_45, %dma_wait3A_46] : memref<32x125x80xi32, #tpu.memory_space<hbm>> -> memref<1x125x80xi32, #tpu.memory_space<hbm>>
      %dma_wait3A_48 = tpu.memref_squeeze %dma_wait3A_47 : memref<1x125x80xi32, #tpu.memory_space<hbm>> -> memref<125x80xi32, #tpu.memory_space<hbm>>
      %dma_wait3A_49 = arith.constant 0 : i32
      %dma_wait3A_50 = arith.constant 0 : i32
      %dma_wait3A_51 = tpu.memref_slice %arg8[%dma_wait3A_49, %dma_wait3A_50] : memref<128x80xi32, #tpu.memory_space<vmem>> -> memref<125x80xi32, #tpu.memory_space<vmem>>
      %dma_wait3A_52 = arith.constant 0 : i32
      %dma_wait3A_53 = arith.constant 0 : i32
      %dma_wait3A_54 = tpu.memref_slice %arg4[%add3A, %dma_wait3A_52, %dma_wait3A_53] : memref<32x125x80xi32, #tpu.memory_space<hbm>> -> memref<1x125x80xi32, #tpu.memory_space<hbm>>
      %dma_wait3A_55 = tpu.memref_squeeze %dma_wait3A_54 : memref<1x125x80xi32, #tpu.memory_space<hbm>> -> memref<125x80xi32, #tpu.memory_space<hbm>>
      tpu.wait_dma2 semaphore(%run_scoped3A_27 : memref<!tpu.dma_semaphore, #tpu.memory_space<semaphore_mem>>) src(%dma_wait3A_55 : memref<125x80xi32, #tpu.memory_space<hbm>>) dst(%dma_wait3A_51 : memref<125x80xi32, #tpu.memory_space<vmem>>)
      tpu.yield
    }) : () -> ()
    %barrier3A = arith.constant 0 : index
    tpu.barrier barrier_id(%barrier3A)
    %multiple_of3A = arith.constant 0 : i32
    %multiple_of3A_3 = tpu.assume_multiple %multiple_of3A, 80 : i32
    %dma_start3A = tpu.memref_slice %arg7[%multiple_of3A_3] : memref<10000xi32, #tpu.memory_space<vmem>> -> memref<80xi32, #tpu.memory_space<vmem>>
    %dma_start3A_4 = arith.constant 0 : i32
    %dma_start3A_5 = arith.constant 0 : i32
    %dma_start3A_6 = tpu.memref_slice %arg2[%dma_start3A_4, %dma_start3A_5] : memref<10240x128xf32, #tpu.memory_space<hbm>> -> memref<10240x128xf32, #tpu.memory_space<hbm>>
    tpu.enqueue_indirect_dma source(%dma_start3A_6 : memref<10240x128xf32, #tpu.memory_space<hbm>>) target(%arg9 : memref<80x128xf32, #tpu.memory_space<vmem>>) offsets(%dma_start3A : memref<80xi32, #tpu.memory_space<vmem>>) semaphore(%arg12 : memref<!tpu.dma_semaphore, #tpu.memory_space<semaphore_mem>>)
    %multiple_of3A_7 = arith.constant 80 : i32
    %multiple_of3A_8 = tpu.assume_multiple %multiple_of3A_7, 80 : i32
    %dma_start3A_9 = tpu.memref_slice %arg7[%multiple_of3A_8] : memref<10000xi32, #tpu.memory_space<vmem>> -> memref<80xi32, #tpu.memory_space<vmem>>
    %dma_start3A_10 = arith.constant 0 : i32
    %dma_start3A_11 = arith.constant 0 : i32
    %dma_start3A_12 = tpu.memref_slice %arg2[%dma_start3A_10, %dma_start3A_11] : memref<10240x128xf32, #tpu.memory_space<hbm>> -> memref<10240x128xf32, #tpu.memory_space<hbm>>
    tpu.enqueue_indirect_dma source(%dma_start3A_12 : memref<10240x128xf32, #tpu.memory_space<hbm>>) target(%arg10 : memref<80x128xf32, #tpu.memory_space<vmem>>) offsets(%dma_start3A_9 : memref<80xi32, #tpu.memory_space<vmem>>) semaphore(%arg13 : memref<!tpu.dma_semaphore, #tpu.memory_space<semaphore_mem>>)
    %scan3A = arith.constant 0 : i32
    %scan3A_13 = arith.constant 0 : i32
    %scan3A_14 = arith.constant 62 : i32
    %scan3A_15 = arith.addi %scan3A_13, %scan3A_14 : i32
    %scan3A_16 = arith.constant 1 : i32
    scf.for %scan3A_27 = %scan3A_13 to %scan3A_15 step %scan3A_16  : i32 {
      %mul3A_28 = arith.constant 2 : i32
      %mul3A_29 = arith.muli %mul3A_28, %scan3A_27 : i32
      %add3A_30 = arith.constant 0 : i32
      %add3A_31 = arith.addi %mul3A_29, %add3A_30 : i32
      %dma_wait3A_32 = arith.constant 0 : i32
      %dma_wait3A_33 = tpu.memref_slice %arg7[%dma_wait3A_32] : memref<10000xi32, #tpu.memory_space<vmem>> -> memref<80xi32, #tpu.memory_space<vmem>>
      %dma_wait3A_34 = arith.constant 0 : i32
      %dma_wait3A_35 = arith.constant 0 : i32
      %dma_wait3A_36 = tpu.memref_slice %arg2[%dma_wait3A_34, %dma_wait3A_35] : memref<10240x128xf32, #tpu.memory_space<hbm>> -> memref<10240x128xf32, #tpu.memory_space<hbm>>
      tpu.wait_indirect_dma semaphore(%arg12 : memref<!tpu.dma_semaphore, #tpu.memory_space<semaphore_mem>>) src(%dma_wait3A_36 : memref<10240x128xf32, #tpu.memory_space<hbm>>) dst(%arg9 : memref<80x128xf32, #tpu.memory_space<vmem>>)
      "tpu.region"() ({
        %run_scoped3A_57 = tpu.sem_alloc : memref<!tpu.dma_semaphore, #tpu.memory_space<semaphore_mem>>
        %dma_start3A_58 = arith.constant 0 : i32
        %dma_start3A_59 = tpu.memref_slice %arg8[%add3A_31, %dma_start3A_58] : memref<128x80xi32, #tpu.memory_space<vmem>> -> memref<1x80xi32, #tpu.memory_space<vmem>>
        %dma_start3A_60 = tpu.memref_squeeze %dma_start3A_59 : memref<1x80xi32, #tpu.memory_space<vmem>> -> memref<80xi32, #tpu.memory_space<vmem>>
        %dma_start3A_61 = arith.constant 0 : i32
        %dma_start3A_62 = arith.constant 0 : i32
        %dma_start3A_63 = tpu.memref_slice %arg11[%dma_start3A_61, %dma_start3A_62] : memref<10240x128xf32, #tpu.memory_space<vmem_shared>> -> memref<10240x128xf32, #tpu.memory_space<vmem_shared>>
        tpu.enqueue_indirect_dma source(%arg9 : memref<80x128xf32, #tpu.memory_space<vmem>>) target(%dma_start3A_63 : memref<10240x128xf32, #tpu.memory_space<vmem_shared>>) offsets(%dma_start3A_60 : memref<80xi32, #tpu.memory_space<vmem>>) semaphore(%run_scoped3A_57 : memref<!tpu.dma_semaphore, #tpu.memory_space<semaphore_mem>>) {add = true}
        %dma_wait3A_64 = arith.constant 0 : i32
        %dma_wait3A_65 = tpu.memref_slice %arg8[%add3A_31, %dma_wait3A_64] : memref<128x80xi32, #tpu.memory_space<vmem>> -> memref<1x80xi32, #tpu.memory_space<vmem>>
        %dma_wait3A_66 = tpu.memref_squeeze %dma_wait3A_65 : memref<1x80xi32, #tpu.memory_space<vmem>> -> memref<80xi32, #tpu.memory_space<vmem>>
        %dma_wait3A_67 = arith.constant 0 : i32
        %dma_wait3A_68 = arith.constant 0 : i32
        %dma_wait3A_69 = tpu.memref_slice %arg11[%dma_wait3A_67, %dma_wait3A_68] : memref<10240x128xf32, #tpu.memory_space<vmem_shared>> -> memref<10240x128xf32, #tpu.memory_space<vmem_shared>>
        tpu.wait_indirect_dma semaphore(%run_scoped3A_57 : memref<!tpu.dma_semaphore, #tpu.memory_space<semaphore_mem>>) src(%arg9 : memref<80x128xf32, #tpu.memory_space<vmem>>) dst(%dma_wait3A_69 : memref<10240x128xf32, #tpu.memory_space<vmem_shared>>)
        tpu.yield
      }) : () -> ()
      %add3A_37 = arith.constant 2 : i32
      %add3A_38 = arith.addi %add3A_31, %add3A_37 : i32
      %mul3A_39 = arith.constant 80 : i32
      %mul3A_40 = arith.muli %add3A_38, %mul3A_39 : i32
      %multiple_of3A_41 = tpu.assume_multiple %mul3A_40, 80 : i32
      %dma_start3A_42 = tpu.memref_slice %arg7[%multiple_of3A_41] : memref<10000xi32, #tpu.memory_space<vmem>> -> memref<80xi32, #tpu.memory_space<vmem>>
      %dma_start3A_43 = arith.constant 0 : i32
      %dma_start3A_44 = arith.constant 0 : i32
      %dma_start3A_45 = tpu.memref_slice %arg2[%dma_start3A_43, %dma_start3A_44] : memref<10240x128xf32, #tpu.memory_space<hbm>> -> memref<10240x128xf32, #tpu.memory_space<hbm>>
      tpu.enqueue_indirect_dma source(%dma_start3A_45 : memref<10240x128xf32, #tpu.memory_space<hbm>>) target(%arg9 : memref<80x128xf32, #tpu.memory_space<vmem>>) offsets(%dma_start3A_42 : memref<80xi32, #tpu.memory_space<vmem>>) semaphore(%arg12 : memref<!tpu.dma_semaphore, #tpu.memory_space<semaphore_mem>>)
      %mul3A_46 = arith.constant 2 : i32
      %mul3A_47 = arith.muli %mul3A_46, %scan3A_27 : i32
      %add3A_48 = arith.constant 1 : i32
      %add3A_49 = arith.addi %mul3A_47, %add3A_48 : i32
      %dma_wait3A_50 = arith.constant 0 : i32
      %dma_wait3A_51 = tpu.memref_slice %arg7[%dma_wait3A_50] : memref<10000xi32, #tpu.memory_space<vmem>> -> memref<80xi32, #tpu.memory_space<vmem>>
      %dma_wait3A_52 = arith.constant 0 : i32
      %dma_wait3A_53 = arith.constant 0 : i32
      %dma_wait3A_54 = tpu.memref_slice %arg2[%dma_wait3A_52, %dma_wait3A_53] : memref<10240x128xf32, #tpu.memory_space<hbm>> -> memref<10240x128xf32, #tpu.memory_space<hbm>>
      tpu.wait_indirect_dma semaphore(%arg13 : memref<!tpu.dma_semaphore, #tpu.memory_space<semaphore_mem>>) src(%dma_wait3A_54 : memref<10240x128xf32, #tpu.memory_space<hbm>>) dst(%arg10 : memref<80x128xf32, #tpu.memory_space<vmem>>)
      "tpu.region"() ({
        %run_scoped3A_57 = tpu.sem_alloc : memref<!tpu.dma_semaphore, #tpu.memory_space<semaphore_mem>>
        %dma_start3A_58 = arith.constant 0 : i32
        %dma_start3A_59 = tpu.memref_slice %arg8[%add3A_49, %dma_start3A_58] : memref<128x80xi32, #tpu.memory_space<vmem>> -> memref<1x80xi32, #tpu.memory_space<vmem>>
        %dma_start3A_60 = tpu.memref_squeeze %dma_start3A_59 : memref<1x80xi32, #tpu.memory_space<vmem>> -> memref<80xi32, #tpu.memory_space<vmem>>
        %dma_start3A_61 = arith.constant 0 : i32
        %dma_start3A_62 = arith.constant 0 : i32
        %dma_start3A_63 = tpu.memref_slice %arg11[%dma_start3A_61, %dma_start3A_62] : memref<10240x128xf32, #tpu.memory_space<vmem_shared>> -> memref<10240x128xf32, #tpu.memory_space<vmem_shared>>
        tpu.enqueue_indirect_dma source(%arg10 : memref<80x128xf32, #tpu.memory_space<vmem>>) target(%dma_start3A_63 : memref<10240x128xf32, #tpu.memory_space<vmem_shared>>) offsets(%dma_start3A_60 : memref<80xi32, #tpu.memory_space<vmem>>) semaphore(%run_scoped3A_57 : memref<!tpu.dma_semaphore, #tpu.memory_space<semaphore_mem>>) {add = true}
        %dma_wait3A_64 = arith.constant 0 : i32
        %dma_wait3A_65 = tpu.memref_slice %arg8[%add3A_49, %dma_wait3A_64] : memref<128x80xi32, #tpu.memory_space<vmem>> -> memref<1x80xi32, #tpu.memory_space<vmem>>
        %dma_wait3A_66 = tpu.memref_squeeze %dma_wait3A_65 : memref<1x80xi32, #tpu.memory_space<vmem>> -> memref<80xi32, #tpu.memory_space<vmem>>
        %dma_wait3A_67 = arith.constant 0 : i32
        %dma_wait3A_68 = arith.constant 0 : i32
        %dma_wait3A_69 = tpu.memref_slice %arg11[%dma_wait3A_67, %dma_wait3A_68] : memref<10240x128xf32, #tpu.memory_space<vmem_shared>> -> memref<10240x128xf32, #tpu.memory_space<vmem_shared>>
        tpu.wait_indirect_dma semaphore(%run_scoped3A_57 : memref<!tpu.dma_semaphore, #tpu.memory_space<semaphore_mem>>) src(%arg10 : memref<80x128xf32, #tpu.memory_space<vmem>>) dst(%dma_wait3A_69 : memref<10240x128xf32, #tpu.memory_space<vmem_shared>>)
        tpu.yield
      }) : () -> ()
      %lt3A = arith.constant 61 : i32
      %lt3A_55 = arith.cmpi slt, %scan3A_27, %lt3A : i32
      %convert_element_type3A = arith.extui %lt3A_55 : i1 to i32
      %cond3A = arith.constant 0 : i32
      %cond3A_56 = arith.cmpi ne, %convert_element_type3A, %cond3A : i32
      scf.if %cond3A_56 {
        %add3A_57 = arith.constant 2 : i32
        %add3A_58 = arith.addi %add3A_49, %add3A_57 : i32
        %mul3A_59 = arith.constant 80 : i32
        %mul3A_60 = arith.muli %add3A_58, %mul3A_59 : i32
        %multiple_of3A_61 = tpu.assume_multiple %mul3A_60, 80 : i32
        %dma_start3A_62 = tpu.memref_slice %arg7[%multiple_of3A_61] : memref<10000xi32, #tpu.memory_space<vmem>> -> memref<80xi32, #tpu.memory_space<vmem>>
        %dma_start3A_63 = arith.constant 0 : i32
        %dma_start3A_64 = arith.constant 0 : i32
        %dma_start3A_65 = tpu.memref_slice %arg2[%dma_start3A_63, %dma_start3A_64] : memref<10240x128xf32, #tpu.memory_space<hbm>> -> memref<10240x128xf32, #tpu.memory_space<hbm>>
        tpu.enqueue_indirect_dma source(%dma_start3A_65 : memref<10240x128xf32, #tpu.memory_space<hbm>>) target(%arg10 : memref<80x128xf32, #tpu.memory_space<vmem>>) offsets(%dma_start3A_62 : memref<80xi32, #tpu.memory_space<vmem>>) semaphore(%arg13 : memref<!tpu.dma_semaphore, #tpu.memory_space<semaphore_mem>>)
      } else {
      }
    }
    %scan3A_17 = arith.constant 62 : i32
    %dma_wait3A = arith.constant 0 : i32
    %dma_wait3A_18 = tpu.memref_slice %arg7[%dma_wait3A] : memref<10000xi32, #tpu.memory_space<vmem>> -> memref<80xi32, #tpu.memory_space<vmem>>
    %dma_wait3A_19 = arith.constant 0 : i32
    %dma_wait3A_20 = arith.constant 0 : i32
    %dma_wait3A_21 = tpu.memref_slice %arg2[%dma_wait3A_19, %dma_wait3A_20] : memref<10240x128xf32, #tpu.memory_space<hbm>> -> memref<10240x128xf32, #tpu.memory_space<hbm>>
    tpu.wait_indirect_dma semaphore(%arg12 : memref<!tpu.dma_semaphore, #tpu.memory_space<semaphore_mem>>) src(%dma_wait3A_21 : memref<10240x128xf32, #tpu.memory_space<hbm>>) dst(%arg9 : memref<80x128xf32, #tpu.memory_space<vmem>>)
    %run_scoped3A = arith.constant 124 : i32
    "tpu.region"() ({
      %run_scoped3A_27 = tpu.sem_alloc : memref<!tpu.dma_semaphore, #tpu.memory_space<semaphore_mem>>
      %dma_start3A_28 = arith.constant 0 : i32
      %dma_start3A_29 = tpu.memref_slice %arg8[%run_scoped3A, %dma_start3A_28] : memref<128x80xi32, #tpu.memory_space<vmem>> -> memref<1x80xi32, #tpu.memory_space<vmem>>
      %dma_start3A_30 = tpu.memref_squeeze %dma_start3A_29 : memref<1x80xi32, #tpu.memory_space<vmem>> -> memref<80xi32, #tpu.memory_space<vmem>>
      %dma_start3A_31 = arith.constant 0 : i32
      %dma_start3A_32 = arith.constant 0 : i32
      %dma_start3A_33 = tpu.memref_slice %arg11[%dma_start3A_31, %dma_start3A_32] : memref<10240x128xf32, #tpu.memory_space<vmem_shared>> -> memref<10240x128xf32, #tpu.memory_space<vmem_shared>>
      tpu.enqueue_indirect_dma source(%arg9 : memref<80x128xf32, #tpu.memory_space<vmem>>) target(%dma_start3A_33 : memref<10240x128xf32, #tpu.memory_space<vmem_shared>>) offsets(%dma_start3A_30 : memref<80xi32, #tpu.memory_space<vmem>>) semaphore(%run_scoped3A_27 : memref<!tpu.dma_semaphore, #tpu.memory_space<semaphore_mem>>) {add = true}
      %dma_wait3A_34 = arith.constant 0 : i32
      %dma_wait3A_35 = tpu.memref_slice %arg8[%run_scoped3A, %dma_wait3A_34] : memref<128x80xi32, #tpu.memory_space<vmem>> -> memref<1x80xi32, #tpu.memory_space<vmem>>
      %dma_wait3A_36 = tpu.memref_squeeze %dma_wait3A_35 : memref<1x80xi32, #tpu.memory_space<vmem>> -> memref<80xi32, #tpu.memory_space<vmem>>
      %dma_wait3A_37 = arith.constant 0 : i32
      %dma_wait3A_38 = arith.constant 0 : i32
      %dma_wait3A_39 = tpu.memref_slice %arg11[%dma_wait3A_37, %dma_wait3A_38] : memref<10240x128xf32, #tpu.memory_space<vmem_shared>> -> memref<10240x128xf32, #tpu.memory_space<vmem_shared>>
      tpu.wait_indirect_dma semaphore(%run_scoped3A_27 : memref<!tpu.dma_semaphore, #tpu.memory_space<semaphore_mem>>) src(%arg9 : memref<80x128xf32, #tpu.memory_space<vmem>>) dst(%dma_wait3A_39 : memref<10240x128xf32, #tpu.memory_space<vmem_shared>>)
      tpu.yield
    }) : () -> ()
    %barrier3A_22 = arith.constant 0 : index
    tpu.barrier barrier_id(%barrier3A_22)
    %mul3A_23 = arith.constant 640 : i32
    %mul3A_24 = arith.muli %arg1, %mul3A_23 : i32
    %mul3A_25 = arith.constant 640 : i32
    %mul3A_26 = arith.muli %arg1, %mul3A_25 : i32
    "tpu.region"() ({
      %run_scoped3A_27 = tpu.sem_alloc : memref<!tpu.dma_semaphore, #tpu.memory_space<semaphore_mem>>
      %dma_start3A_28 = arith.constant 0 : i32
      %dma_start3A_29 = tpu.memref_slice %arg6[%arg0, %mul3A_26, %dma_start3A_28] : memref<2x10240x128xf32, #tpu.memory_space<hbm>> -> memref<1x640x128xf32, #tpu.memory_space<hbm>>
      %dma_start3A_30 = tpu.memref_squeeze %dma_start3A_29 : memref<1x640x128xf32, #tpu.memory_space<hbm>> -> memref<640x128xf32, #tpu.memory_space<hbm>>
      %dma_start3A_31 = arith.constant 0 : i32
      %dma_start3A_32 = tpu.memref_slice %arg11[%mul3A_24, %dma_start3A_31] : memref<10240x128xf32, #tpu.memory_space<vmem_shared>> -> memref<640x128xf32, #tpu.memory_space<vmem_shared>>
      tpu.enqueue_dma source(%dma_start3A_32 : memref<640x128xf32, #tpu.memory_space<vmem_shared>>) target(%dma_start3A_30 : memref<640x128xf32, #tpu.memory_space<hbm>>) target_semaphore(%run_scoped3A_27 : memref<!tpu.dma_semaphore, #tpu.memory_space<semaphore_mem>>)
      %dma_wait3A_33 = arith.constant 0 : i32
      %dma_wait3A_34 = tpu.memref_slice %arg6[%arg0, %mul3A_26, %dma_wait3A_33] : memref<2x10240x128xf32, #tpu.memory_space<hbm>> -> memref<1x640x128xf32, #tpu.memory_space<hbm>>
      %dma_wait3A_35 = tpu.memref_squeeze %dma_wait3A_34 : memref<1x640x128xf32, #tpu.memory_space<hbm>> -> memref<640x128xf32, #tpu.memory_space<hbm>>
      %dma_wait3A_36 = arith.constant 0 : i32
      %dma_wait3A_37 = tpu.memref_slice %arg11[%mul3A_24, %dma_wait3A_36] : memref<10240x128xf32, #tpu.memory_space<vmem_shared>> -> memref<640x128xf32, #tpu.memory_space<vmem_shared>>
      tpu.wait_dma2 semaphore(%run_scoped3A_27 : memref<!tpu.dma_semaphore, #tpu.memory_space<semaphore_mem>>) src(%dma_wait3A_37 : memref<640x128xf32, #tpu.memory_space<vmem_shared>>) dst(%dma_wait3A_35 : memref<640x128xf32, #tpu.memory_space<hbm>>)
      tpu.yield
    }) : () -> ()
    return
  }
}

#map = affine_map<(d0, d1) -> (0, 0)>
#map1 = affine_map<(d0, d1) -> (0, 0, 0)>
module attributes {stable_mosaic.version = 14 : i64} {
  func.func @edge_pass(%arg0: i32, %arg1: i32, %arg2: memref<10240x128xf32, #tpu.memory_space<hbm>>, %arg3: memref<32x10000xi32, #tpu.memory_space<hbm>>, %arg4: memref<32x125x80xi32, #tpu.memory_space<hbm>>, %arg5: memref<640x128xf32, #tpu.memory_space<hbm>>, %arg6: memref<2x10240x128xf32, #tpu.memory_space<hbm>>, %arg7: memref<10000xi32, #tpu.memory_space<vmem>>, %arg8: memref<128x80xi32, #tpu.memory_space<vmem>>, %arg9: memref<80x128xf32, #tpu.memory_space<vmem>>, %arg10: memref<80x128xf32, #tpu.memory_space<vmem>>, %arg11: memref<10240x128xf32, #tpu.memory_space<vmem_shared>>, %arg12: memref<!tpu.dma_semaphore, #tpu.memory_space<semaphore_mem>>, %arg13: memref<!tpu.dma_semaphore, #tpu.memory_space<semaphore_mem>>) attributes {dimension_semantics = [#tpu.dimension_semantics<core_parallel>, #tpu.dimension_semantics<subcore_parallel>], iteration_bounds = array<i64: 2, 16>, scalar_prefetch = 0 : i64, scratch_operands = 7 : i64, tpu.core_type = #tpu.core_type<sc_vector_subcore>, window_params = [{transform_indices = #map}, {transform_indices = #map}, {transform_indices = #map1}, {transform_indices = #map}, {transform_indices = #map1}]} {
    %mul3A = arith.constant 2 : i32
    %mul3A_0 = arith.muli %arg1, %mul3A : i32
    %add3A = arith.addi %mul3A_0, %arg0 : i32
    %mul3A_1 = arith.constant 640 : i32
    %mul3A_2 = arith.muli %arg1, %mul3A_1 : i32
    "tpu.region"() ({
      %run_scoped3A_27 = tpu.sem_alloc : memref<!tpu.dma_semaphore, #tpu.memory_space<semaphore_mem>>
      %dma_start3A_28 = arith.constant 0 : i32
      %dma_start3A_29 = tpu.memref_slice %arg11[%mul3A_2, %dma_start3A_28] : memref<10240x128xf32, #tpu.memory_space<vmem_shared>> -> memref<640x128xf32, #tpu.memory_space<vmem_shared>>
      tpu.enqueue_dma source(%arg5 : memref<640x128xf32, #tpu.memory_space<hbm>>) target(%dma_start3A_29 : memref<640x128xf32, #tpu.memory_space<vmem_shared>>) target_semaphore(%run_scoped3A_27 : memref<!tpu.dma_semaphore, #tpu.memory_space<semaphore_mem>>)
      %dma_wait3A_30 = arith.constant 0 : i32
      %dma_wait3A_31 = tpu.memref_slice %arg11[%mul3A_2, %dma_wait3A_30] : memref<10240x128xf32, #tpu.memory_space<vmem_shared>> -> memref<640x128xf32, #tpu.memory_space<vmem_shared>>
      tpu.wait_dma2 semaphore(%run_scoped3A_27 : memref<!tpu.dma_semaphore, #tpu.memory_space<semaphore_mem>>) src(%arg5 : memref<640x128xf32, #tpu.memory_space<hbm>>) dst(%dma_wait3A_31 : memref<640x128xf32, #tpu.memory_space<vmem_shared>>)
      tpu.yield
    }) : () -> ()
    "tpu.region"() ({
      %run_scoped3A_27 = tpu.sem_alloc : memref<!tpu.dma_semaphore, #tpu.memory_space<semaphore_mem>>
      %dma_start3A_28 = arith.constant 0 : i32
      %dma_start3A_29 = tpu.memref_slice %arg3[%add3A, %dma_start3A_28] : memref<32x10000xi32, #tpu.memory_space<hbm>> -> memref<1x10000xi32, #tpu.memory_space<hbm>>
      %dma_start3A_30 = tpu.memref_squeeze %dma_start3A_29 : memref<1x10000xi32, #tpu.memory_space<hbm>> -> memref<10000xi32, #tpu.memory_space<hbm>>
      %dma_start3A_31 = arith.constant 0 : i32
      %dma_start3A_32 = tpu.memref_slice %arg3[%add3A, %dma_start3A_31] : memref<32x10000xi32, #tpu.memory_space<hbm>> -> memref<1x10000xi32, #tpu.memory_space<hbm>>
      %dma_start3A_33 = tpu.memref_squeeze %dma_start3A_32 : memref<1x10000xi32, #tpu.memory_space<hbm>> -> memref<10000xi32, #tpu.memory_space<hbm>>
      tpu.enqueue_dma source(%dma_start3A_33 : memref<10000xi32, #tpu.memory_space<hbm>>) target(%arg7 : memref<10000xi32, #tpu.memory_space<vmem>>) target_semaphore(%run_scoped3A_27 : memref<!tpu.dma_semaphore, #tpu.memory_space<semaphore_mem>>)
      %dma_wait3A_34 = arith.constant 0 : i32
      %dma_wait3A_35 = tpu.memref_slice %arg3[%add3A, %dma_wait3A_34] : memref<32x10000xi32, #tpu.memory_space<hbm>> -> memref<1x10000xi32, #tpu.memory_space<hbm>>
      %dma_wait3A_36 = tpu.memref_squeeze %dma_wait3A_35 : memref<1x10000xi32, #tpu.memory_space<hbm>> -> memref<10000xi32, #tpu.memory_space<hbm>>
      %dma_wait3A_37 = arith.constant 0 : i32
      %dma_wait3A_38 = tpu.memref_slice %arg3[%add3A, %dma_wait3A_37] : memref<32x10000xi32, #tpu.memory_space<hbm>> -> memref<1x10000xi32, #tpu.memory_space<hbm>>
      %dma_wait3A_39 = tpu.memref_squeeze %dma_wait3A_38 : memref<1x10000xi32, #tpu.memory_space<hbm>> -> memref<10000xi32, #tpu.memory_space<hbm>>
      tpu.wait_dma2 semaphore(%run_scoped3A_27 : memref<!tpu.dma_semaphore, #tpu.memory_space<semaphore_mem>>) src(%dma_wait3A_39 : memref<10000xi32, #tpu.memory_space<hbm>>) dst(%arg7 : memref<10000xi32, #tpu.memory_space<vmem>>)
      tpu.yield
    }) : () -> ()
    "tpu.region"() ({
      %run_scoped3A_27 = tpu.sem_alloc : memref<!tpu.dma_semaphore, #tpu.memory_space<semaphore_mem>>
      %dma_start3A_28 = arith.constant 0 : i32
      %dma_start3A_29 = arith.constant 0 : i32
      %dma_start3A_30 = tpu.memref_slice %arg8[%dma_start3A_28, %dma_start3A_29] : memref<128x80xi32, #tpu.memory_space<vmem>> -> memref<125x80xi32, #tpu.memory_space<vmem>>
      %dma_start3A_31 = arith.constant 0 : i32
      %dma_start3A_32 = arith.constant 0 : i32
      %dma_start3A_33 = tpu.memref_slice %arg4[%add3A, %dma_start3A_31, %dma_start3A_32] : memref<32x125x80xi32, #tpu.memory_space<hbm>> -> memref<1x125x80xi32, #tpu.memory_space<hbm>>
      %dma_start3A_34 = tpu.memref_squeeze %dma_start3A_33 : memref<1x125x80xi32, #tpu.memory_space<hbm>> -> memref<125x80xi32, #tpu.memory_space<hbm>>
      %dma_start3A_35 = arith.constant 0 : i32
      %dma_start3A_36 = arith.constant 0 : i32
      %dma_start3A_37 = tpu.memref_slice %arg8[%dma_start3A_35, %dma_start3A_36] : memref<128x80xi32, #tpu.memory_space<vmem>> -> memref<125x80xi32, #tpu.memory_space<vmem>>
      %dma_start3A_38 = arith.constant 0 : i32
      %dma_start3A_39 = arith.constant 0 : i32
      %dma_start3A_40 = tpu.memref_slice %arg4[%add3A, %dma_start3A_38, %dma_start3A_39] : memref<32x125x80xi32, #tpu.memory_space<hbm>> -> memref<1x125x80xi32, #tpu.memory_space<hbm>>
      %dma_start3A_41 = tpu.memref_squeeze %dma_start3A_40 : memref<1x125x80xi32, #tpu.memory_space<hbm>> -> memref<125x80xi32, #tpu.memory_space<hbm>>
      tpu.enqueue_dma source(%dma_start3A_41 : memref<125x80xi32, #tpu.memory_space<hbm>>) target(%dma_start3A_37 : memref<125x80xi32, #tpu.memory_space<vmem>>) target_semaphore(%run_scoped3A_27 : memref<!tpu.dma_semaphore, #tpu.memory_space<semaphore_mem>>)
      %dma_wait3A_42 = arith.constant 0 : i32
      %dma_wait3A_43 = arith.constant 0 : i32
      %dma_wait3A_44 = tpu.memref_slice %arg8[%dma_wait3A_42, %dma_wait3A_43] : memref<128x80xi32, #tpu.memory_space<vmem>> -> memref<125x80xi32, #tpu.memory_space<vmem>>
      %dma_wait3A_45 = arith.constant 0 : i32
      %dma_wait3A_46 = arith.constant 0 : i32
      %dma_wait3A_47 = tpu.memref_slice %arg4[%add3A, %dma_wait3A_45, %dma_wait3A_46] : memref<32x125x80xi32, #tpu.memory_space<hbm>> -> memref<1x125x80xi32, #tpu.memory_space<hbm>>
      %dma_wait3A_48 = tpu.memref_squeeze %dma_wait3A_47 : memref<1x125x80xi32, #tpu.memory_space<hbm>> -> memref<125x80xi32, #tpu.memory_space<hbm>>
      %dma_wait3A_49 = arith.constant 0 : i32
      %dma_wait3A_50 = arith.constant 0 : i32
      %dma_wait3A_51 = tpu.memref_slice %arg8[%dma_wait3A_49, %dma_wait3A_50] : memref<128x80xi32, #tpu.memory_space<vmem>> -> memref<125x80xi32, #tpu.memory_space<vmem>>
      %dma_wait3A_52 = arith.constant 0 : i32
      %dma_wait3A_53 = arith.constant 0 : i32
      %dma_wait3A_54 = tpu.memref_slice %arg4[%add3A, %dma_wait3A_52, %dma_wait3A_53] : memref<32x125x80xi32, #tpu.memory_space<hbm>> -> memref<1x125x80xi32, #tpu.memory_space<hbm>>
      %dma_wait3A_55 = tpu.memref_squeeze %dma_wait3A_54 : memref<1x125x80xi32, #tpu.memory_space<hbm>> -> memref<125x80xi32, #tpu.memory_space<hbm>>
      tpu.wait_dma2 semaphore(%run_scoped3A_27 : memref<!tpu.dma_semaphore, #tpu.memory_space<semaphore_mem>>) src(%dma_wait3A_55 : memref<125x80xi32, #tpu.memory_space<hbm>>) dst(%dma_wait3A_51 : memref<125x80xi32, #tpu.memory_space<vmem>>)
      tpu.yield
    }) : () -> ()
    %barrier3A = arith.constant 0 : index
    tpu.barrier barrier_id(%barrier3A)
    %multiple_of3A = arith.constant 0 : i32
    %multiple_of3A_3 = tpu.assume_multiple %multiple_of3A, 80 : i32
    %dma_start3A = tpu.memref_slice %arg7[%multiple_of3A_3] : memref<10000xi32, #tpu.memory_space<vmem>> -> memref<80xi32, #tpu.memory_space<vmem>>
    %dma_start3A_4 = arith.constant 0 : i32
    %dma_start3A_5 = arith.constant 0 : i32
    %dma_start3A_6 = tpu.memref_slice %arg2[%dma_start3A_4, %dma_start3A_5] : memref<10240x128xf32, #tpu.memory_space<hbm>> -> memref<10240x128xf32, #tpu.memory_space<hbm>>
    tpu.enqueue_indirect_dma source(%dma_start3A_6 : memref<10240x128xf32, #tpu.memory_space<hbm>>) target(%arg9 : memref<80x128xf32, #tpu.memory_space<vmem>>) offsets(%dma_start3A : memref<80xi32, #tpu.memory_space<vmem>>) semaphore(%arg12 : memref<!tpu.dma_semaphore, #tpu.memory_space<semaphore_mem>>)
    %multiple_of3A_7 = arith.constant 80 : i32
    %multiple_of3A_8 = tpu.assume_multiple %multiple_of3A_7, 80 : i32
    %dma_start3A_9 = tpu.memref_slice %arg7[%multiple_of3A_8] : memref<10000xi32, #tpu.memory_space<vmem>> -> memref<80xi32, #tpu.memory_space<vmem>>
    %dma_start3A_10 = arith.constant 0 : i32
    %dma_start3A_11 = arith.constant 0 : i32
    %dma_start3A_12 = tpu.memref_slice %arg2[%dma_start3A_10, %dma_start3A_11] : memref<10240x128xf32, #tpu.memory_space<hbm>> -> memref<10240x128xf32, #tpu.memory_space<hbm>>
    tpu.enqueue_indirect_dma source(%dma_start3A_12 : memref<10240x128xf32, #tpu.memory_space<hbm>>) target(%arg10 : memref<80x128xf32, #tpu.memory_space<vmem>>) offsets(%dma_start3A_9 : memref<80xi32, #tpu.memory_space<vmem>>) semaphore(%arg13 : memref<!tpu.dma_semaphore, #tpu.memory_space<semaphore_mem>>)
    %scan3A = arith.constant 0 : i32
    %scan3A_13 = arith.constant 0 : i32
    %scan3A_14 = arith.constant 62 : i32
    %scan3A_15 = arith.addi %scan3A_13, %scan3A_14 : i32
    %scan3A_16 = arith.constant 1 : i32
    scf.for %scan3A_27 = %scan3A_13 to %scan3A_15 step %scan3A_16  : i32 {
      %mul3A_28 = arith.constant 2 : i32
      %mul3A_29 = arith.muli %mul3A_28, %scan3A_27 : i32
      %add3A_30 = arith.constant 0 : i32
      %add3A_31 = arith.addi %mul3A_29, %add3A_30 : i32
      %dma_wait3A_32 = arith.constant 0 : i32
      %dma_wait3A_33 = tpu.memref_slice %arg7[%dma_wait3A_32] : memref<10000xi32, #tpu.memory_space<vmem>> -> memref<80xi32, #tpu.memory_space<vmem>>
      %dma_wait3A_34 = arith.constant 0 : i32
      %dma_wait3A_35 = arith.constant 0 : i32
      %dma_wait3A_36 = tpu.memref_slice %arg2[%dma_wait3A_34, %dma_wait3A_35] : memref<10240x128xf32, #tpu.memory_space<hbm>> -> memref<10240x128xf32, #tpu.memory_space<hbm>>
      tpu.wait_indirect_dma semaphore(%arg12 : memref<!tpu.dma_semaphore, #tpu.memory_space<semaphore_mem>>) src(%dma_wait3A_36 : memref<10240x128xf32, #tpu.memory_space<hbm>>) dst(%arg9 : memref<80x128xf32, #tpu.memory_space<vmem>>)
      "tpu.region"() ({
        %run_scoped3A_57 = tpu.sem_alloc : memref<!tpu.dma_semaphore, #tpu.memory_space<semaphore_mem>>
        %dma_start3A_58 = arith.constant 0 : i32
        %dma_start3A_59 = tpu.memref_slice %arg8[%add3A_31, %dma_start3A_58] : memref<128x80xi32, #tpu.memory_space<vmem>> -> memref<1x80xi32, #tpu.memory_space<vmem>>
        %dma_start3A_60 = tpu.memref_squeeze %dma_start3A_59 : memref<1x80xi32, #tpu.memory_space<vmem>> -> memref<80xi32, #tpu.memory_space<vmem>>
        %dma_start3A_61 = arith.constant 0 : i32
        %dma_start3A_62 = arith.constant 0 : i32
        %dma_start3A_63 = tpu.memref_slice %arg11[%dma_start3A_61, %dma_start3A_62] : memref<10240x128xf32, #tpu.memory_space<vmem_shared>> -> memref<10240x128xf32, #tpu.memory_space<vmem_shared>>
        tpu.enqueue_indirect_dma source(%arg9 : memref<80x128xf32, #tpu.memory_space<vmem>>) target(%dma_start3A_63 : memref<10240x128xf32, #tpu.memory_space<vmem_shared>>) offsets(%dma_start3A_60 : memref<80xi32, #tpu.memory_space<vmem>>) semaphore(%run_scoped3A_57 : memref<!tpu.dma_semaphore, #tpu.memory_space<semaphore_mem>>) {add = true}
        %dma_wait3A_64 = arith.constant 0 : i32
        %dma_wait3A_65 = tpu.memref_slice %arg8[%add3A_31, %dma_wait3A_64] : memref<128x80xi32, #tpu.memory_space<vmem>> -> memref<1x80xi32, #tpu.memory_space<vmem>>
        %dma_wait3A_66 = tpu.memref_squeeze %dma_wait3A_65 : memref<1x80xi32, #tpu.memory_space<vmem>> -> memref<80xi32, #tpu.memory_space<vmem>>
        %dma_wait3A_67 = arith.constant 0 : i32
        %dma_wait3A_68 = arith.constant 0 : i32
        %dma_wait3A_69 = tpu.memref_slice %arg11[%dma_wait3A_67, %dma_wait3A_68] : memref<10240x128xf32, #tpu.memory_space<vmem_shared>> -> memref<10240x128xf32, #tpu.memory_space<vmem_shared>>
        tpu.wait_indirect_dma semaphore(%run_scoped3A_57 : memref<!tpu.dma_semaphore, #tpu.memory_space<semaphore_mem>>) src(%arg9 : memref<80x128xf32, #tpu.memory_space<vmem>>) dst(%dma_wait3A_69 : memref<10240x128xf32, #tpu.memory_space<vmem_shared>>)
        tpu.yield
      }) : () -> ()
      %add3A_37 = arith.constant 2 : i32
      %add3A_38 = arith.addi %add3A_31, %add3A_37 : i32
      %mul3A_39 = arith.constant 80 : i32
      %mul3A_40 = arith.muli %add3A_38, %mul3A_39 : i32
      %multiple_of3A_41 = tpu.assume_multiple %mul3A_40, 80 : i32
      %dma_start3A_42 = tpu.memref_slice %arg7[%multiple_of3A_41] : memref<10000xi32, #tpu.memory_space<vmem>> -> memref<80xi32, #tpu.memory_space<vmem>>
      %dma_start3A_43 = arith.constant 0 : i32
      %dma_start3A_44 = arith.constant 0 : i32
      %dma_start3A_45 = tpu.memref_slice %arg2[%dma_start3A_43, %dma_start3A_44] : memref<10240x128xf32, #tpu.memory_space<hbm>> -> memref<10240x128xf32, #tpu.memory_space<hbm>>
      tpu.enqueue_indirect_dma source(%dma_start3A_45 : memref<10240x128xf32, #tpu.memory_space<hbm>>) target(%arg9 : memref<80x128xf32, #tpu.memory_space<vmem>>) offsets(%dma_start3A_42 : memref<80xi32, #tpu.memory_space<vmem>>) semaphore(%arg12 : memref<!tpu.dma_semaphore, #tpu.memory_space<semaphore_mem>>)
      %mul3A_46 = arith.constant 2 : i32
      %mul3A_47 = arith.muli %mul3A_46, %scan3A_27 : i32
      %add3A_48 = arith.constant 1 : i32
      %add3A_49 = arith.addi %mul3A_47, %add3A_48 : i32
      %dma_wait3A_50 = arith.constant 0 : i32
      %dma_wait3A_51 = tpu.memref_slice %arg7[%dma_wait3A_50] : memref<10000xi32, #tpu.memory_space<vmem>> -> memref<80xi32, #tpu.memory_space<vmem>>
      %dma_wait3A_52 = arith.constant 0 : i32
      %dma_wait3A_53 = arith.constant 0 : i32
      %dma_wait3A_54 = tpu.memref_slice %arg2[%dma_wait3A_52, %dma_wait3A_53] : memref<10240x128xf32, #tpu.memory_space<hbm>> -> memref<10240x128xf32, #tpu.memory_space<hbm>>
      tpu.wait_indirect_dma semaphore(%arg13 : memref<!tpu.dma_semaphore, #tpu.memory_space<semaphore_mem>>) src(%dma_wait3A_54 : memref<10240x128xf32, #tpu.memory_space<hbm>>) dst(%arg10 : memref<80x128xf32, #tpu.memory_space<vmem>>)
      "tpu.region"() ({
        %run_scoped3A_57 = tpu.sem_alloc : memref<!tpu.dma_semaphore, #tpu.memory_space<semaphore_mem>>
        %dma_start3A_58 = arith.constant 0 : i32
        %dma_start3A_59 = tpu.memref_slice %arg8[%add3A_49, %dma_start3A_58] : memref<128x80xi32, #tpu.memory_space<vmem>> -> memref<1x80xi32, #tpu.memory_space<vmem>>
        %dma_start3A_60 = tpu.memref_squeeze %dma_start3A_59 : memref<1x80xi32, #tpu.memory_space<vmem>> -> memref<80xi32, #tpu.memory_space<vmem>>
        %dma_start3A_61 = arith.constant 0 : i32
        %dma_start3A_62 = arith.constant 0 : i32
        %dma_start3A_63 = tpu.memref_slice %arg11[%dma_start3A_61, %dma_start3A_62] : memref<10240x128xf32, #tpu.memory_space<vmem_shared>> -> memref<10240x128xf32, #tpu.memory_space<vmem_shared>>
        tpu.enqueue_indirect_dma source(%arg10 : memref<80x128xf32, #tpu.memory_space<vmem>>) target(%dma_start3A_63 : memref<10240x128xf32, #tpu.memory_space<vmem_shared>>) offsets(%dma_start3A_60 : memref<80xi32, #tpu.memory_space<vmem>>) semaphore(%run_scoped3A_57 : memref<!tpu.dma_semaphore, #tpu.memory_space<semaphore_mem>>) {add = true}
        %dma_wait3A_64 = arith.constant 0 : i32
        %dma_wait3A_65 = tpu.memref_slice %arg8[%add3A_49, %dma_wait3A_64] : memref<128x80xi32, #tpu.memory_space<vmem>> -> memref<1x80xi32, #tpu.memory_space<vmem>>
        %dma_wait3A_66 = tpu.memref_squeeze %dma_wait3A_65 : memref<1x80xi32, #tpu.memory_space<vmem>> -> memref<80xi32, #tpu.memory_space<vmem>>
        %dma_wait3A_67 = arith.constant 0 : i32
        %dma_wait3A_68 = arith.constant 0 : i32
        %dma_wait3A_69 = tpu.memref_slice %arg11[%dma_wait3A_67, %dma_wait3A_68] : memref<10240x128xf32, #tpu.memory_space<vmem_shared>> -> memref<10240x128xf32, #tpu.memory_space<vmem_shared>>
        tpu.wait_indirect_dma semaphore(%run_scoped3A_57 : memref<!tpu.dma_semaphore, #tpu.memory_space<semaphore_mem>>) src(%arg10 : memref<80x128xf32, #tpu.memory_space<vmem>>) dst(%dma_wait3A_69 : memref<10240x128xf32, #tpu.memory_space<vmem_shared>>)
        tpu.yield
      }) : () -> ()
      %lt3A = arith.constant 61 : i32
      %lt3A_55 = arith.cmpi slt, %scan3A_27, %lt3A : i32
      %convert_element_type3A = arith.extui %lt3A_55 : i1 to i32
      %cond3A = arith.constant 0 : i32
      %cond3A_56 = arith.cmpi ne, %convert_element_type3A, %cond3A : i32
      scf.if %cond3A_56 {
        %add3A_57 = arith.constant 2 : i32
        %add3A_58 = arith.addi %add3A_49, %add3A_57 : i32
        %mul3A_59 = arith.constant 80 : i32
        %mul3A_60 = arith.muli %add3A_58, %mul3A_59 : i32
        %multiple_of3A_61 = tpu.assume_multiple %mul3A_60, 80 : i32
        %dma_start3A_62 = tpu.memref_slice %arg7[%multiple_of3A_61] : memref<10000xi32, #tpu.memory_space<vmem>> -> memref<80xi32, #tpu.memory_space<vmem>>
        %dma_start3A_63 = arith.constant 0 : i32
        %dma_start3A_64 = arith.constant 0 : i32
        %dma_start3A_65 = tpu.memref_slice %arg2[%dma_start3A_63, %dma_start3A_64] : memref<10240x128xf32, #tpu.memory_space<hbm>> -> memref<10240x128xf32, #tpu.memory_space<hbm>>
        tpu.enqueue_indirect_dma source(%dma_start3A_65 : memref<10240x128xf32, #tpu.memory_space<hbm>>) target(%arg10 : memref<80x128xf32, #tpu.memory_space<vmem>>) offsets(%dma_start3A_62 : memref<80xi32, #tpu.memory_space<vmem>>) semaphore(%arg13 : memref<!tpu.dma_semaphore, #tpu.memory_space<semaphore_mem>>)
      } else {
      }
    }
    %scan3A_17 = arith.constant 62 : i32
    %dma_wait3A = arith.constant 0 : i32
    %dma_wait3A_18 = tpu.memref_slice %arg7[%dma_wait3A] : memref<10000xi32, #tpu.memory_space<vmem>> -> memref<80xi32, #tpu.memory_space<vmem>>
    %dma_wait3A_19 = arith.constant 0 : i32
    %dma_wait3A_20 = arith.constant 0 : i32
    %dma_wait3A_21 = tpu.memref_slice %arg2[%dma_wait3A_19, %dma_wait3A_20] : memref<10240x128xf32, #tpu.memory_space<hbm>> -> memref<10240x128xf32, #tpu.memory_space<hbm>>
    tpu.wait_indirect_dma semaphore(%arg12 : memref<!tpu.dma_semaphore, #tpu.memory_space<semaphore_mem>>) src(%dma_wait3A_21 : memref<10240x128xf32, #tpu.memory_space<hbm>>) dst(%arg9 : memref<80x128xf32, #tpu.memory_space<vmem>>)
    %run_scoped3A = arith.constant 124 : i32
    "tpu.region"() ({
      %run_scoped3A_27 = tpu.sem_alloc : memref<!tpu.dma_semaphore, #tpu.memory_space<semaphore_mem>>
      %dma_start3A_28 = arith.constant 0 : i32
      %dma_start3A_29 = tpu.memref_slice %arg8[%run_scoped3A, %dma_start3A_28] : memref<128x80xi32, #tpu.memory_space<vmem>> -> memref<1x80xi32, #tpu.memory_space<vmem>>
      %dma_start3A_30 = tpu.memref_squeeze %dma_start3A_29 : memref<1x80xi32, #tpu.memory_space<vmem>> -> memref<80xi32, #tpu.memory_space<vmem>>
      %dma_start3A_31 = arith.constant 0 : i32
      %dma_start3A_32 = arith.constant 0 : i32
      %dma_start3A_33 = tpu.memref_slice %arg11[%dma_start3A_31, %dma_start3A_32] : memref<10240x128xf32, #tpu.memory_space<vmem_shared>> -> memref<10240x128xf32, #tpu.memory_space<vmem_shared>>
      tpu.enqueue_indirect_dma source(%arg9 : memref<80x128xf32, #tpu.memory_space<vmem>>) target(%dma_start3A_33 : memref<10240x128xf32, #tpu.memory_space<vmem_shared>>) offsets(%dma_start3A_30 : memref<80xi32, #tpu.memory_space<vmem>>) semaphore(%run_scoped3A_27 : memref<!tpu.dma_semaphore, #tpu.memory_space<semaphore_mem>>) {add = true}
      %dma_wait3A_34 = arith.constant 0 : i32
      %dma_wait3A_35 = tpu.memref_slice %arg8[%run_scoped3A, %dma_wait3A_34] : memref<128x80xi32, #tpu.memory_space<vmem>> -> memref<1x80xi32, #tpu.memory_space<vmem>>
      %dma_wait3A_36 = tpu.memref_squeeze %dma_wait3A_35 : memref<1x80xi32, #tpu.memory_space<vmem>> -> memref<80xi32, #tpu.memory_space<vmem>>
      %dma_wait3A_37 = arith.constant 0 : i32
      %dma_wait3A_38 = arith.constant 0 : i32
      %dma_wait3A_39 = tpu.memref_slice %arg11[%dma_wait3A_37, %dma_wait3A_38] : memref<10240x128xf32, #tpu.memory_space<vmem_shared>> -> memref<10240x128xf32, #tpu.memory_space<vmem_shared>>
      tpu.wait_indirect_dma semaphore(%run_scoped3A_27 : memref<!tpu.dma_semaphore, #tpu.memory_space<semaphore_mem>>) src(%arg9 : memref<80x128xf32, #tpu.memory_space<vmem>>) dst(%dma_wait3A_39 : memref<10240x128xf32, #tpu.memory_space<vmem_shared>>)
      tpu.yield
    }) : () -> ()
    %barrier3A_22 = arith.constant 0 : index
    tpu.barrier barrier_id(%barrier3A_22)
    %mul3A_23 = arith.constant 640 : i32
    %mul3A_24 = arith.muli %arg1, %mul3A_23 : i32
    %mul3A_25 = arith.constant 640 : i32
    %mul3A_26 = arith.muli %arg1, %mul3A_25 : i32
    "tpu.region"() ({
      %run_scoped3A_27 = tpu.sem_alloc : memref<!tpu.dma_semaphore, #tpu.memory_space<semaphore_mem>>
      %dma_start3A_28 = arith.constant 0 : i32
      %dma_start3A_29 = tpu.memref_slice %arg6[%arg0, %mul3A_26, %dma_start3A_28] : memref<2x10240x128xf32, #tpu.memory_space<hbm>> -> memref<1x640x128xf32, #tpu.memory_space<hbm>>
      %dma_start3A_30 = tpu.memref_squeeze %dma_start3A_29 : memref<1x640x128xf32, #tpu.memory_space<hbm>> -> memref<640x128xf32, #tpu.memory_space<hbm>>
      %dma_start3A_31 = arith.constant 0 : i32
      %dma_start3A_32 = tpu.memref_slice %arg11[%mul3A_24, %dma_start3A_31] : memref<10240x128xf32, #tpu.memory_space<vmem_shared>> -> memref<640x128xf32, #tpu.memory_space<vmem_shared>>
      tpu.enqueue_dma source(%dma_start3A_32 : memref<640x128xf32, #tpu.memory_space<vmem_shared>>) target(%dma_start3A_30 : memref<640x128xf32, #tpu.memory_space<hbm>>) target_semaphore(%run_scoped3A_27 : memref<!tpu.dma_semaphore, #tpu.memory_space<semaphore_mem>>)
      %dma_wait3A_33 = arith.constant 0 : i32
      %dma_wait3A_34 = tpu.memref_slice %arg6[%arg0, %mul3A_26, %dma_wait3A_33] : memref<2x10240x128xf32, #tpu.memory_space<hbm>> -> memref<1x640x128xf32, #tpu.memory_space<hbm>>
      %dma_wait3A_35 = tpu.memref_squeeze %dma_wait3A_34 : memref<1x640x128xf32, #tpu.memory_space<hbm>> -> memref<640x128xf32, #tpu.memory_space<hbm>>
      %dma_wait3A_36 = arith.constant 0 : i32
      %dma_wait3A_37 = tpu.memref_slice %arg11[%mul3A_24, %dma_wait3A_36] : memref<10240x128xf32, #tpu.memory_space<vmem_shared>> -> memref<640x128xf32, #tpu.memory_space<vmem_shared>>
      tpu.wait_dma2 semaphore(%run_scoped3A_27 : memref<!tpu.dma_semaphore, #tpu.memory_space<semaphore_mem>>) src(%dma_wait3A_37 : memref<640x128xf32, #tpu.memory_space<vmem_shared>>) dst(%dma_wait3A_35 : memref<640x128xf32, #tpu.memory_space<hbm>>)
      tpu.yield
    }) : () -> ()
    return
  }
}

module attributes {stable_mosaic.version = 14 : i64} {
  func.func @_t1_body(%arg0: i32, %arg1: memref<2048x128xf32, #tpu.memory_space<vmem>>, %arg2: memref<2x2048x128xf32, #tpu.memory_space<vmem>>, %arg3: memref<128x64xf32, #tpu.memory_space<vmem>>, %arg4: memref<2048x128xf32, #tpu.memory_space<vmem>>) attributes {dimension_semantics = [#tpu.dimension_semantics<arbitrary>], iteration_bounds = array<i64: 5>, scalar_prefetch = 0 : i64, scratch_operands = 0 : i64, tpu.core_type = #tpu.core_type<tc>, window_params = [{transform_indices = @transform_0, window_bounds = array<i64: 2048, 128>}, {transform_indices = @transform_1, window_bounds = array<i64: 2, 2048, 128>}, {pipeline_mode = #tpu.pipeline_mode<synchronous>, transform_indices = @transform_2, window_bounds = array<i64: 128, 64>}, {transform_indices = @transform_3, window_bounds = array<i64: 2048, 128>}]} {
    %get3A = arith.constant 0 : index
    %get3A_0 = arith.constant 0 : index
    %get3A_1 = vector.load %arg1[%get3A, %get3A_0] : memref<2048x128xf32, #tpu.memory_space<vmem>>, vector<2048x128xf32>
    %get3A_2 = arith.constant 0 : index
    %get3A_3 = arith.constant 0 : index
    %get3A_4 = arith.constant 0 : index
    %get3A_5 = vector.load %arg2[%get3A_2, %get3A_3, %get3A_4] : memref<2x2048x128xf32, #tpu.memory_space<vmem>>, vector<1x2048x1xf32>
    %get3A_6 = vector.shape_cast %get3A_5 : vector<1x2048x1xf32> to vector<2048x1xf32>
    %get3A_7 = arith.constant 1 : index
    %get3A_8 = arith.constant 0 : index
    %get3A_9 = arith.constant 0 : index
    %get3A_10 = vector.load %arg2[%get3A_7, %get3A_8, %get3A_9] : memref<2x2048x128xf32, #tpu.memory_space<vmem>>, vector<1x2048x1xf32>
    %get3A_11 = vector.shape_cast %get3A_10 : vector<1x2048x1xf32> to vector<2048x1xf32>
    %add3A = arith.addf %get3A_6, %get3A_11 : vector<2048x1xf32>
    %add3A_12 = arith.constant 1.000000e+00 : f32
    %add3A_13 = vector.broadcast %add3A_12 : f32 to vector<2048x1xf32>
    %add3A_14 = arith.addf %add3A, %add3A_13 : vector<2048x1xf32>
    %max3A = arith.constant 1.000000e+00 : f32
    %max3A_15 = vector.broadcast %max3A : f32 to vector<2048x1xf32>
    %max3A_16 = arith.maximumf %add3A_14, %max3A_15 : vector<2048x1xf32>
    %rsqrt3A = math.rsqrt %max3A_16 : vector<2048x1xf32>
    %get3A_17 = arith.constant 0 : index
    %get3A_18 = arith.constant 0 : index
    %get3A_19 = vector.load %arg3[%get3A_17, %get3A_18] : memref<128x64xf32, #tpu.memory_space<vmem>>, vector<128x64xf32>
    %dot_general3A = arith.constant dense<0.000000e+00> : vector<2048x64xf32>
    %dot_general3A_20 = tpu.matmul %get3A_1, %get3A_19, %dot_general3A {dimension_numbers = #tpu.dot_dimension_numbers<[1], [0], [0], [1], [0, 0, 1, 1], [], []>, transpose_lhs_hint = false} : vector<2048x128xf32>, vector<128x64xf32>, vector<2048x64xf32> -> vector<2048x64xf32>
    %slice3A = vector.extract_strided_slice %get3A_1 {offsets = [0, 0], sizes = [2048, 1], strides = [1, 1]} : vector<2048x128xf32> to vector<2048x1xf32>
    %mul3A = arith.constant 2.000000e+00 : f32
    %mul3A_21 = vector.broadcast %mul3A : f32 to vector<2048x1xf32>
    %mul3A_22 = arith.mulf %mul3A_21, %slice3A : vector<2048x1xf32>
    %sub3A = arith.constant 1.000000e+00 : f32
    %sub3A_23 = vector.broadcast %sub3A : f32 to vector<2048x1xf32>
    %sub3A_24 = arith.subf %sub3A_23, %mul3A_22 : vector<2048x1xf32>
    %mul3A_25 = arith.mulf %sub3A_24, %rsqrt3A : vector<2048x1xf32>
    %broadcast_in_dim3A = arith.constant 0.000000e+00 : f32
    %broadcast_in_dim3A_26 = vector.broadcast %broadcast_in_dim3A : f32 to vector<2048x62xf32>
    %mul3A_27 = vector.broadcast %rsqrt3A : vector<2048x1xf32> to vector<2048x64xf32>
    %mul3A_28 = arith.mulf %dot_general3A_20, %mul3A_27 : vector<2048x64xf32>
    %concatenate3A = tpu.concatenate %mul3A_28, %mul3A_25, %rsqrt3A, %broadcast_in_dim3A_26 in 1 : vector<2048x64xf32>, vector<2048x1xf32>, vector<2048x1xf32>, vector<2048x62xf32> -> vector<2048x128xf32>
    %swap3A = arith.constant 0 : index
    %swap3A_29 = arith.constant 0 : index
    %swap3A_30 = vector.load %arg4[%swap3A, %swap3A_29] : memref<2048x128xf32, #tpu.memory_space<vmem>>, vector<2048x128xf32>
    tpu.vector_store %arg4[%swap3A, %swap3A_29], %concatenate3A {strides = array<i32>} : memref<2048x128xf32, #tpu.memory_space<vmem>>, vector<2048x128xf32>,
    return
  }
  func.func @transform_0(%arg0: i32) -> (i32, i32) {
    %c0_i32 = arith.constant 0 : i32
    %c0_i32_0 = arith.constant 0 : i32
    return %arg0, %c0_i32 : i32, i32
  }
  func.func @transform_1(%arg0: i32) -> (i32, i32, i32) {
    %c0_i32 = arith.constant 0 : i32
    %c0_i32_0 = arith.constant 0 : i32
    %c0_i32_1 = arith.constant 0 : i32
    return %c0_i32, %arg0, %c0_i32_0 : i32, i32, i32
  }
  func.func @transform_2(%arg0: i32) -> (i32, i32) {
    %c0_i32 = arith.constant 0 : i32
    %c0_i32_0 = arith.constant 0 : i32
    %c0_i32_1 = arith.constant 0 : i32
    return %c0_i32, %c0_i32_0 : i32, i32
  }
  func.func @transform_3(%arg0: i32) -> (i32, i32) {
    %c0_i32 = arith.constant 0 : i32
    %c0_i32_0 = arith.constant 0 : i32
    return %arg0, %c0_i32 : i32, i32
  }
}

module attributes {stable_mosaic.version = 14 : i64} {
  func.func @_t2_body(%arg0: i32, %arg1: memref<2048x128xf32, #tpu.memory_space<vmem>>, %arg2: memref<2x2048x128xf32, #tpu.memory_space<vmem>>, %arg3: memref<1x64xf32, #tpu.memory_space<vmem>>, %arg4: memref<1x64xf32, #tpu.memory_space<vmem>>, %arg5: memref<2048x128xf32, #tpu.memory_space<vmem>>) attributes {dimension_semantics = [#tpu.dimension_semantics<arbitrary>], iteration_bounds = array<i64: 5>, scalar_prefetch = 0 : i64, scratch_operands = 0 : i64, tpu.core_type = #tpu.core_type<tc>, window_params = [{transform_indices = @transform_0, window_bounds = array<i64: 2048, 128>}, {transform_indices = @transform_1, window_bounds = array<i64: 2, 2048, 128>}, {pipeline_mode = #tpu.pipeline_mode<synchronous>, transform_indices = @transform_2, window_bounds = array<i64: 1, 64>}, {pipeline_mode = #tpu.pipeline_mode<synchronous>, transform_indices = @transform_3, window_bounds = array<i64: 1, 64>}, {transform_indices = @transform_4, window_bounds = array<i64: 2048, 128>}]} {
    %get3A = arith.constant 0 : index
    %get3A_0 = arith.constant 0 : index
    %get3A_1 = vector.load %arg1[%get3A, %get3A_0] : memref<2048x128xf32, #tpu.memory_space<vmem>>, vector<2048x128xf32>
    %slice3A = vector.extract_strided_slice %get3A_1 {offsets = [0, 65], sizes = [2048, 1], strides = [1, 1]} : vector<2048x128xf32> to vector<2048x1xf32>
    %get3A_2 = arith.constant 0 : index
    %get3A_3 = arith.constant 0 : index
    %get3A_4 = arith.constant 0 : index
    %get3A_5 = vector.load %arg2[%get3A_2, %get3A_3, %get3A_4] : memref<2x2048x128xf32, #tpu.memory_space<vmem>>, vector<1x2048x128xf32>
    %get3A_6 = vector.shape_cast %get3A_5 : vector<1x2048x128xf32> to vector<2048x128xf32>
    %get3A_7 = arith.constant 1 : index
    %get3A_8 = arith.constant 0 : index
    %get3A_9 = arith.constant 0 : index
    %get3A_10 = vector.load %arg2[%get3A_7, %get3A_8, %get3A_9] : memref<2x2048x128xf32, #tpu.memory_space<vmem>>, vector<1x2048x128xf32>
    %get3A_11 = vector.shape_cast %get3A_10 : vector<1x2048x128xf32> to vector<2048x128xf32>
    %add3A = arith.addf %get3A_6, %get3A_11 : vector<2048x128xf32>
    %add3A_12 = arith.addf %add3A, %get3A_1 : vector<2048x128xf32>
    %mul3A = vector.broadcast %slice3A : vector<2048x1xf32> to vector<2048x128xf32>
    %mul3A_13 = arith.mulf %mul3A, %add3A_12 : vector<2048x128xf32>
    %slice3A_14 = vector.extract_strided_slice %mul3A_13 {offsets = [0, 0], sizes = [2048, 64], strides = [1, 1]} : vector<2048x128xf32> to vector<2048x64xf32>
    %get3A_15 = arith.constant 0 : index
    %get3A_16 = arith.constant 0 : index
    %get3A_17 = vector.load %arg4[%get3A_15, %get3A_16] : memref<1x64xf32, #tpu.memory_space<vmem>>, vector<1x64xf32>
    %add3A_18 = vector.broadcast %get3A_17 : vector<1x64xf32> to vector<2048x64xf32>
    %add3A_19 = arith.addf %slice3A_14, %add3A_18 : vector<2048x64xf32>
    %slice3A_20 = vector.extract_strided_slice %mul3A_13 {offsets = [0, 64], sizes = [2048, 1], strides = [1, 1]} : vector<2048x128xf32> to vector<2048x1xf32>
    %get3A_21 = arith.constant 0 : index
    %get3A_22 = arith.constant 0 : index
    %get3A_23 = vector.load %arg3[%get3A_21, %get3A_22] : memref<1x64xf32, #tpu.memory_space<vmem>>, vector<1x64xf32>
    %mul3A_24 = vector.broadcast %slice3A_20 : vector<2048x1xf32> to vector<2048x64xf32>
    %mul3A_25 = vector.broadcast %get3A_23 : vector<1x64xf32> to vector<2048x64xf32>
    %mul3A_26 = arith.mulf %mul3A_24, %mul3A_25 : vector<2048x64xf32>
    %add3A_27 = arith.addf %add3A_19, %mul3A_26 : vector<2048x64xf32>
    %max3A = arith.constant 0.000000e+00 : f32
    %max3A_28 = vector.broadcast %max3A : f32 to vector<2048x64xf32>
    %max3A_29 = arith.maximumf %add3A_19, %max3A_28 : vector<2048x64xf32>
    %max3A_30 = arith.constant 0.000000e+00 : f32
    %max3A_31 = vector.broadcast %max3A_30 : f32 to vector<2048x64xf32>
    %max3A_32 = arith.maximumf %add3A_27, %max3A_31 : vector<2048x64xf32>
    %mul3A_33 = vector.broadcast %slice3A : vector<2048x1xf32> to vector<2048x64xf32>
    %mul3A_34 = arith.mulf %max3A_29, %mul3A_33 : vector<2048x64xf32>
    %mul3A_35 = vector.broadcast %slice3A : vector<2048x1xf32> to vector<2048x64xf32>
    %mul3A_36 = arith.mulf %max3A_32, %mul3A_35 : vector<2048x64xf32>
    %concatenate3A = tpu.concatenate %mul3A_34, %mul3A_36 in 1 : vector<2048x64xf32>, vector<2048x64xf32> -> vector<2048x128xf32>
    %swap3A = arith.constant 0 : index
    %swap3A_37 = arith.constant 0 : index
    %swap3A_38 = vector.load %arg5[%swap3A, %swap3A_37] : memref<2048x128xf32, #tpu.memory_space<vmem>>, vector<2048x128xf32>
    tpu.vector_store %arg5[%swap3A, %swap3A_37], %concatenate3A {strides = array<i32>} : memref<2048x128xf32, #tpu.memory_space<vmem>>, vector<2048x128xf32>,
    return
  }
  func.func @transform_0(%arg0: i32) -> (i32, i32) {
    %c0_i32 = arith.constant 0 : i32
    %c0_i32_0 = arith.constant 0 : i32
    return %arg0, %c0_i32 : i32, i32
  }
  func.func @transform_1(%arg0: i32) -> (i32, i32, i32) {
    %c0_i32 = arith.constant 0 : i32
    %c0_i32_0 = arith.constant 0 : i32
    %c0_i32_1 = arith.constant 0 : i32
    return %c0_i32, %arg0, %c0_i32_0 : i32, i32, i32
  }
  func.func @transform_2(%arg0: i32) -> (i32, i32) {
    %c0_i32 = arith.constant 0 : i32
    %c0_i32_0 = arith.constant 0 : i32
    %c0_i32_1 = arith.constant 0 : i32
    return %c0_i32, %c0_i32_0 : i32, i32
  }
  func.func @transform_3(%arg0: i32) -> (i32, i32) {
    %c0_i32 = arith.constant 0 : i32
    %c0_i32_0 = arith.constant 0 : i32
    %c0_i32_1 = arith.constant 0 : i32
    return %c0_i32, %c0_i32_0 : i32, i32
  }
  func.func @transform_4(%arg0: i32) -> (i32, i32) {
    %c0_i32 = arith.constant 0 : i32
    %c0_i32_0 = arith.constant 0 : i32
    return %arg0, %c0_i32 : i32, i32
  }
}

module attributes {stable_mosaic.version = 14 : i64} {
  func.func @_t3_body(%arg0: i32, %arg1: memref<2048x128xf32, #tpu.memory_space<vmem>>, %arg2: memref<2x2048x128xf32, #tpu.memory_space<vmem>>, %arg3: memref<2048x128xf32, #tpu.memory_space<vmem>>, %arg4: memref<64x64xf32, #tpu.memory_space<vmem>>, %arg5: memref<1x64xf32, #tpu.memory_space<vmem>>, %arg6: memref<2048x64xf32, #tpu.memory_space<vmem>>, %arg7: memref<2048x128xf32, #tpu.memory_space<vmem>>) attributes {dimension_semantics = [#tpu.dimension_semantics<arbitrary>], iteration_bounds = array<i64: 5>, scalar_prefetch = 0 : i64, scratch_operands = 0 : i64, tpu.core_type = #tpu.core_type<tc>, window_params = [{transform_indices = @transform_0, window_bounds = array<i64: 2048, 128>}, {transform_indices = @transform_1, window_bounds = array<i64: 2, 2048, 128>}, {transform_indices = @transform_2, window_bounds = array<i64: 2048, 128>}, {pipeline_mode = #tpu.pipeline_mode<synchronous>, transform_indices = @transform_3, window_bounds = array<i64: 64, 64>}, {pipeline_mode = #tpu.pipeline_mode<synchronous>, transform_indices = @transform_4, window_bounds = array<i64: 1, 64>}, {transform_indices = @transform_5, window_bounds = array<i64: 2048, 64>}, {transform_indices = @transform_6, window_bounds = array<i64: 2048, 128>}]} {
    %get3A = arith.constant 0 : index
    %get3A_0 = arith.constant 65 : index
    %get3A_1 = vector.load %arg3[%get3A, %get3A_0] : memref<2048x128xf32, #tpu.memory_space<vmem>>, vector<2048x1xf32>
    %get3A_2 = arith.constant 0 : index
    %get3A_3 = arith.constant 0 : index
    %get3A_4 = arith.constant 0 : index
    %get3A_5 = vector.load %arg2[%get3A_2, %get3A_3, %get3A_4] : memref<2x2048x128xf32, #tpu.memory_space<vmem>>, vector<1x2048x128xf32>
    %get3A_6 = vector.shape_cast %get3A_5 : vector<1x2048x128xf32> to vector<2048x128xf32>
    %get3A_7 = arith.constant 1 : index
    %get3A_8 = arith.constant 0 : index
    %get3A_9 = arith.constant 0 : index
    %get3A_10 = vector.load %arg2[%get3A_7, %get3A_8, %get3A_9] : memref<2x2048x128xf32, #tpu.memory_space<vmem>>, vector<1x2048x128xf32>
    %get3A_11 = vector.shape_cast %get3A_10 : vector<1x2048x128xf32> to vector<2048x128xf32>
    %add3A = arith.addf %get3A_6, %get3A_11 : vector<2048x128xf32>
    %get3A_12 = arith.constant 0 : index
    %get3A_13 = arith.constant 0 : index
    %get3A_14 = vector.load %arg1[%get3A_12, %get3A_13] : memref<2048x128xf32, #tpu.memory_space<vmem>>, vector<2048x128xf32>
    %add3A_15 = arith.addf %add3A, %get3A_14 : vector<2048x128xf32>
    %mul3A = vector.broadcast %get3A_1 : vector<2048x1xf32> to vector<2048x128xf32>
    %mul3A_16 = arith.mulf %mul3A, %add3A_15 : vector<2048x128xf32>
    %get3A_17 = arith.constant 0 : index
    %get3A_18 = arith.constant 0 : index
    %get3A_19 = vector.load %arg4[%get3A_17, %get3A_18] : memref<64x64xf32, #tpu.memory_space<vmem>>, vector<64x64xf32>
    %get3A_20 = arith.constant 0 : index
    %get3A_21 = arith.constant 0 : index
    %get3A_22 = vector.load %arg5[%get3A_20, %get3A_21] : memref<1x64xf32, #tpu.memory_space<vmem>>, vector<1x64xf32>
    %slice3A = vector.extract_strided_slice %mul3A_16 {offsets = [0, 0], sizes = [2048, 64], strides = [1, 1]} : vector<2048x128xf32> to vector<2048x64xf32>
    %dot_general3A = arith.constant dense<0.000000e+00> : vector<2048x64xf32>
    %dot_general3A_23 = tpu.matmul %slice3A, %get3A_19, %dot_general3A {dimension_numbers = #tpu.dot_dimension_numbers<[1], [0], [0], [1], [0, 0, 1, 1], [], []>, transpose_lhs_hint = false} : vector<2048x64xf32>, vector<64x64xf32>, vector<2048x64xf32> -> vector<2048x64xf32>
    %add3A_24 = vector.broadcast %get3A_22 : vector<1x64xf32> to vector<2048x64xf32>
    %add3A_25 = arith.addf %dot_general3A_23, %add3A_24 : vector<2048x64xf32>
    %slice3A_26 = vector.extract_strided_slice %mul3A_16 {offsets = [0, 64], sizes = [2048, 64], strides = [1, 1]} : vector<2048x128xf32> to vector<2048x64xf32>
    %dot_general3A_27 = arith.constant dense<0.000000e+00> : vector<2048x64xf32>
    %dot_general3A_28 = tpu.matmul %slice3A_26, %get3A_19, %dot_general3A_27 {dimension_numbers = #tpu.dot_dimension_numbers<[1], [0], [0], [1], [0, 0, 1, 1], [], []>, transpose_lhs_hint = false} : vector<2048x64xf32>, vector<64x64xf32>, vector<2048x64xf32> -> vector<2048x64xf32>
    %add3A_29 = vector.broadcast %get3A_22 : vector<1x64xf32> to vector<2048x64xf32>
    %add3A_30 = arith.addf %dot_general3A_28, %add3A_29 : vector<2048x64xf32>
    %swap3A = arith.constant 0 : index
    %swap3A_31 = arith.constant 0 : index
    %swap3A_32 = vector.load %arg6[%swap3A, %swap3A_31] : memref<2048x64xf32, #tpu.memory_space<vmem>>, vector<2048x64xf32>
    tpu.vector_store %arg6[%swap3A, %swap3A_31], %add3A_25 {strides = array<i32>} : memref<2048x64xf32, #tpu.memory_space<vmem>>, vector<2048x64xf32>,
    %broadcast_in_dim3A = arith.constant 0.000000e+00 : f32
    %broadcast_in_dim3A_33 = vector.broadcast %broadcast_in_dim3A : f32 to vector<2048x32xf32>
    %slice3A_34 = vector.extract_strided_slice %add3A_25 {offsets = [0, 0], sizes = [2048, 32], strides = [1, 1]} : vector<2048x64xf32> to vector<2048x32xf32>
    %slice3A_35 = vector.extract_strided_slice %add3A_25 {offsets = [0, 32], sizes = [2048, 32], strides = [1, 1]} : vector<2048x64xf32> to vector<2048x32xf32>
    %slice3A_36 = vector.extract_strided_slice %add3A_30 {offsets = [0, 0], sizes = [2048, 32], strides = [1, 1]} : vector<2048x64xf32> to vector<2048x32xf32>
    %concatenate3A = tpu.concatenate %slice3A_34, %slice3A_35, %slice3A_36, %broadcast_in_dim3A_33 in 1 : vector<2048x32xf32>, vector<2048x32xf32>, vector<2048x32xf32>, vector<2048x32xf32> -> vector<2048x128xf32>
    %mul3A_37 = vector.broadcast %get3A_1 : vector<2048x1xf32> to vector<2048x128xf32>
    %mul3A_38 = arith.mulf %concatenate3A, %mul3A_37 : vector<2048x128xf32>
    %swap3A_39 = arith.constant 0 : index
    %swap3A_40 = arith.constant 0 : index
    %swap3A_41 = vector.load %arg7[%swap3A_39, %swap3A_40] : memref<2048x128xf32, #tpu.memory_space<vmem>>, vector<2048x128xf32>
    tpu.vector_store %arg7[%swap3A_39, %swap3A_40], %mul3A_38 {strides = array<i32>} : memref<2048x128xf32, #tpu.memory_space<vmem>>, vector<2048x128xf32>,
    return
  }
  func.func @transform_0(%arg0: i32) -> (i32, i32) {
    %c0_i32 = arith.constant 0 : i32
    %c0_i32_0 = arith.constant 0 : i32
    return %arg0, %c0_i32 : i32, i32
  }
  func.func @transform_1(%arg0: i32) -> (i32, i32, i32) {
    %c0_i32 = arith.constant 0 : i32
    %c0_i32_0 = arith.constant 0 : i32
    %c0_i32_1 = arith.constant 0 : i32
    return %c0_i32, %arg0, %c0_i32_0 : i32, i32, i32
  }
  func.func @transform_2(%arg0: i32) -> (i32, i32) {
    %c0_i32 = arith.constant 0 : i32
    %c0_i32_0 = arith.constant 0 : i32
    return %arg0, %c0_i32 : i32, i32
  }
  func.func @transform_3(%arg0: i32) -> (i32, i32) {
    %c0_i32 = arith.constant 0 : i32
    %c0_i32_0 = arith.constant 0 : i32
    %c0_i32_1 = arith.constant 0 : i32
    return %c0_i32, %c0_i32_0 : i32, i32
  }
  func.func @transform_4(%arg0: i32) -> (i32, i32) {
    %c0_i32 = arith.constant 0 : i32
    %c0_i32_0 = arith.constant 0 : i32
    %c0_i32_1 = arith.constant 0 : i32
    return %c0_i32, %c0_i32_0 : i32, i32
  }
  func.func @transform_5(%arg0: i32) -> (i32, i32) {
    %c0_i32 = arith.constant 0 : i32
    %c0_i32_0 = arith.constant 0 : i32
    return %arg0, %c0_i32 : i32, i32
  }
  func.func @transform_6(%arg0: i32) -> (i32, i32) {
    %c0_i32 = arith.constant 0 : i32
    %c0_i32_0 = arith.constant 0 : i32
    return %arg0, %c0_i32 : i32, i32
  }
}

module attributes {stable_mosaic.version = 14 : i64} {
  func.func @_t4_body(%arg0: i32, %arg1: memref<2048x128xf32, #tpu.memory_space<vmem>>, %arg2: memref<2x2048x128xf32, #tpu.memory_space<vmem>>, %arg3: memref<2048x128xf32, #tpu.memory_space<vmem>>, %arg4: memref<32x64xf32, #tpu.memory_space<vmem>>, %arg5: memref<32x64xf32, #tpu.memory_space<vmem>>, %arg6: memref<32x64xf32, #tpu.memory_space<vmem>>, %arg7: memref<1x64xf32, #tpu.memory_space<vmem>>, %arg8: memref<1x64xf32, #tpu.memory_space<vmem>>, %arg9: memref<1x64xf32, #tpu.memory_space<vmem>>, %arg10: memref<2048x64xf32, #tpu.memory_space<vmem>>, %arg11: memref<2048x128xf32, #tpu.memory_space<vmem>>, %arg12: memref<2048x128xf32, #tpu.memory_space<vmem>>) attributes {dimension_semantics = [#tpu.dimension_semantics<arbitrary>], iteration_bounds = array<i64: 5>, scalar_prefetch = 0 : i64, scratch_operands = 0 : i64, tpu.core_type = #tpu.core_type<tc>, window_params = [{transform_indices = @transform_0, window_bounds = array<i64: 2048, 128>}, {transform_indices = @transform_1, window_bounds = array<i64: 2, 2048, 128>}, {transform_indices = @transform_2, window_bounds = array<i64: 2048, 128>}, {pipeline_mode = #tpu.pipeline_mode<synchronous>, transform_indices = @transform_3, window_bounds = array<i64: 32, 64>}, {pipeline_mode = #tpu.pipeline_mode<synchronous>, transform_indices = @transform_4, window_bounds = array<i64: 32, 64>}, {pipeline_mode = #tpu.pipeline_mode<synchronous>, transform_indices = @transform_5, window_bounds = array<i64: 32, 64>}, {pipeline_mode = #tpu.pipeline_mode<synchronous>, transform_indices = @transform_6, window_bounds = array<i64: 1, 64>}, {pipeline_mode = #tpu.pipeline_mode<synchronous>, transform_indices = @transform_7, window_bounds = array<i64: 1, 64>}, {pipeline_mode = #tpu.pipeline_mode<synchronous>, transform_indices = @transform_8, window_bounds = array<i64: 1, 64>}, {transform_indices = @transform_9, window_bounds = array<i64: 2048, 64>}, {transform_indices = @transform_10, window_bounds = array<i64: 2048, 128>}, {transform_indices = @transform_11, window_bounds = array<i64: 2048, 128>}]} {
    %get3A = arith.constant 0 : index
    %get3A_0 = arith.constant 65 : index
    %get3A_1 = vector.load %arg3[%get3A, %get3A_0] : memref<2048x128xf32, #tpu.memory_space<vmem>>, vector<2048x1xf32>
    %get3A_2 = arith.constant 0 : index
    %get3A_3 = arith.constant 0 : index
    %get3A_4 = arith.constant 0 : index
    %get3A_5 = vector.load %arg2[%get3A_2, %get3A_3, %get3A_4] : memref<2x2048x128xf32, #tpu.memory_space<vmem>>, vector<1x2048x128xf32>
    %get3A_6 = vector.shape_cast %get3A_5 : vector<1x2048x128xf32> to vector<2048x128xf32>
    %get3A_7 = arith.constant 1 : index
    %get3A_8 = arith.constant 0 : index
    %get3A_9 = arith.constant 0 : index
    %get3A_10 = vector.load %arg2[%get3A_7, %get3A_8, %get3A_9] : memref<2x2048x128xf32, #tpu.memory_space<vmem>>, vector<1x2048x128xf32>
    %get3A_11 = vector.shape_cast %get3A_10 : vector<1x2048x128xf32> to vector<2048x128xf32>
    %add3A = arith.addf %get3A_6, %get3A_11 : vector<2048x128xf32>
    %get3A_12 = arith.constant 0 : index
    %get3A_13 = arith.constant 0 : index
    %get3A_14 = vector.load %arg1[%get3A_12, %get3A_13] : memref<2048x128xf32, #tpu.memory_space<vmem>>, vector<2048x128xf32>
    %add3A_15 = arith.addf %add3A, %get3A_14 : vector<2048x128xf32>
    %mul3A = vector.broadcast %get3A_1 : vector<2048x1xf32> to vector<2048x128xf32>
    %mul3A_16 = arith.mulf %mul3A, %add3A_15 : vector<2048x128xf32>
    %slice3A = vector.extract_strided_slice %mul3A_16 {offsets = [0, 0], sizes = [2048, 32], strides = [1, 1]} : vector<2048x128xf32> to vector<2048x32xf32>
    %slice3A_17 = vector.extract_strided_slice %mul3A_16 {offsets = [0, 32], sizes = [2048, 32], strides = [1, 1]} : vector<2048x128xf32> to vector<2048x32xf32>
    %slice3A_18 = vector.extract_strided_slice %mul3A_16 {offsets = [0, 64], sizes = [2048, 32], strides = [1, 1]} : vector<2048x128xf32> to vector<2048x32xf32>
    %get3A_19 = arith.constant 0 : index
    %get3A_20 = arith.constant 0 : index
    %get3A_21 = vector.load %arg4[%get3A_19, %get3A_20] : memref<32x64xf32, #tpu.memory_space<vmem>>, vector<32x64xf32>
    %get3A_22 = arith.constant 0 : index
    %get3A_23 = arith.constant 0 : index
    %get3A_24 = vector.load %arg7[%get3A_22, %get3A_23] : memref<1x64xf32, #tpu.memory_space<vmem>>, vector<1x64xf32>
    %dot_general3A = arith.constant dense<0.000000e+00> : vector<2048x64xf32>
    %dot_general3A_25 = tpu.matmul %slice3A, %get3A_21, %dot_general3A {dimension_numbers = #tpu.dot_dimension_numbers<[1], [0], [0], [1], [0, 0, 1, 1], [], []>, transpose_lhs_hint = false} : vector<2048x32xf32>, vector<32x64xf32>, vector<2048x64xf32> -> vector<2048x64xf32>
    %add3A_26 = vector.broadcast %get3A_24 : vector<1x64xf32> to vector<2048x64xf32>
    %add3A_27 = arith.addf %dot_general3A_25, %add3A_26 : vector<2048x64xf32>
    %max3A = arith.constant 0.000000e+00 : f32
    %max3A_28 = vector.broadcast %max3A : f32 to vector<2048x64xf32>
    %max3A_29 = arith.maximumf %add3A_27, %max3A_28 : vector<2048x64xf32>
    %get3A_30 = arith.constant 0 : index
    %get3A_31 = arith.constant 0 : index
    %get3A_32 = vector.load %arg5[%get3A_30, %get3A_31] : memref<32x64xf32, #tpu.memory_space<vmem>>, vector<32x64xf32>
    %dot_general3A_33 = arith.constant dense<0.000000e+00> : vector<2048x64xf32>
    %dot_general3A_34 = tpu.matmul %slice3A_17, %get3A_32, %dot_general3A_33 {dimension_numbers = #tpu.dot_dimension_numbers<[1], [0], [0], [1], [0, 0, 1, 1], [], []>, transpose_lhs_hint = false} : vector<2048x32xf32>, vector<32x64xf32>, vector<2048x64xf32> -> vector<2048x64xf32>
    %get3A_35 = arith.constant 0 : index
    %get3A_36 = arith.constant 0 : index
    %get3A_37 = vector.load %arg8[%get3A_35, %get3A_36] : memref<1x64xf32, #tpu.memory_space<vmem>>, vector<1x64xf32>
    %add3A_38 = vector.broadcast %get3A_37 : vector<1x64xf32> to vector<2048x64xf32>
    %add3A_39 = arith.addf %dot_general3A_34, %add3A_38 : vector<2048x64xf32>
    %max3A_40 = arith.constant 0.000000e+00 : f32
    %max3A_41 = vector.broadcast %max3A_40 : f32 to vector<2048x64xf32>
    %max3A_42 = arith.maximumf %add3A_39, %max3A_41 : vector<2048x64xf32>
    %dot_general3A_43 = arith.constant dense<0.000000e+00> : vector<2048x64xf32>
    %dot_general3A_44 = tpu.matmul %slice3A_18, %get3A_21, %dot_general3A_43 {dimension_numbers = #tpu.dot_dimension_numbers<[1], [0], [0], [1], [0, 0, 1, 1], [], []>, transpose_lhs_hint = false} : vector<2048x32xf32>, vector<32x64xf32>, vector<2048x64xf32> -> vector<2048x64xf32>
    %add3A_45 = vector.broadcast %get3A_24 : vector<1x64xf32> to vector<2048x64xf32>
    %add3A_46 = arith.addf %dot_general3A_44, %add3A_45 : vector<2048x64xf32>
    %max3A_47 = arith.constant 0.000000e+00 : f32
    %max3A_48 = vector.broadcast %max3A_47 : f32 to vector<2048x64xf32>
    %max3A_49 = arith.maximumf %add3A_46, %max3A_48 : vector<2048x64xf32>
    %get3A_50 = arith.constant 0 : index
    %get3A_51 = arith.constant 0 : index
    %get3A_52 = vector.load %arg6[%get3A_50, %get3A_51] : memref<32x64xf32, #tpu.memory_space<vmem>>, vector<32x64xf32>
    %dot_general3A_53 = arith.constant dense<0.000000e+00> : vector<2048x64xf32>
    %dot_general3A_54 = tpu.matmul %slice3A_17, %get3A_52, %dot_general3A_53 {dimension_numbers = #tpu.dot_dimension_numbers<[1], [0], [0], [1], [0, 0, 1, 1], [], []>, transpose_lhs_hint = false} : vector<2048x32xf32>, vector<32x64xf32>, vector<2048x64xf32> -> vector<2048x64xf32>
    %get3A_55 = arith.constant 0 : index
    %get3A_56 = arith.constant 0 : index
    %get3A_57 = vector.load %arg9[%get3A_55, %get3A_56] : memref<1x64xf32, #tpu.memory_space<vmem>>, vector<1x64xf32>
    %add3A_58 = vector.broadcast %get3A_57 : vector<1x64xf32> to vector<2048x64xf32>
    %add3A_59 = arith.addf %dot_general3A_54, %add3A_58 : vector<2048x64xf32>
    %swap3A = arith.constant 0 : index
    %swap3A_60 = arith.constant 0 : index
    %swap3A_61 = vector.load %arg10[%swap3A, %swap3A_60] : memref<2048x64xf32, #tpu.memory_space<vmem>>, vector<2048x64xf32>
    tpu.vector_store %arg10[%swap3A, %swap3A_60], %add3A_59 {strides = array<i32>} : memref<2048x64xf32, #tpu.memory_space<vmem>>, vector<2048x64xf32>,
    %concatenate3A = tpu.concatenate %max3A_29, %max3A_42 in 1 : vector<2048x64xf32>, vector<2048x64xf32> -> vector<2048x128xf32>
    %mul3A_62 = vector.broadcast %get3A_1 : vector<2048x1xf32> to vector<2048x128xf32>
    %mul3A_63 = arith.mulf %concatenate3A, %mul3A_62 : vector<2048x128xf32>
    %swap3A_64 = arith.constant 0 : index
    %swap3A_65 = arith.constant 0 : index
    %swap3A_66 = vector.load %arg11[%swap3A_64, %swap3A_65] : memref<2048x128xf32, #tpu.memory_space<vmem>>, vector<2048x128xf32>
    tpu.vector_store %arg11[%swap3A_64, %swap3A_65], %mul3A_63 {strides = array<i32>} : memref<2048x128xf32, #tpu.memory_space<vmem>>, vector<2048x128xf32>,
    %mul3A_67 = vector.broadcast %get3A_1 : vector<2048x1xf32> to vector<2048x64xf32>
    %mul3A_68 = arith.mulf %max3A_49, %mul3A_67 : vector<2048x64xf32>
    %broadcast_in_dim3A = arith.constant 0.000000e+00 : f32
    %broadcast_in_dim3A_69 = vector.broadcast %broadcast_in_dim3A : f32 to vector<2048x64xf32>
    %concatenate3A_70 = tpu.concatenate %mul3A_68, %broadcast_in_dim3A_69 in 1 : vector<2048x64xf32>, vector<2048x64xf32> -> vector<2048x128xf32>
    %swap3A_71 = arith.constant 0 : index
    %swap3A_72 = arith.constant 0 : index
    %swap3A_73 = vector.load %arg12[%swap3A_71, %swap3A_72] : memref<2048x128xf32, #tpu.memory_space<vmem>>, vector<2048x128xf32>
    tpu.vector_store %arg12[%swap3A_71, %swap3A_72], %concatenate3A_70 {strides = array<i32>} : memref<2048x128xf32, #tpu.memory_space<vmem>>, vector<2048x128xf32>,
    return
  }
  func.func @transform_0(%arg0: i32) -> (i32, i32) {
    %c0_i32 = arith.constant 0 : i32
    %c0_i32_0 = arith.constant 0 : i32
    return %arg0, %c0_i32 : i32, i32
  }
  func.func @transform_1(%arg0: i32) -> (i32, i32, i32) {
    %c0_i32 = arith.constant 0 : i32
    %c0_i32_0 = arith.constant 0 : i32
    %c0_i32_1 = arith.constant 0 : i32
    return %c0_i32, %arg0, %c0_i32_0 : i32, i32, i32
  }
  func.func @transform_2(%arg0: i32) -> (i32, i32) {
    %c0_i32 = arith.constant 0 : i32
    %c0_i32_0 = arith.constant 0 : i32
    return %arg0, %c0_i32 : i32, i32
  }
  func.func @transform_3(%arg0: i32) -> (i32, i32) {
    %c0_i32 = arith.constant 0 : i32
    %c0_i32_0 = arith.constant 0 : i32
    %c0_i32_1 = arith.constant 0 : i32
    return %c0_i32, %c0_i32_0 : i32, i32
  }
  func.func @transform_4(%arg0: i32) -> (i32, i32) {
    %c0_i32 = arith.constant 0 : i32
    %c0_i32_0 = arith.constant 0 : i32
    %c0_i32_1 = arith.constant 0 : i32
    return %c0_i32, %c0_i32_0 : i32, i32
  }
  func.func @transform_5(%arg0: i32) -> (i32, i32) {
    %c0_i32 = arith.constant 0 : i32
    %c0_i32_0 = arith.constant 0 : i32
    %c0_i32_1 = arith.constant 0 : i32
    return %c0_i32, %c0_i32_0 : i32, i32
  }
  func.func @transform_6(%arg0: i32) -> (i32, i32) {
    %c0_i32 = arith.constant 0 : i32
    %c0_i32_0 = arith.constant 0 : i32
    %c0_i32_1 = arith.constant 0 : i32
    return %c0_i32, %c0_i32_0 : i32, i32
  }
  func.func @transform_7(%arg0: i32) -> (i32, i32) {
    %c0_i32 = arith.constant 0 : i32
    %c0_i32_0 = arith.constant 0 : i32
    %c0_i32_1 = arith.constant 0 : i32
    return %c0_i32, %c0_i32_0 : i32, i32
  }
  func.func @transform_8(%arg0: i32) -> (i32, i32) {
    %c0_i32 = arith.constant 0 : i32
    %c0_i32_0 = arith.constant 0 : i32
    %c0_i32_1 = arith.constant 0 : i32
    return %c0_i32, %c0_i32_0 : i32, i32
  }
  func.func @transform_9(%arg0: i32) -> (i32, i32) {
    %c0_i32 = arith.constant 0 : i32
    %c0_i32_0 = arith.constant 0 : i32
    return %arg0, %c0_i32 : i32, i32
  }
  func.func @transform_10(%arg0: i32) -> (i32, i32) {
    %c0_i32 = arith.constant 0 : i32
    %c0_i32_0 = arith.constant 0 : i32
    return %arg0, %c0_i32 : i32, i32
  }
  func.func @transform_11(%arg0: i32) -> (i32, i32) {
    %c0_i32 = arith.constant 0 : i32
    %c0_i32_0 = arith.constant 0 : i32
    return %arg0, %c0_i32 : i32, i32
  }
}

module attributes {stable_mosaic.version = 14 : i64} {
  func.func @_t6_body(%arg0: i32, %arg1: i32, %arg2: memref<2048x64xf32, #tpu.memory_space<vmem>>, %arg3: memref<2048x64xf32, #tpu.memory_space<vmem>>, %arg4: memref<2048x2048xf32, #tpu.memory_space<vmem>>) attributes {dimension_semantics = [#tpu.dimension_semantics<arbitrary>, #tpu.dimension_semantics<arbitrary>], iteration_bounds = array<i64: 5, 5>, scalar_prefetch = 0 : i64, scratch_operands = 0 : i64, tpu.core_type = #tpu.core_type<tc>, window_params = [{transform_indices = @transform_0, window_bounds = array<i64: 2048, 64>}, {transform_indices = @transform_1, window_bounds = array<i64: 2048, 64>}, {transform_indices = @transform_2, window_bounds = array<i64: 2048, 2048>}]} {
    %get3A = arith.constant 0 : index
    %get3A_0 = arith.constant 0 : index
    %get3A_1 = vector.load %arg2[%get3A, %get3A_0] : memref<2048x64xf32, #tpu.memory_space<vmem>>, vector<2048x64xf32>
    %get3A_2 = arith.constant 0 : index
    %get3A_3 = arith.constant 0 : index
    %get3A_4 = vector.load %arg3[%get3A_2, %get3A_3] : memref<2048x64xf32, #tpu.memory_space<vmem>>, vector<2048x64xf32>
    %dot_general3A = arith.constant dense<0.000000e+00> : vector<2048x2048xf32>
    %dot_general3A_5 = tpu.matmul %get3A_1, %get3A_4, %dot_general3A {dimension_numbers = #tpu.dot_dimension_numbers<[1], [1], [0], [0], [0, 0, 1, 0], [], []>, transpose_lhs_hint = false} : vector<2048x64xf32>, vector<2048x64xf32>, vector<2048x2048xf32> -> vector<2048x2048xf32>
    %swap3A = arith.constant 0 : index
    %swap3A_6 = arith.constant 0 : index
    %swap3A_7 = vector.load %arg4[%swap3A, %swap3A_6] : memref<2048x2048xf32, #tpu.memory_space<vmem>>, vector<2048x2048xf32>
    tpu.vector_store %arg4[%swap3A, %swap3A_6], %dot_general3A_5 {strides = array<i32>} : memref<2048x2048xf32, #tpu.memory_space<vmem>>, vector<2048x2048xf32>,
    return
  }
  func.func @transform_0(%arg0: i32, %arg1: i32) -> (i32, i32) {
    %c0_i32 = arith.constant 0 : i32
    %c0_i32_0 = arith.constant 0 : i32
    return %arg0, %c0_i32 : i32, i32
  }
  func.func @transform_1(%arg0: i32, %arg1: i32) -> (i32, i32) {
    %c0_i32 = arith.constant 0 : i32
    %c0_i32_0 = arith.constant 0 : i32
    return %arg1, %c0_i32 : i32, i32
  }
  func.func @transform_2(%arg0: i32, %arg1: i32) -> (i32, i32) {
    %c0_i32 = arith.constant 0 : i32
    return %arg0, %arg1 : i32, i32
  }
}

module attributes {stable_mosaic.version = 14 : i64} {
  func.func @_t5_body(%arg0: i32, %arg1: memref<2048x128xf32, #tpu.memory_space<vmem>>, %arg2: memref<2048x128xf32, #tpu.memory_space<vmem>>, %arg3: memref<2x2048x128xf32, #tpu.memory_space<vmem>>, %arg4: memref<2x2048x128xf32, #tpu.memory_space<vmem>>, %arg5: memref<2048x128xf32, #tpu.memory_space<vmem>>, %arg6: memref<64x128xf32, #tpu.memory_space<vmem>>, %arg7: memref<64x128xf32, #tpu.memory_space<vmem>>, %arg8: memref<1x128xf32, #tpu.memory_space<vmem>>, %arg9: memref<1x128xf32, #tpu.memory_space<vmem>>, %arg10: memref<2048x128xf32, #tpu.memory_space<vmem>>, %arg11: memref<2048x128xf32, #tpu.memory_space<vmem>>, %arg12: memref<2048x128xf32, #tpu.memory_space<vmem>>) attributes {dimension_semantics = [#tpu.dimension_semantics<arbitrary>], iteration_bounds = array<i64: 5>, scalar_prefetch = 0 : i64, scratch_operands = 0 : i64, tpu.core_type = #tpu.core_type<tc>, window_params = [{transform_indices = @transform_0, window_bounds = array<i64: 2048, 128>}, {transform_indices = @transform_1, window_bounds = array<i64: 2048, 128>}, {transform_indices = @transform_2, window_bounds = array<i64: 2, 2048, 128>}, {transform_indices = @transform_3, window_bounds = array<i64: 2, 2048, 128>}, {transform_indices = @transform_4, window_bounds = array<i64: 2048, 128>}, {pipeline_mode = #tpu.pipeline_mode<synchronous>, transform_indices = @transform_5, window_bounds = array<i64: 64, 128>}, {pipeline_mode = #tpu.pipeline_mode<synchronous>, transform_indices = @transform_6, window_bounds = array<i64: 64, 128>}, {pipeline_mode = #tpu.pipeline_mode<synchronous>, transform_indices = @transform_7, window_bounds = array<i64: 1, 128>}, {pipeline_mode = #tpu.pipeline_mode<synchronous>, transform_indices = @transform_8, window_bounds = array<i64: 1, 128>}, {transform_indices = @transform_9, window_bounds = array<i64: 2048, 128>}, {transform_indices = @transform_10, window_bounds = array<i64: 2048, 128>}, {transform_indices = @transform_11, window_bounds = array<i64: 2048, 128>}]} {
    %get3A = arith.constant 0 : index
    %get3A_0 = arith.constant 65 : index
    %get3A_1 = vector.load %arg5[%get3A, %get3A_0] : memref<2048x128xf32, #tpu.memory_space<vmem>>, vector<2048x1xf32>
    %get3A_2 = arith.constant 0 : index
    %get3A_3 = arith.constant 0 : index
    %get3A_4 = arith.constant 0 : index
    %get3A_5 = vector.load %arg3[%get3A_2, %get3A_3, %get3A_4] : memref<2x2048x128xf32, #tpu.memory_space<vmem>>, vector<1x2048x128xf32>
    %get3A_6 = vector.shape_cast %get3A_5 : vector<1x2048x128xf32> to vector<2048x128xf32>
    %get3A_7 = arith.constant 1 : index
    %get3A_8 = arith.constant 0 : index
    %get3A_9 = arith.constant 0 : index
    %get3A_10 = vector.load %arg3[%get3A_7, %get3A_8, %get3A_9] : memref<2x2048x128xf32, #tpu.memory_space<vmem>>, vector<1x2048x128xf32>
    %get3A_11 = vector.shape_cast %get3A_10 : vector<1x2048x128xf32> to vector<2048x128xf32>
    %add3A = arith.addf %get3A_6, %get3A_11 : vector<2048x128xf32>
    %get3A_12 = arith.constant 0 : index
    %get3A_13 = arith.constant 0 : index
    %get3A_14 = vector.load %arg1[%get3A_12, %get3A_13] : memref<2048x128xf32, #tpu.memory_space<vmem>>, vector<2048x128xf32>
    %add3A_15 = arith.addf %add3A, %get3A_14 : vector<2048x128xf32>
    %mul3A = vector.broadcast %get3A_1 : vector<2048x1xf32> to vector<2048x128xf32>
    %mul3A_16 = arith.mulf %mul3A, %add3A_15 : vector<2048x128xf32>
    %get3A_17 = arith.constant 0 : index
    %get3A_18 = arith.constant 0 : index
    %get3A_19 = arith.constant 0 : index
    %get3A_20 = vector.load %arg4[%get3A_17, %get3A_18, %get3A_19] : memref<2x2048x128xf32, #tpu.memory_space<vmem>>, vector<1x2048x128xf32>
    %get3A_21 = vector.shape_cast %get3A_20 : vector<1x2048x128xf32> to vector<2048x128xf32>
    %get3A_22 = arith.constant 1 : index
    %get3A_23 = arith.constant 0 : index
    %get3A_24 = arith.constant 0 : index
    %get3A_25 = vector.load %arg4[%get3A_22, %get3A_23, %get3A_24] : memref<2x2048x128xf32, #tpu.memory_space<vmem>>, vector<1x2048x128xf32>
    %get3A_26 = vector.shape_cast %get3A_25 : vector<1x2048x128xf32> to vector<2048x128xf32>
    %add3A_27 = arith.addf %get3A_21, %get3A_26 : vector<2048x128xf32>
    %get3A_28 = arith.constant 0 : index
    %get3A_29 = arith.constant 0 : index
    %get3A_30 = vector.load %arg2[%get3A_28, %get3A_29] : memref<2048x128xf32, #tpu.memory_space<vmem>>, vector<2048x128xf32>
    %add3A_31 = arith.addf %add3A_27, %get3A_30 : vector<2048x128xf32>
    %mul3A_32 = vector.broadcast %get3A_1 : vector<2048x1xf32> to vector<2048x128xf32>
    %mul3A_33 = arith.mulf %mul3A_32, %add3A_31 : vector<2048x128xf32>
    %get3A_34 = arith.constant 0 : index
    %get3A_35 = arith.constant 0 : index
    %get3A_36 = vector.load %arg6[%get3A_34, %get3A_35] : memref<64x128xf32, #tpu.memory_space<vmem>>, vector<64x128xf32>
    %get3A_37 = arith.constant 0 : index
    %get3A_38 = arith.constant 0 : index
    %get3A_39 = vector.load %arg8[%get3A_37, %get3A_38] : memref<1x128xf32, #tpu.memory_space<vmem>>, vector<1x128xf32>
    %slice3A = vector.extract_strided_slice %mul3A_16 {offsets = [0, 0], sizes = [2048, 64], strides = [1, 1]} : vector<2048x128xf32> to vector<2048x64xf32>
    %dot_general3A = arith.constant dense<0.000000e+00> : vector<2048x128xf32>
    %dot_general3A_40 = tpu.matmul %slice3A, %get3A_36, %dot_general3A {dimension_numbers = #tpu.dot_dimension_numbers<[1], [0], [0], [1], [0, 0, 1, 1], [], []>, transpose_lhs_hint = false} : vector<2048x64xf32>, vector<64x128xf32>, vector<2048x128xf32> -> vector<2048x128xf32>
    %add3A_41 = vector.broadcast %get3A_39 : vector<1x128xf32> to vector<2048x128xf32>
    %add3A_42 = arith.addf %dot_general3A_40, %add3A_41 : vector<2048x128xf32>
    %swap3A = arith.constant 0 : index
    %swap3A_43 = arith.constant 0 : index
    %swap3A_44 = vector.load %arg10[%swap3A, %swap3A_43] : memref<2048x128xf32, #tpu.memory_space<vmem>>, vector<2048x128xf32>
    tpu.vector_store %arg10[%swap3A, %swap3A_43], %add3A_42 {strides = array<i32>} : memref<2048x128xf32, #tpu.memory_space<vmem>>, vector<2048x128xf32>,
    %slice3A_45 = vector.extract_strided_slice %mul3A_16 {offsets = [0, 64], sizes = [2048, 64], strides = [1, 1]} : vector<2048x128xf32> to vector<2048x64xf32>
    %get3A_46 = arith.constant 0 : index
    %get3A_47 = arith.constant 0 : index
    %get3A_48 = vector.load %arg7[%get3A_46, %get3A_47] : memref<64x128xf32, #tpu.memory_space<vmem>>, vector<64x128xf32>
    %dot_general3A_49 = arith.constant dense<0.000000e+00> : vector<2048x128xf32>
    %dot_general3A_50 = tpu.matmul %slice3A_45, %get3A_48, %dot_general3A_49 {dimension_numbers = #tpu.dot_dimension_numbers<[1], [0], [0], [1], [0, 0, 1, 1], [], []>, transpose_lhs_hint = false} : vector<2048x64xf32>, vector<64x128xf32>, vector<2048x128xf32> -> vector<2048x128xf32>
    %get3A_51 = arith.constant 0 : index
    %get3A_52 = arith.constant 0 : index
    %get3A_53 = vector.load %arg9[%get3A_51, %get3A_52] : memref<1x128xf32, #tpu.memory_space<vmem>>, vector<1x128xf32>
    %add3A_54 = vector.broadcast %get3A_53 : vector<1x128xf32> to vector<2048x128xf32>
    %add3A_55 = arith.addf %dot_general3A_50, %add3A_54 : vector<2048x128xf32>
    %swap3A_56 = arith.constant 0 : index
    %swap3A_57 = arith.constant 0 : index
    %swap3A_58 = vector.load %arg11[%swap3A_56, %swap3A_57] : memref<2048x128xf32, #tpu.memory_space<vmem>>, vector<2048x128xf32>
    tpu.vector_store %arg11[%swap3A_56, %swap3A_57], %add3A_55 {strides = array<i32>} : memref<2048x128xf32, #tpu.memory_space<vmem>>, vector<2048x128xf32>,
    %slice3A_59 = vector.extract_strided_slice %mul3A_33 {offsets = [0, 0], sizes = [2048, 64], strides = [1, 1]} : vector<2048x128xf32> to vector<2048x64xf32>
    %dot_general3A_60 = arith.constant dense<0.000000e+00> : vector<2048x128xf32>
    %dot_general3A_61 = tpu.matmul %slice3A_59, %get3A_36, %dot_general3A_60 {dimension_numbers = #tpu.dot_dimension_numbers<[1], [0], [0], [1], [0, 0, 1, 1], [], []>, transpose_lhs_hint = false} : vector<2048x64xf32>, vector<64x128xf32>, vector<2048x128xf32> -> vector<2048x128xf32>
    %add3A_62 = vector.broadcast %get3A_39 : vector<1x128xf32> to vector<2048x128xf32>
    %add3A_63 = arith.addf %dot_general3A_61, %add3A_62 : vector<2048x128xf32>
    %swap3A_64 = arith.constant 0 : index
    %swap3A_65 = arith.constant 0 : index
    %swap3A_66 = vector.load %arg12[%swap3A_64, %swap3A_65] : memref<2048x128xf32, #tpu.memory_space<vmem>>, vector<2048x128xf32>
    tpu.vector_store %arg12[%swap3A_64, %swap3A_65], %add3A_63 {strides = array<i32>} : memref<2048x128xf32, #tpu.memory_space<vmem>>, vector<2048x128xf32>,
    return
  }
  func.func @transform_0(%arg0: i32) -> (i32, i32) {
    %c0_i32 = arith.constant 0 : i32
    %c0_i32_0 = arith.constant 0 : i32
    return %arg0, %c0_i32 : i32, i32
  }
  func.func @transform_1(%arg0: i32) -> (i32, i32) {
    %c0_i32 = arith.constant 0 : i32
    %c0_i32_0 = arith.constant 0 : i32
    return %arg0, %c0_i32 : i32, i32
  }
  func.func @transform_2(%arg0: i32) -> (i32, i32, i32) {
    %c0_i32 = arith.constant 0 : i32
    %c0_i32_0 = arith.constant 0 : i32
    %c0_i32_1 = arith.constant 0 : i32
    return %c0_i32, %arg0, %c0_i32_0 : i32, i32, i32
  }
  func.func @transform_3(%arg0: i32) -> (i32, i32, i32) {
    %c0_i32 = arith.constant 0 : i32
    %c0_i32_0 = arith.constant 0 : i32
    %c0_i32_1 = arith.constant 0 : i32
    return %c0_i32, %arg0, %c0_i32_0 : i32, i32, i32
  }
  func.func @transform_4(%arg0: i32) -> (i32, i32) {
    %c0_i32 = arith.constant 0 : i32
    %c0_i32_0 = arith.constant 0 : i32
    return %arg0, %c0_i32 : i32, i32
  }
  func.func @transform_5(%arg0: i32) -> (i32, i32) {
    %c0_i32 = arith.constant 0 : i32
    %c0_i32_0 = arith.constant 0 : i32
    %c0_i32_1 = arith.constant 0 : i32
    return %c0_i32, %c0_i32_0 : i32, i32
  }
  func.func @transform_6(%arg0: i32) -> (i32, i32) {
    %c0_i32 = arith.constant 0 : i32
    %c0_i32_0 = arith.constant 0 : i32
    %c0_i32_1 = arith.constant 0 : i32
    return %c0_i32, %c0_i32_0 : i32, i32
  }
  func.func @transform_7(%arg0: i32) -> (i32, i32) {
    %c0_i32 = arith.constant 0 : i32
    %c0_i32_0 = arith.constant 0 : i32
    %c0_i32_1 = arith.constant 0 : i32
    return %c0_i32, %c0_i32_0 : i32, i32
  }
  func.func @transform_8(%arg0: i32) -> (i32, i32) {
    %c0_i32 = arith.constant 0 : i32
    %c0_i32_0 = arith.constant 0 : i32
    %c0_i32_1 = arith.constant 0 : i32
    return %c0_i32, %c0_i32_0 : i32, i32
  }
  func.func @transform_9(%arg0: i32) -> (i32, i32) {
    %c0_i32 = arith.constant 0 : i32
    %c0_i32_0 = arith.constant 0 : i32
    return %arg0, %c0_i32 : i32, i32
  }
  func.func @transform_10(%arg0: i32) -> (i32, i32) {
    %c0_i32 = arith.constant 0 : i32
    %c0_i32_0 = arith.constant 0 : i32
    return %arg0, %c0_i32 : i32, i32
  }
  func.func @transform_11(%arg0: i32) -> (i32, i32) {
    %c0_i32 = arith.constant 0 : i32
    %c0_i32_0 = arith.constant 0 : i32
    return %arg0, %c0_i32 : i32, i32
  }
}

</mosaic_0001>

<sc_bundles>
// kernel: kernel.14.cloned.1.call-start
scs
__scs_entry_jumppad:
0x0: {  	(pc) =	sbr.rel $0x88, $3  }
0x1: {  	(tag) =	ssettag $0x0;
	lr =	simm.s32 $0x1  }
0x2: {  	[smem:$0x3F91] =	sst lr;
	_ =	strace $0xD0000000  }
0x3: {  	_ = 	snop  }
0x4: {  	_ = 	snop  }
0x5: {  	_ = 	snop  }
0x6: {  	_ = 	snop  }
0x7: {  	_ = 	snop  }
__scs_overlays_trampoline_lowered:
0x8: {  	[smem:$0x3FA0] =	sst s0  }
0x9: {  	[smem:$0x3FA1] =	sst s1  }
0xa: {  	[smem:$0x3FA2] =	sst s2  }
0xb: {  	[smem:$0x3FA3] =	sst s3  }
0xc: {  	[smem:$0x3FA4] =	sst s4  }
0xd: {  	[smem:$0x3FA5] =	sst s5  }
0xe: {  	[smem:$0x3FA6] =	sst s6  }
0xf: {  	[smem:$0x3FA7] =	sst s7  }
0x10: {  	[smem:$0x3FA8] =	sst s8  }
0x11: {  	[smem:$0x3FA9] =	sst s9;
	s0 =	simm.s32 @!p0 $0x0  }
0x12: {  	s1 =	sld [smem:$0x3F8F];
	s0 =	simm.s32 @p0 $0x1  }
0x13: {  	[smem:$0x3FAA] =	sst s0;
	s0 =	simm.s32 @!p1 $0x0  }
0x14: {  	s2 =	sld [smem:$0x3F8E];
	s0 =	simm.s32 @p1 $0x1  }
0x15: {  	[smem:$0x3FAB] =	sst s0;
	s0 =	simm.s32 @!p2 $0x0  }
0x16: {  	s3 =	sld [smem:$0x3FDB];
	s0 =	simm.s32 @p2 $0x1  }
0x17: {  	s4 =	simm.s32 $0x1BF5;
	[smem:$0x3FAD] =	sst s0  }
0x18: {  	s0 =	sld [smem:$0x3F90];
	_ =	swait.ge [sflag:s4], $0x0  }
0x19: {  	s7 =	sld [smem:$0x3F91]  }
0x1a: {  	s8 =	sadd.s32 $0xFFFFE003, lr  }
0x1b: {  	s9 =	sadd.s32 $0xFFFFFEF7, lr;
	s5 =	simm.s32 $0xFFFFFFFF;
	p2 =	slt.u32 s8, $0xFFFFF086  }
0x1c: {  	p1 =	slt.u32 s9, $0xF7A;
	s5 =	simm.s32 @!p2 $0x0  }
0x1d: {  	s5 =	simm.s32 @p1 $0x1;
	p0 =	seq.s32 s7, s2  }
0x1e: {  	s7 =	smul.u32 @!p0 $0xF7A, s2;
	p2 =	seq.s32 @!p0 s5, $0x0  }
0x1f: {  	s9 =	smul.u32 $0xF7A, s1;
	s8 =	simm.s32 @!p0 $0x1BF5;
	p2 =	por !p2, p0  }
0x20: {  	[sflag:s8] =	ssyncset.s32 @!p0 $0xFFFFF086;
	s6 =	sadd.s32 @!p0 s3, s7;
	s7 =	simm.s32 @!p0 $0x108  }
0x21: {  	s3 =	sadd.s32 s3, s9;
	s6 =	sadd.s32 @!p0 $0x88, s6;
	s7 =	simm.s32 @p2 $0x1082  }
0x22: {  	[simem:s7], [sflag:s8] =	dma.local @!p0 [hbm:s6], $0xF7A  }
0x23: {  	s9 =	sor.u32 $0xD0000000, s2;
	s6 =	simm.s32 $0x108;
	_ =	swait.ge @!p0 [sflag:s8], $0x0  }
0x24: {  	s3 =	sadd.s32 $0x88, s3;
	s6 =	simm.s32 @!p1 $0x1082;
	[sflag:s4] =	ssyncset.s32 $0xFFFFF086  }
0x25: {  	[simem:s6], [sflag:s4] =	dma.local [hbm:s3], $0xF7A  }
0x26: {  	[smem:$0x3F91] =	sst s1;
	(tag) =	ssettag s2;
	_ =	strace s9  }
0x27: {  	s1 =	sld [smem:$0x3FA1]  }
0x28: {  	s2 =	sld [smem:$0x3FA2]  }
0x29: {  	s4 =	sld [smem:$0x3FA4]  }
0x2a: {  	p0 =	seq.s32 s5, $0x0;
	s5 =	sld [smem:$0x3FA5]  }
0x2b: {  	s6 =	sld [smem:$0x3FA6]  }
0x2c: {  	s7 =	sld [smem:$0x3FA7]  }
0x2d: {  	s3 =	simm.s32 $0x108;
	s8 =	sld [smem:$0x3FA8]  }
0x2e: {  	s3 =	simm.s32 @!p0 $0x1082;
	s9 =	sld [smem:$0x3FA9]  }
0x2f: {  	lr =	sadd.s32 s0, s3;
	s0 =	sld [smem:$0x3FA0]  }
0x30: {  	s3 =	sld [smem:$0x3FA3]  }
0x31: {  	[smem:$0x3FAC] =	sst s10  }
0x32: {  	s10 =	sld [smem:$0x3FAA];
	_ =	sdelay $0x3  }
0x33: {  	p0 =	seq.s32 s10, $0x1;
	s10 =	sld [smem:$0x3FAC];
	_ =	sdelay $0x3  }
0x34: {  	[smem:$0x3FAC] =	sst s10  }
0x35: {  	s10 =	sld [smem:$0x3FAB];
	_ =	sdelay $0x3  }
0x36: {  	p1 =	seq.s32 s10, $0x1;
	s10 =	sld [smem:$0x3FAC];
	_ =	sdelay $0x3  }
0x37: {  	[smem:$0x3FAC] =	sst s10  }
0x38: {  	s10 =	sld [smem:$0x3FAD]  }
0x39: {  	_ = 	snop;
	(pc) =	sbr.ind lr, $3  }
0x3a: {  	_ = 	snop  }
0x3b: {  	_ = 	snop  }
0x3c: {  	p2 =	seq.s32 s10, $0x1;
	s10 =	sld [smem:$0x3FAC]  }
0x3d: {  	_ =	shalt  }
0x3e: {  	_ =	shalt  }
0x3f: {  	_ =	shalt  }
0x40: {  	_ =	shalt  }
0x41: {  	_ =	shalt  }
0x42: {  	_ =	shalt  }
0x43: {  	_ =	shalt  }
0x44: {  	_ =	shalt  }
0x45: {  	_ =	shalt  }
0x46: {  	_ =	shalt  }
0x47: {  	_ =	shalt  }
0x48: {  	_ =	shalt  }
0x49: {  	_ =	shalt  }
0x4a: {  	_ =	shalt  }
0x4b: {  	_ =	shalt  }
0x4c: {  	_ =	shalt  }
0x4d: {  	_ =	shalt  }
0x4e: {  	_ =	shalt  }
0x4f: {  	_ =	shalt  }
0x50: {  	_ =	shalt  }
0x51: {  	_ =	shalt  }
0x52: {  	_ =	shalt  }
0x53: {  	_ =	shalt  }
0x54: {  	_ =	shalt  }
0x55: {  	_ =	shalt  }
0x56: {  	_ =	shalt  }
0x57: {  	_ =	shalt  }
0x58: {  	_ =	shalt  }
0x59: {  	_ =	shalt  }
0x5a: {  	_ =	shalt  }
0x5b: {  	_ =	shalt  }
0x5c: {  	_ =	shalt  }
0x5d: {  	_ =	shalt  }
0x5e: {  	_ =	shalt  }
0x5f: {  	_ =	shalt  }
0x60: {  	_ =	shalt  }
0x61: {  	_ =	shalt  }
0x62: {  	_ =	shalt  }
0x63: {  	_ =	shalt  }
0x64: {  	_ =	shalt  }
0x65: {  	_ =	shalt  }
0x66: {  	_ =	shalt  }
0x67: {  	_ =	shalt  }
0x68: {  	_ =	shalt  }
0x69: {  	_ =	shalt  }
0x6a: {  	_ =	shalt  }
0x6b: {  	_ =	shalt  }
0x6c: {  	_ =	shalt  }
0x6d: {  	_ =	shalt  }
0x6e: {  	_ =	shalt  }
0x6f: {  	_ =	shalt  }
0x70: {  	_ =	shalt  }
0x71: {  	_ =	shalt  }
0x72: {  	_ =	shalt  }
0x73: {  	_ =	shalt  }
0x74: {  	_ =	shalt  }
0x75: {  	_ =	shalt  }
0x76: {  	_ =	shalt  }
0x77: {  	_ =	shalt  }
0x78: {  	_ =	shalt  }
0x79: {  	_ =	shalt  }
0x7a: {  	_ =	shalt  }
0x7b: {  	_ =	shalt  }
0x7c: {  	_ =	shalt  }
0x7d: {  	_ =	shalt  }
0x7e: {  	_ =	shalt  }
0x7f: {  	_ =	shalt  }
0x80: {  	_ =	shalt  }
0x81: {  	_ =	shalt  }
0x82: {  	_ =	shalt  }
0x83: {  	_ =	shalt  }
0x84: {  	_ =	shalt  }
0x85: {  	_ =	shalt  }
0x86: {  	_ =	shalt  }
0x87: {  	_ =	shalt  }
.Lfunc_end0:
.L_simem_size_0:
called_computation_lowered:
.L_overlay_start_0:
0x88: {  	s2 =	sld [smem:$0x3FD9]  }
0x89: {  	s3 =	sld [smem:$0x3FFE];
	_ =	sdelay $0x1  }
0x8a: {  	s1 =	srdreg.scid  }
0x8b: {  	s0 =	sand.u32 $0x1, s1  }
0x8c: {  	s15 =	sshll.u32 s0, $0xA;
	s2 =	sadd.s32 s3, s2  }
0x8d: {  	s2 =	sadd.s32 s2, s15  }
0x8e: {  	[smem:$0x3FB8] =	sst s2  }
0x8f: {  	_ = 	snop  }
0x90: {  	s2 =	sld [smem:$0x3FD0];
	_ =	sdelay $0x2  }
0x91: {  	s16 =	simm.s32 $0xB;
	s4 =	simm.s32 $0x10  }
0x92: {  	[smem:s4], [sflag:s16] =	dma.local [hbm:s2], $0x1  }
0x93: {  	_ =	swait.eq [sflag:s16], $0x1  }
0x94: {  	s17 =	sld [smem:$0x11]  }
0x95: {  	s18 =	sld [smem:$0x12]  }
0x96: {  	s5 =	sld [smem:$0x13];
	[sflag:s16] =	ssyncset.done $0x0  }
0x97: {  	s6 =	sld [smem:$0x14];
	[sflag:s16] =	ssyncadd.s32 $0xFFFFFFFF  }
0x98: {  	s19 =	sld [smem:$0x15];
	(tm) =	ssettm $0x1  }
0x99: {  	s7 =	sld [smem:$0x3FFB];
	_ =	sdelay $0x3  }
0x9a: {  	_ =	strace s7  }
0x9b: {  	s7 =	sld [smem:$0x3FFC];
	_ =	sdelay $0x3  }
0x9c: {  	_ =	strace s7  }
0x9d: {  	s7 =	sld [smem:$0x3FFD];
	_ =	sdelay $0x3  }
0x9e: {  	_ =	strace s7  }
0x9f: {  	_ =	strace $0x8FFFFFFF  }
0xa0: {  	s20 =	sld [smem:$0x3FDB];
	_ =	sdelay $0x1  }
0xa1: {  	s8 =	simm.s32 $_scs_section_size  }
0xa2: {  	s9 =	simm.s32 $_size__tile_overlayer_lowered;
	s10 =	simm.s32 $_tile_overlayer_lowered  }
0xa3: {  	s23 =	simm.s32 $0x1BFF;
	s22 =	sshll.u32 s10, $0x1;
	s7 =	sadd.s32 s8, s20  }
0xa4: {  	s11 =	simm.s32 $0x0;
	s21 =	sshll.u32 s9, $0x1;
	s9 =	sadd.s32 s22, s7  }
0xa5: {  	[timem:s11], [sflag:s23] =	dma.local [hbm:s9], s21  }
0xa6: {  	_ =	swait.ge [sflag:s23], s21  }
0xa7: {  	s8 =	ssub.s32 $0x0, s21;
	[sflag:s23] =	ssyncset.done $0x0  }
0xa8: {  	[sflag:s23] =	ssyncadd.s32 s8;
	_ =	sdelay $0x1  }
0xa9: {  	s24 =	simm.s32 $0x1B8B  }
0xaa: {  	_ =	swait.ge [sflag:s24], $0x1  }
0xab: {  	[sflag:s24] =	ssyncset.done $0x0  }
0xac: {  	s25 =	simm.s32 $0x1B8E;
	[sflag:s24] =	ssyncadd.s32 $0xFFFFFFFF  }
0xad: {  	s26 =	simm.s32 $execute0_lowered;
	[smem:$0x3FD2] =	sst s25  }
0xae: {  	s8 =	sshll.u32 s26, $0x1;
	_ =	strace $0x80000046;
	[dreg:$0x1] =	wrdreg $0xFFFFFFFF  }
0xaf: {  	s28 =	simm.s32 $_size_execute0_lowered;
	s7 =	sadd.s32 s7, s8;
	[dreg:$0x0] =	wrdreg $0x0  }
0xb0: {  	s8 =	sshll.u32 s28, $0x1;
	[dreg:$0x2] =	wrdreg s7  }
0xb1: {  	[dreg:$0x3] =	wrdreg s8  }
0xb2: {  	[dreg:$0x4] =	wrdreg $0xC0  }
0xb3: {  	_ =	task [dreg:s11], $0x5FFFF  }
0xb4: {  	[dreg:$0x1] =	wrdreg $0xFFFFFFFF  }
0xb5: {  	[dreg:$0x0] =	wrdreg $0x60  }
0xb6: {  	[dreg:$0x2] =	wrdreg s17  }
0xb7: {  	[dreg:$0x3] =	wrdreg s5  }
0xb8: {  	[dreg:$0x4] =	wrdreg s6  }
0xb9: {  	[dreg:$0x5] =	wrdreg s18  }
0xba: {  	[dreg:$0x6] =	wrdreg s19  }
0xbb: {  	[dreg:$0x7] =	wrdreg $0x8F800  }
0xbc: {  	[dreg:$0x8] =	wrdreg $0x9  }
0xbd: {  	_ =	task.clear_ibuf [dreg:s11], $0x9FFFF;
	_ =	strace $0x90000046  }
0xbe: {  	s29 =	simm.s32 $0x9;
	_ =	strace $0x80000048  }
0xbf: {  	_ =	swait.ge [sflag:s29], $0x1  }
0xc0: {  	[sflag:s29] =	ssyncadd.s32 $0xFFFFFFFF  }
0xc1: {  	_ =	strace $0x90000048  }
0xc2: {  	_ =	sfence  }
0xc3: {  	s30 =	sld [smem:$0x0];
	_ =	sdelay $0x2  }
0xc4: {  	s31 =	sshll.u32 s1, $0xD;
	s1 =	sshrl.u32 s1, $0x2  }
0xc5: {  	s3 =	sand.u32 $0x4000, s31;
	s1 =	sadd.s32 s1, s30  }
0xc6: {  	s0 =	sor.u32 s3, s0;
	s1 =	sshll.u32 s1, $0x11  }
0xc7: {  	s0 =	sor.u32 s1, s0  }
0xc8: {  	s0 =	sadd.s32 $0x8F2B, s0  }
0xc9: {  	[sflag:s0] =	ssyncadd.remote.s32 $0x1  }
0xca: {  	_ =	sfence.sel $0xFFFF  }
0xcb: {  	[dreg:$0x0] =	wrdreg $0xFFFFFFFF;
	(pc) =	sbr.abs _section_cstart, $3  }
0xcc: {  	[dreg:$0x1] =	wrdreg $0xFFFFFFFF  }
0xcd: {  	_ =	task.clear_ibuf [dreg:s11], $0x2FFFF;
	_ =	strace $0x9FFFFFFF  }
0xce: {  	(tm) =	ssettm $0x7FFFFFFF  }
0xcf: {  	_ =	shalt  }
tec
execute0_lowered:
.L_overlay_start_1:
0x0: {  	(tag) =	ssettag $0x1  }
0x1: {  	s1 =	rddreg [dreg:$0x0]  }
0x2: {  	s7 =	rddreg [dreg:$0x1]  }
0x3: {  	s8 =	rddreg [dreg:$0x2]  }
0x4: {  	s2 =	rddreg [dreg:$0x3]  }
0x5: {  	s9 =	rddreg [dreg:$0x4]  }
0x6: {  	s3 =	rddreg [dreg:$0x5]  }
0x7: {  	s0 =	rddreg [dreg:$0x6]  }
0x8: {  	s5 =	simm.s32 $0x0;
	s6 =	srdreg.scid;
	s4 =	stileid.u32  }
0x9: {  	s17 =	simm.s32 $0x50;
	s18 =	simm.s32 $0x0;
	[smem:$0x7FF] =	sst s5  }
0xa: {  	s6 =	sand.u32 $0x1, s6;
	s11 =	smul.u32 $0x50000, s4;
	s12 =	sshrl.u32 s4, $0x2  }
0xb: {  	s14 =	sshll.u32 s4, $0x1;
	s15 =	smul.u32 $0x14000, s4;
	s30 =	sshll.u32 s4, $0x6  }
0xc: {  	_ =	strace $0x80000047;
	s10 =	ssub.s32 $0x2, s6;
	s12 =	smul.u32 $0x13C00, s12  }
0xd: {  	s25 =	sor.u32 s6, s14;
	s26 =	smul.u32 $0x140000, s6;
	s6 =	sor.u32 $0x1C01, s30  }
0xe: {  	s14 =	simm.s32 $0x400;
	s13 =	sshrl.u32 s10, $0x1;
	s28 =	sshrl.u32 s11, $0x2  }
0xf: {  	s29 =	sshll.u32 s25, $0x7;
	s10 =	ssub.s32 s10, s13;
	s16 =	sadd.s32 s28, s3  }
0x10: {  	s11 =	sand.u32 $0x380, s29;
	s31 =	sadd.s32 s15, s26;
	s13 =	sshll.u32 s25, $0xB  }
0x11: {  	s15 =	simm.s32 $0x2780;
	s11 =	sor.u32 s12, s11;
	s12 =	sshrl.u32 s31, $0x3  }
0x12: {  	s8 =	sadd.s32 s8, s13;
	s10 =	smax.u32 s10, $0x1;
	s13 =	simm.s32 $0x80  }
0x13: {  	s11 =	sshrl.u32 s11, $0x3;
	s9 =	sadd.s32 s9, s12;
	s12 =	simm.s32 $0x1  }
0x14: {  	s7 =	sadd.s32 s7, s11;
	s11 =	sshrl.u32 s16, $0x3;
	s16 =	simm.s32 $0x6780  }
.LBB2_1:
0x15: {  	[spmem:s11], [sflag:s6] =	dma.local [hbm:s2], $0x2800  }
0x16: {  	_ =	swait.ge [sflag:s12], $0x2800  }
0x17: {  	[sflag:s12] =	ssyncset.done $0x0  }
0x18: {  	[sflag:s12] =	ssyncadd.s32 $0xFFFFD800  }
0x19: {  	[tilespmem:s5], [sflag:$0x1] =	stream.strided.gather [hbm4b:s7+s13], $0x2780, s14, s13, $0x38;
	[tilespmem:$0x1CF80] =	vst v63  }
0x1a: {  	_ =	swait.ge [sflag:s12], $0x2780  }
0x1b: {  	[sflag:s12] =	ssyncset.done $0x0  }
0x1c: {  	[sflag:s12] =	ssyncadd.s32 $0xFFFFD880  }
0x1d: {  	[tilespmem:s15], [sflag:$0x1] =	stream.linear.gather [hbm4b:s8+s5], $0x3E80, $0x38;
	[tilespmem:$0x1CF80] =	vst v63  }
0x1e: {  	_ =	swait.ge [sflag:s12], $0x3E80  }
0x1f: {  	[sflag:s12] =	ssyncset.done $0x0  }
0x20: {  	[sflag:s12] =	ssyncadd.s32 $0xFFFFC180  }
0x21: {  	[tilespmem:s16], [sflag:$0x1] =	stream.linear.gather [hbm4b:s1+s5], $0x2800, $0x38;
	[tilespmem:$0x1CF80] =	vst v63  }
0x22: {  	_ =	swait.ge [sflag:s12], $0x2800  }
0x23: {  	[sflag:s12] =	ssyncset.done $0x0  }
0x24: {  	[sflag:s12] =	ssyncadd.s32 $0xFFFFD800  }
0x25: {  	s19 =	simm.s32 $0x2780;
	[bflag:$0x0] =	sbarrier.arrive $0xFFFF  }
0x26: {  	[spmem:s3] =	stream.indirect.scatter.add.f32 [tilespmem:s16], [sflag:$0x1], $0x80, s19, s17, $0xb8;
	[tilespmem:$0x1CF80] =	vst v63  }
0x27: {  	s19 =	simm.s32 $0x200;
	_ =	swait.ge [sflag:s12], $0x2800  }
.LBB2_2:
0x28: {  	s20 =	sshra.s32 s19, $0x2;
	[sflag:s12] =	ssyncset.done $0x0;
	p0 =	sne.s32 s19, $0xF800  }
.Ltmp0:
0x29: {  	s20 =	sadd.s32 $0x2780, s20;
	[sflag:s12] =	ssyncadd.s32 $0xFFFFD800;
	(pc) =	sbr.rel @p0 .LBB2_2-.Ltmp0, $3  }
0x2a: {  	[spmem:s3] =	stream.indirect.scatter.add.f32 [tilespmem:s16], [sflag:$0x1], $0x80, s20, s17, $0xb8;
	[tilespmem:$0x1CF80] =	vst v63  }
0x2b: {  	s19 =	sadd.s32 $0x200, s19;
	_ =	sdelay $0x1  }
0x2c: {  	_ =	swait.ge [sflag:s12], $0x2800  }
0x2d: {  	[sflag:s12] =	ssyncset.done $0x0;
	s18 =	sadd.s32 $0x1, s18  }
0x2e: {  	[sflag:s12] =	ssyncadd.s32 $0xFFFFD800;
	p0 =	sne.s32 s18, s10  }
.Ltmp1:
0x2f: {  	[bflag:$0x0] =	sbarrier.arrive $0xFFFF;
	(pc) =	sbr.rel @p0 .LBB2_1-.Ltmp1, $4  }
0x30: {  	[hbm:s9], [sflag:s6] =	dma.local [spmem:s11], $0x2800  }
0x31: {  	_ =	swait.ge [sflag:s12], $0x2800  }
0x32: {  	[sflag:s12] =	ssyncset.done $0x0  }
0x33: {  	[sflag:s12] =	ssyncadd.s32 $0xFFFFD800  }
0x34: {  	_ =	sfence.sel $0x180000  }
0x35: {  	[bflag:$0x0] =	sbarrier.arrive $0xFFFF  }
0x36: {  	p0 =	sne.s32 s4, $0x0;
	_ =	strace $0x90000047  }
0x37: {  	s0 =	sadd.s32 @!p0 $0x100000, s0;
	[bflag:$0x2] =	sbarrier.arrive $0xFFFF  }
0x38: {  	[sflag:s0] =	ssyncadd.tile.s32 @!p0 $0x1;
	_ =	shalt  }
.Lfunc_end2:
_tile_overlayer_lowered:
.L_overlay_start_2:
0x39: {  	(tag) =	ssettag $0x2  }
0x3a: {  	s0 =	rddreg [dreg:$0x0];
	s2 =	stileid.u32  }
0x3b: {  	s1 =	rddreg [dreg:$0x1];
	p0 =	sne.s32 s2, $0x0  }
0x3c: {  	s3 =	rddreg [dreg:$0x2];
	[bflag:$0x3] =	sbarrier.arrive $0xFFFF;
	s2 =	simm.s32 @!p0 $0x1C01  }
0x3d: {  	[timem:s3], [sflag:s2] =	dma.local @!p0 [hbm:s0], s1  }
0x3e: {  	s0 =	simm.s32 @!p0 $0x1  }
0x3f: {  	_ =	swait.ge @!p0 [sflag:s0], s1  }
0x40: {  	s1 =	ssub.s32 @!p0 $0x0, s1;
	[sflag:s0] =	ssyncset.done @!p0 $0x0  }
0x41: {  	[sflag:s0] =	ssyncadd.s32 @!p0 s1  }
0x42: {  	[bflag:$0x3] =	sbarrier.arrive $0xFFFF  }
0x43: {  	_ =	shalt  }

// kernel: kernel.17.cloned.1.call-start
scs
__scs_entry_jumppad:
0x0: {  	(pc) =	sbr.rel $0x88, $3  }
0x1: {  	(tag) =	ssettag $0x0;
	lr =	simm.s32 $0x1  }
0x2: {  	[smem:$0x3F91] =	sst lr;
	_ =	strace $0xD0000000  }
0x3: {  	_ = 	snop  }
0x4: {  	_ = 	snop  }
0x5: {  	_ = 	snop  }
0x6: {  	_ = 	snop  }
0x7: {  	_ = 	snop  }
__scs_overlays_trampoline_lowered:
0x8: {  	[smem:$0x3FA0] =	sst s0  }
0x9: {  	[smem:$0x3FA1] =	sst s1  }
0xa: {  	[smem:$0x3FA2] =	sst s2  }
0xb: {  	[smem:$0x3FA3] =	sst s3  }
0xc: {  	[smem:$0x3FA4] =	sst s4  }
0xd: {  	[smem:$0x3FA5] =	sst s5  }
0xe: {  	[smem:$0x3FA6] =	sst s6  }
0xf: {  	[smem:$0x3FA7] =	sst s7  }
0x10: {  	[smem:$0x3FA8] =	sst s8  }
0x11: {  	[smem:$0x3FA9] =	sst s9;
	s0 =	simm.s32 @!p0 $0x0  }
0x12: {  	s1 =	sld [smem:$0x3F8F];
	s0 =	simm.s32 @p0 $0x1  }
0x13: {  	[smem:$0x3FAA] =	sst s0;
	s0 =	simm.s32 @!p1 $0x0  }
0x14: {  	s2 =	sld [smem:$0x3F8E];
	s0 =	simm.s32 @p1 $0x1  }
0x15: {  	[smem:$0x3FAB] =	sst s0;
	s0 =	simm.s32 @!p2 $0x0  }
0x16: {  	s3 =	sld [smem:$0x3FDB];
	s0 =	simm.s32 @p2 $0x1  }
0x17: {  	s4 =	simm.s32 $0x1BF5;
	[smem:$0x3FAD] =	sst s0  }
0x18: {  	s0 =	sld [smem:$0x3F90];
	_ =	swait.ge [sflag:s4], $0x0  }
0x19: {  	s7 =	sld [smem:$0x3F91]  }
0x1a: {  	s8 =	sadd.s32 $0xFFFFE003, lr  }
0x1b: {  	s9 =	sadd.s32 $0xFFFFFEF7, lr;
	s5 =	simm.s32 $0xFFFFFFFF;
	p2 =	slt.u32 s8, $0xFFFFF086  }
0x1c: {  	p1 =	slt.u32 s9, $0xF7A;
	s5 =	simm.s32 @!p2 $0x0  }
0x1d: {  	s5 =	simm.s32 @p1 $0x1;
	p0 =	seq.s32 s7, s2  }
0x1e: {  	s7 =	smul.u32 @!p0 $0xF7A, s2;
	p2 =	seq.s32 @!p0 s5, $0x0  }
0x1f: {  	s9 =	smul.u32 $0xF7A, s1;
	s8 =	simm.s32 @!p0 $0x1BF5;
	p2 =	por !p2, p0  }
0x20: {  	[sflag:s8] =	ssyncset.s32 @!p0 $0xFFFFF086;
	s6 =	sadd.s32 @!p0 s3, s7;
	s7 =	simm.s32 @!p0 $0x108  }
0x21: {  	s3 =	sadd.s32 s3, s9;
	s6 =	sadd.s32 @!p0 $0x88, s6;
	s7 =	simm.s32 @p2 $0x1082  }
0x22: {  	[simem:s7], [sflag:s8] =	dma.local @!p0 [hbm:s6], $0xF7A  }
0x23: {  	s9 =	sor.u32 $0xD0000000, s2;
	s6 =	simm.s32 $0x108;
	_ =	swait.ge @!p0 [sflag:s8], $0x0  }
0x24: {  	s3 =	sadd.s32 $0x88, s3;
	s6 =	simm.s32 @!p1 $0x1082;
	[sflag:s4] =	ssyncset.s32 $0xFFFFF086  }
0x25: {  	[simem:s6], [sflag:s4] =	dma.local [hbm:s3], $0xF7A  }
0x26: {  	[smem:$0x3F91] =	sst s1;
	(tag) =	ssettag s2;
	_ =	strace s9  }
0x27: {  	s1 =	sld [smem:$0x3FA1]  }
0x28: {  	s2 =	sld [smem:$0x3FA2]  }
0x29: {  	s4 =	sld [smem:$0x3FA4]  }
0x2a: {  	p0 =	seq.s32 s5, $0x0;
	s5 =	sld [smem:$0x3FA5]  }
0x2b: {  	s6 =	sld [smem:$0x3FA6]  }
0x2c: {  	s7 =	sld [smem:$0x3FA7]  }
0x2d: {  	s3 =	simm.s32 $0x108;
	s8 =	sld [smem:$0x3FA8]  }
0x2e: {  	s3 =	simm.s32 @!p0 $0x1082;
	s9 =	sld [smem:$0x3FA9]  }
0x2f: {  	lr =	sadd.s32 s0, s3;
	s0 =	sld [smem:$0x3FA0]  }
0x30: {  	s3 =	sld [smem:$0x3FA3]  }
0x31: {  	[smem:$0x3FAC] =	sst s10  }
0x32: {  	s10 =	sld [smem:$0x3FAA];
	_ =	sdelay $0x3  }
0x33: {  	p0 =	seq.s32 s10, $0x1;
	s10 =	sld [smem:$0x3FAC];
	_ =	sdelay $0x3  }
0x34: {  	[smem:$0x3FAC] =	sst s10  }
0x35: {  	s10 =	sld [smem:$0x3FAB];
	_ =	sdelay $0x3  }
0x36: {  	p1 =	seq.s32 s10, $0x1;
	s10 =	sld [smem:$0x3FAC];
	_ =	sdelay $0x3  }
0x37: {  	[smem:$0x3FAC] =	sst s10  }
0x38: {  	s10 =	sld [smem:$0x3FAD]  }
0x39: {  	_ = 	snop;
	(pc) =	sbr.ind lr, $3  }
0x3a: {  	_ = 	snop  }
0x3b: {  	_ = 	snop  }
0x3c: {  	p2 =	seq.s32 s10, $0x1;
	s10 =	sld [smem:$0x3FAC]  }
0x3d: {  	_ =	shalt  }
0x3e: {  	_ =	shalt  }
0x3f: {  	_ =	shalt  }
0x40: {  	_ =	shalt  }
0x41: {  	_ =	shalt  }
0x42: {  	_ =	shalt  }
0x43: {  	_ =	shalt  }
0x44: {  	_ =	shalt  }
0x45: {  	_ =	shalt  }
0x46: {  	_ =	shalt  }
0x47: {  	_ =	shalt  }
0x48: {  	_ =	shalt  }
0x49: {  	_ =	shalt  }
0x4a: {  	_ =	shalt  }
0x4b: {  	_ =	shalt  }
0x4c: {  	_ =	shalt  }
0x4d: {  	_ =	shalt  }
0x4e: {  	_ =	shalt  }
0x4f: {  	_ =	shalt  }
0x50: {  	_ =	shalt  }
0x51: {  	_ =	shalt  }
0x52: {  	_ =	shalt  }
0x53: {  	_ =	shalt  }
0x54: {  	_ =	shalt  }
0x55: {  	_ =	shalt  }
0x56: {  	_ =	shalt  }
0x57: {  	_ =	shalt  }
0x58: {  	_ =	shalt  }
0x59: {  	_ =	shalt  }
0x5a: {  	_ =	shalt  }
0x5b: {  	_ =	shalt  }
0x5c: {  	_ =	shalt  }
0x5d: {  	_ =	shalt  }
0x5e: {  	_ =	shalt  }
0x5f: {  	_ =	shalt  }
0x60: {  	_ =	shalt  }
0x61: {  	_ =	shalt  }
0x62: {  	_ =	shalt  }
0x63: {  	_ =	shalt  }
0x64: {  	_ =	shalt  }
0x65: {  	_ =	shalt  }
0x66: {  	_ =	shalt  }
0x67: {  	_ =	shalt  }
0x68: {  	_ =	shalt  }
0x69: {  	_ =	shalt  }
0x6a: {  	_ =	shalt  }
0x6b: {  	_ =	shalt  }
0x6c: {  	_ =	shalt  }
0x6d: {  	_ =	shalt  }
0x6e: {  	_ =	shalt  }
0x6f: {  	_ =	shalt  }
0x70: {  	_ =	shalt  }
0x71: {  	_ =	shalt  }
0x72: {  	_ =	shalt  }
0x73: {  	_ =	shalt  }
0x74: {  	_ =	shalt  }
0x75: {  	_ =	shalt  }
0x76: {  	_ =	shalt  }
0x77: {  	_ =	shalt  }
0x78: {  	_ =	shalt  }
0x79: {  	_ =	shalt  }
0x7a: {  	_ =	shalt  }
0x7b: {  	_ =	shalt  }
0x7c: {  	_ =	shalt  }
0x7d: {  	_ =	shalt  }
0x7e: {  	_ =	shalt  }
0x7f: {  	_ =	shalt  }
0x80: {  	_ =	shalt  }
0x81: {  	_ =	shalt  }
0x82: {  	_ =	shalt  }
0x83: {  	_ =	shalt  }
0x84: {  	_ =	shalt  }
0x85: {  	_ =	shalt  }
0x86: {  	_ =	shalt  }
0x87: {  	_ =	shalt  }
.Lfunc_end0:
.L_simem_size_0:
called_computation.1_lowered:
.L_overlay_start_0:
0x88: {  	s2 =	sld [smem:$0x3FD9]  }
0x89: {  	s3 =	sld [smem:$0x3FFE];
	_ =	sdelay $0x1  }
0x8a: {  	s1 =	srdreg.scid  }
0x8b: {  	s0 =	sand.u32 $0x1, s1  }
0x8c: {  	s14 =	sshll.u32 s0, $0xA;
	s2 =	sadd.s32 s3, s2  }
0x8d: {  	s2 =	sadd.s32 s2, s14  }
0x8e: {  	[smem:$0x3FB8] =	sst s2  }
0x8f: {  	_ = 	snop  }
0x90: {  	s2 =	sld [smem:$0x3FD0];
	_ =	sdelay $0x2  }
0x91: {  	s15 =	simm.s32 $0xB;
	s4 =	simm.s32 $0x10  }
0x92: {  	[smem:s4], [sflag:s15] =	dma.local [hbm:s2], $0x1  }
0x93: {  	_ =	swait.eq [sflag:s15], $0x1  }
0x94: {  	s16 =	sld [smem:$0x12]  }
0x95: {  	s17 =	sld [smem:$0x13];
	[sflag:s15] =	ssyncset.done $0x0  }
0x96: {  	s5 =	sld [smem:$0x14];
	[sflag:s15] =	ssyncadd.s32 $0xFFFFFFFF  }
0x97: {  	s18 =	sld [smem:$0x15];
	(tm) =	ssettm $0x1  }
0x98: {  	s6 =	sld [smem:$0x3FFB];
	_ =	sdelay $0x3  }
0x99: {  	_ =	strace s6  }
0x9a: {  	s6 =	sld [smem:$0x3FFC];
	_ =	sdelay $0x3  }
0x9b: {  	_ =	strace s6  }
0x9c: {  	s6 =	sld [smem:$0x3FFD];
	_ =	sdelay $0x3  }
0x9d: {  	_ =	strace s6  }
0x9e: {  	_ =	strace $0x8FFFFFFF  }
0x9f: {  	s19 =	sld [smem:$0x3FDB];
	_ =	sdelay $0x1  }
0xa0: {  	s7 =	simm.s32 $_scs_section_size  }
0xa1: {  	s8 =	simm.s32 $_size__tile_overlayer_lowered;
	s9 =	simm.s32 $_tile_overlayer_lowered  }
0xa2: {  	s22 =	simm.s32 $0x1BFF;
	s21 =	sshll.u32 s9, $0x1;
	s6 =	sadd.s32 s7, s19  }
0xa3: {  	s10 =	simm.s32 $0x0;
	s20 =	sshll.u32 s8, $0x1;
	s8 =	sadd.s32 s21, s6  }
0xa4: {  	[timem:s10], [sflag:s22] =	dma.local [hbm:s8], s20  }
0xa5: {  	_ =	swait.ge [sflag:s22], s20  }
0xa6: {  	s7 =	ssub.s32 $0x0, s20;
	[sflag:s22] =	ssyncset.done $0x0  }
0xa7: {  	[sflag:s22] =	ssyncadd.s32 s7;
	_ =	sdelay $0x1  }
0xa8: {  	s23 =	simm.s32 $0x1B8B  }
0xa9: {  	_ =	swait.ge [sflag:s23], $0x1  }
0xaa: {  	[sflag:s23] =	ssyncset.done $0x0  }
0xab: {  	s25 =	simm.s32 $0x1B8E;
	s24 =	sld [smem:$0x3FFE];
	[sflag:s23] =	ssyncadd.s32 $0xFFFFFFFF  }
0xac: {  	s26 =	simm.s32 $execute0_lowered;
	[smem:$0x3FD2] =	sst s25  }
0xad: {  	s8 =	sshll.u32 s26, $0x1;
	_ =	strace $0x80000049;
	[dreg:$0x1] =	wrdreg $0xFFFFFFFF  }
0xae: {  	s28 =	simm.s32 $_size_execute0_lowered;
	s6 =	sadd.s32 s6, s8;
	[dreg:$0x0] =	wrdreg $0x0  }
0xaf: {  	s8 =	sshll.u32 s28, $0x1;
	[dreg:$0x2] =	wrdreg s6  }
0xb0: {  	[dreg:$0x3] =	wrdreg s8  }
0xb1: {  	[dreg:$0x4] =	wrdreg $0xC0  }
0xb2: {  	_ =	task [dreg:s10], $0x5FFFF  }
0xb3: {  	[dreg:$0x1] =	wrdreg $0xFFFFFFFF  }
0xb4: {  	[dreg:$0x0] =	wrdreg $0x60  }
0xb5: {  	[dreg:$0x2] =	wrdreg s24  }
0xb6: {  	[dreg:$0x3] =	wrdreg s17  }
0xb7: {  	[dreg:$0x4] =	wrdreg s5  }
0xb8: {  	[dreg:$0x5] =	wrdreg s16  }
0xb9: {  	[dreg:$0x6] =	wrdreg s18  }
0xba: {  	[dreg:$0x7] =	wrdreg $0xB7800  }
0xbb: {  	[dreg:$0x8] =	wrdreg $0x9  }
0xbc: {  	_ =	task.clear_ibuf [dreg:s10], $0x9FFFF;
	_ =	strace $0x90000049  }
0xbd: {  	s29 =	simm.s32 $0x9;
	_ =	strace $0x8000004B  }
0xbe: {  	_ =	swait.ge [sflag:s29], $0x1  }
0xbf: {  	[sflag:s29] =	ssyncadd.s32 $0xFFFFFFFF  }
0xc0: {  	_ =	strace $0x9000004B  }
0xc1: {  	_ =	sfence  }
0xc2: {  	s30 =	sld [smem:$0x0];
	_ =	sdelay $0x2  }
0xc3: {  	s31 =	sshll.u32 s1, $0xD;
	s1 =	sshrl.u32 s1, $0x2  }
0xc4: {  	s3 =	sand.u32 $0x4000, s31;
	s1 =	sadd.s32 s1, s30  }
0xc5: {  	s0 =	sor.u32 s3, s0;
	s1 =	sshll.u32 s1, $0x11  }
0xc6: {  	s0 =	sor.u32 s1, s0  }
0xc7: {  	s0 =	sadd.s32 $0x8F2B, s0  }
0xc8: {  	[sflag:s0] =	ssyncadd.remote.s32 $0x1  }
0xc9: {  	_ =	sfence.sel $0xFFFF  }
0xca: {  	[dreg:$0x0] =	wrdreg $0xFFFFFFFF;
	(pc) =	sbr.abs _section_cstart, $3  }
0xcb: {  	[dreg:$0x1] =	wrdreg $0xFFFFFFFF  }
0xcc: {  	_ =	task.clear_ibuf [dreg:s10], $0x2FFFF;
	_ =	strace $0x9FFFFFFF  }
0xcd: {  	(tm) =	ssettm $0x7FFFFFFF  }
tec
execute0_lowered:
.L_overlay_start_1:
0x0: {  	(tag) =	ssettag $0x1  }
0x1: {  	s4 =	rddreg [dreg:$0x0]  }
0x2: {  	s7 =	rddreg [dreg:$0x1]  }
0x3: {  	s8 =	rddreg [dreg:$0x2]  }
0x4: {  	s1 =	rddreg [dreg:$0x3]  }
0x5: {  	s9 =	rddreg [dreg:$0x4]  }
0x6: {  	s2 =	rddreg [dreg:$0x5]  }
0x7: {  	s0 =	rddreg [dreg:$0x6];
	s3 =	simm.s32 $0x0;
	s5 =	srdreg.scid  }
0x8: {  	s17 =	simm.s32 $0x6780;
	s18 =	simm.s32 $0x8F80;
	s19 =	simm.s32 $0x1  }
0x9: {  	s20 =	simm.s32 $0x2;
	s21 =	simm.s32 $0x6480;
	s22 =	simm.s32 $0x26C0  }
0xa: {  	s6 =	sand.u32 $0x1, s5;
	s5 =	sadd.s32 $0x5800, s4;
	s4 =	stileid.u32  }
0xb: {  	s23 =	simm.s32 $0x6500;
	[smem:$0x7FF] =	sst s3;
	s12 =	smul.u32 $0x50000, s4  }
0xc: {  	_ =	strace $0x8000004A;
	s10 =	ssub.s32 $0x2, s6;
	s15 =	smul.u32 $0x140000, s6  }
0xd: {  	s11 =	sshll.u32 s4, $0x1;
	s13 =	sshrl.u32 s4, $0x2;
	s28 =	smul.u32 $0x14000, s4  }
0xe: {  	s29 =	sshll.u32 s4, $0x6;
	s14 =	sshrl.u32 s10, $0x1;
	s11 =	sor.u32 s6, s11  }
0xf: {  	s13 =	smul.u32 $0x13C00, s13;
	s6 =	sor.u32 $0x1C03, s29;
	s10 =	ssub.s32 s10, s14  }
0x10: {  	s24 =	sshll.u32 s11, $0x7;
	s25 =	sshrl.u32 s12, $0x2;
	s30 =	sadd.s32 s28, s15  }
0x11: {  	s11 =	sshll.u32 s11, $0xB;
	s14 =	simm.s32 $0x400;
	s15 =	simm.s32 $0x2780  }
0x12: {  	s26 =	sand.u32 $0x380, s24;
	s16 =	sadd.s32 s25, s2;
	s31 =	sshrl.u32 s30, $0x3  }
0x13: {  	s8 =	sadd.s32 s8, s11;
	s10 =	smax.u32 s10, $0x1;
	s24 =	simm.s32 $0x6580  }
0x14: {  	s25 =	simm.s32 $0x0;
	s12 =	sor.u32 s13, s26;
	s9 =	sadd.s32 s9, s31  }
0x15: {  	s11 =	sshrl.u32 s16, $0x3;
	s13 =	simm.s32 $0x80;
	s12 =	sshrl.u32 s12, $0x3  }
0x16: {  	s16 =	simm.s32 $0x50;
	s7 =	sadd.s32 s7, s12;
	s12 =	simm.s32 $0x3  }
.LBB2_1:
0x17: {  	[spmem:s11], [sflag:s6] =	dma.local [hbm:s1], $0x2800  }
0x18: {  	_ =	swait.ge [sflag:s12], $0x2800  }
0x19: {  	[sflag:s12] =	ssyncset.done $0x0  }
0x1a: {  	[sflag:s12] =	ssyncadd.s32 $0xFFFFD800  }
0x1b: {  	[tilespmem:s3], [sflag:$0x3] =	stream.strided.gather [hbm4b:s7+s13], $0x2780, s14, s13, $0x38;
	[tilespmem:$0x1F780] =	vst v63  }
0x1c: {  	_ =	swait.ge [sflag:s12], $0x2780  }
0x1d: {  	[sflag:s12] =	ssyncset.done $0x0  }
0x1e: {  	[sflag:s12] =	ssyncadd.s32 $0xFFFFD880  }
0x1f: {  	[tilespmem:s15], [sflag:$0x3] =	stream.linear.gather [hbm4b:s8+s3], $0x3E80, $0x38;
	[tilespmem:$0x1F780] =	vst v63  }
0x20: {  	_ =	swait.ge [sflag:s12], $0x3E80  }
0x21: {  	[sflag:s12] =	ssyncset.done $0x0  }
0x22: {  	[sflag:s12] =	ssyncadd.s32 $0xFFFFC180  }
0x23: {  	[bflag:$0x0] =	sbarrier.arrive $0xFFFF  }
0x24: {  	[tilespmem:s17], [sflag:$0x1] =	stream.indirect.gather [hbm4b:s5+s16], $0x80, s3, s16, $0xb8;
	[tilespmem:$0x1F780] =	vst v63  }
0x25: {  	_ = 	snop  }
0x26: {  	[tilespmem:s18], [sflag:$0x2] =	stream.indirect.gather [hbm4b:s5+s16], $0x80, s16, s16, $0xb8;
	[tilespmem:$0x1F780] =	vst v63  }
0x27: {  	_ =	swait.ge [sflag:s19], $0x2800  }
0x28: {  	[sflag:s19] =	ssyncset.done $0x0  }
0x29: {  	s26 =	simm.s32 $0x2780;
	[sflag:s19] =	ssyncadd.s32 $0xFFFFD800  }
0x2a: {  	[spmem:s2] =	stream.indirect.scatter.add.f32 [tilespmem:s17], [sflag:$0x3], $0x80, s26, s16, $0xb8;
	[tilespmem:$0x1F780] =	vst v63  }
0x2b: {  	_ =	swait.ge [sflag:s12], $0x2800  }
0x2c: {  	[sflag:s12] =	ssyncset.done $0x0  }
0x2d: {  	s30 =	simm.s32 $0xA0;
	[sflag:s12] =	ssyncadd.s32 $0xFFFFD800  }
0x2e: {  	[tilespmem:s17], [sflag:$0x1] =	stream.indirect.gather [hbm4b:s5+s16], $0x80, s30, s16, $0xb8;
	[tilespmem:$0x1F780] =	vst v63  }
0x2f: {  	_ =	swait.ge [sflag:s20], $0x2800  }
0x30: {  	[sflag:s20] =	ssyncset.done $0x0  }
0x31: {  	s31 =	simm.s32 $0x2800;
	[sflag:s20] =	ssyncadd.s32 $0xFFFFD800  }
0x32: {  	[spmem:s2] =	stream.indirect.scatter.add.f32 [tilespmem:s18], [sflag:$0x3], $0x80, s31, s16, $0xb8;
	[tilespmem:$0x1F780] =	vst v63  }
0x33: {  	_ =	swait.ge [sflag:s12], $0x2800  }
0x34: {  	s29 =	simm.s32 $0xF0;
	[sflag:s12] =	ssyncset.done $0x0  }
0x35: {  	s28 =	simm.s32 $0x140;
	s26 =	simm.s32 $0x400;
	[sflag:s12] =	ssyncadd.s32 $0xFFFFD800  }
.LBB2_2:
0x36: {  	[tilespmem:s18], [sflag:$0x2] =	stream.indirect.gather [hbm4b:s5+s16], $0x80, s29, s16, $0xb8;
	[tilespmem:$0x1F780] =	vst v63  }
0x37: {  	s29 =	smov.u32 s26  }
0x38: {  	p0 =	sne.s32 s26, $0xF000;
	s26 =	sadd.s32 $0x400, s26;
	_ =	swait.ge [sflag:s19], $0x2800  }
0x39: {  	s29 =	sshra.s32 s29, $0x2;
	[sflag:s19] =	ssyncset.done $0x0  }
0x3a: {  	s30 =	sadd.s32 $0x2780, s29;
	[sflag:s19] =	ssyncadd.s32 $0xFFFFD800  }
0x3b: {  	[spmem:s2] =	stream.indirect.scatter.add.f32 [tilespmem:s17], [sflag:$0x3], $0x80, s30, s16, $0xb8;
	[tilespmem:$0x1F780] =	vst v63  }
0x3c: {  	_ =	swait.ge [sflag:s12], $0x2800  }
0x3d: {  	[sflag:s12] =	ssyncset.done $0x0  }
0x3e: {  	[sflag:s12] =	ssyncadd.s32 $0xFFFFD800  }
0x3f: {  	[tilespmem:s17], [sflag:$0x1] =	stream.indirect.gather [hbm4b:s5+s16], $0x80, s28, s16, $0xb8;
	[tilespmem:$0x1F780] =	vst v63  }
0x40: {  	_ =	swait.ge [sflag:s20], $0x2800  }
0x41: {  	[sflag:s20] =	ssyncset.done $0x0  }
.Ltmp0:
0x42: {  	s29 =	sadd.s32 $0x2800, s29;
	[sflag:s20] =	ssyncadd.s32 $0xFFFFD800;
	(pc) =	sbr.rel @p0 .LBB2_2-.Ltmp0, $4  }
0x43: {  	[spmem:s2] =	stream.indirect.scatter.add.f32 [tilespmem:s18], [sflag:$0x3], $0x80, s29, s16, $0xb8;
	[tilespmem:$0x1F780] =	vst v63  }
0x44: {  	_ =	swait.ge [sflag:s12], $0x2800  }
0x45: {  	[sflag:s12] =	ssyncset.done $0x0  }
0x46: {  	s29 =	sadd.s32 $0x50, s28;
	s28 =	sadd.s32 $0xA0, s28;
	[sflag:s12] =	ssyncadd.s32 $0xFFFFD800  }
0x47: {  	[tilespmem:s18], [sflag:$0x2] =	stream.indirect.gather [hbm4b:s5+s16], $0x80, s29, s16, $0xb8;
	[tilespmem:$0x1F780] =	vst v63  }
0x48: {  	_ =	swait.ge [sflag:s19], $0x2800  }
0x49: {  	[sflag:s19] =	ssyncset.done $0x0  }
0x4a: {  	[sflag:s19] =	ssyncadd.s32 $0xFFFFD800  }
0x4b: {  	[spmem:s2] =	stream.indirect.scatter.add.f32 [tilespmem:s17], [sflag:$0x3], $0x80, s21, s16, $0xb8;
	[tilespmem:$0x1F780] =	vst v63  }
0x4c: {  	_ =	swait.ge [sflag:s12], $0x2800  }
0x4d: {  	[sflag:s12] =	ssyncset.done $0x0  }
0x4e: {  	[sflag:s12] =	ssyncadd.s32 $0xFFFFD800  }
0x4f: {  	[tilespmem:s17], [sflag:$0x1] =	stream.indirect.gather [hbm4b:s5+s16], $0x80, s22, s16, $0xb8;
	[tilespmem:$0x1F780] =	vst v63  }
0x50: {  	_ =	swait.ge [sflag:s20], $0x2800  }
0x51: {  	[sflag:s20] =	ssyncset.done $0x0  }
0x52: {  	[sflag:s20] =	ssyncadd.s32 $0xFFFFD800  }
0x53: {  	[spmem:s2] =	stream.indirect.scatter.add.f32 [tilespmem:s18], [sflag:$0x3], $0x80, s23, s16, $0xb8;
	[tilespmem:$0x1F780] =	vst v63  }
0x54: {  	_ =	swait.ge [sflag:s12], $0x2800  }
0x55: {  	[sflag:s12] =	ssyncset.done $0x0  }
0x56: {  	[sflag:s12] =	ssyncadd.s32 $0xFFFFD800  }
0x57: {  	_ =	swait.ge [sflag:s19], $0x2800  }
0x58: {  	[sflag:s19] =	ssyncset.done $0x0  }
0x59: {  	[sflag:s19] =	ssyncadd.s32 $0xFFFFD800  }
0x5a: {  	[spmem:s2] =	stream.indirect.scatter.add.f32 [tilespmem:s17], [sflag:$0x3], $0x80, s24, s16, $0xb8;
	[tilespmem:$0x1F780] =	vst v63  }
0x5b: {  	_ =	swait.ge [sflag:s12], $0x2800  }
0x5c: {  	s25 =	sadd.s32 $0x1, s25;
	[sflag:s12] =	ssyncset.done $0x0  }
0x5d: {  	p0 =	sne.s32 s25, s10;
	[sflag:s12] =	ssyncadd.s32 $0xFFFFD800  }
.Ltmp1:
0x5e: {  	[bflag:$0x0] =	sbarrier.arrive $0xFFFF;
	(pc) =	sbr.rel @p0 .LBB2_1-.Ltmp1, $4  }
0x5f: {  	[hbm:s9], [sflag:s6] =	dma.local [spmem:s11], $0x2800  }
0x60: {  	_ =	swait.ge [sflag:s12], $0x2800  }
0x61: {  	[sflag:s12] =	ssyncset.done $0x0  }
0x62: {  	[sflag:s12] =	ssyncadd.s32 $0xFFFFD800  }
0x63: {  	_ =	sfence.sel $0x180000  }
0x64: {  	[bflag:$0x0] =	sbarrier.arrive $0xFFFF  }
0x65: {  	p0 =	sne.s32 s4, $0x0;
	_ =	strace $0x9000004A  }
0x66: {  	s0 =	sadd.s32 @!p0 $0x100000, s0;
	[bflag:$0x2] =	sbarrier.arrive $0xFFFF  }
0x67: {  	[sflag:s0] =	ssyncadd.tile.s32 @!p0 $0x1;
	_ =	shalt  }
.Lfunc_end2:
_tile_overlayer_lowered:
.L_overlay_start_2:
0x68: {  	(tag) =	ssettag $0x2  }
0x69: {  	s0 =	rddreg [dreg:$0x0];
	s2 =	stileid.u32  }
0x6a: {  	s1 =	rddreg [dreg:$0x1];
	p0 =	sne.s32 s2, $0x0  }
0x6b: {  	s3 =	rddreg [dreg:$0x2];
	[bflag:$0x3] =	sbarrier.arrive $0xFFFF;
	s2 =	simm.s32 @!p0 $0x1C03  }
0x6c: {  	[timem:s3], [sflag:s2] =	dma.local @!p0 [hbm:s0], s1  }
0x6d: {  	s0 =	simm.s32 @!p0 $0x3  }
0x6e: {  	_ =	swait.ge @!p0 [sflag:s0], s1  }
0x6f: {  	s1 =	ssub.s32 @!p0 $0x0, s1;
	[sflag:s0] =	ssyncset.done @!p0 $0x0  }
0x70: {  	[sflag:s0] =	ssyncadd.s32 @!p0 s1  }
0x71: {  	[bflag:$0x3] =	sbarrier.arrive $0xFFFF  }
0x72: {  	_ =	shalt  }

// kernel: kernel.20.cloned.1.call-start
scs
__scs_entry_jumppad:
0x0: {  	(pc) =	sbr.rel $0x88, $3  }
0x1: {  	(tag) =	ssettag $0x0;
	lr =	simm.s32 $0x1  }
0x2: {  	[smem:$0x3F91] =	sst lr;
	_ =	strace $0xD0000000  }
0x3: {  	_ = 	snop  }
0x4: {  	_ = 	snop  }
0x5: {  	_ = 	snop  }
0x6: {  	_ = 	snop  }
0x7: {  	_ = 	snop  }
__scs_overlays_trampoline_lowered:
0x8: {  	[smem:$0x3FA0] =	sst s0  }
0x9: {  	[smem:$0x3FA1] =	sst s1  }
0xa: {  	[smem:$0x3FA2] =	sst s2  }
0xb: {  	[smem:$0x3FA3] =	sst s3  }
0xc: {  	[smem:$0x3FA4] =	sst s4  }
0xd: {  	[smem:$0x3FA5] =	sst s5  }
0xe: {  	[smem:$0x3FA6] =	sst s6  }
0xf: {  	[smem:$0x3FA7] =	sst s7  }
0x10: {  	[smem:$0x3FA8] =	sst s8  }
0x11: {  	[smem:$0x3FA9] =	sst s9;
	s0 =	simm.s32 @!p0 $0x0  }
0x12: {  	s1 =	sld [smem:$0x3F8F];
	s0 =	simm.s32 @p0 $0x1  }
0x13: {  	[smem:$0x3FAA] =	sst s0;
	s0 =	simm.s32 @!p1 $0x0  }
0x14: {  	s2 =	sld [smem:$0x3F8E];
	s0 =	simm.s32 @p1 $0x1  }
0x15: {  	[smem:$0x3FAB] =	sst s0;
	s0 =	simm.s32 @!p2 $0x0  }
0x16: {  	s3 =	sld [smem:$0x3FDB];
	s0 =	simm.s32 @p2 $0x1  }
0x17: {  	s4 =	simm.s32 $0x1BF5;
	[smem:$0x3FAD] =	sst s0  }
0x18: {  	s0 =	sld [smem:$0x3F90];
	_ =	swait.ge [sflag:s4], $0x0  }
0x19: {  	s7 =	sld [smem:$0x3F91]  }
0x1a: {  	s8 =	sadd.s32 $0xFFFFE003, lr  }
0x1b: {  	s9 =	sadd.s32 $0xFFFFFEF7, lr;
	s5 =	simm.s32 $0xFFFFFFFF;
	p2 =	slt.u32 s8, $0xFFFFF086  }
0x1c: {  	p1 =	slt.u32 s9, $0xF7A;
	s5 =	simm.s32 @!p2 $0x0  }
0x1d: {  	s5 =	simm.s32 @p1 $0x1;
	p0 =	seq.s32 s7, s2  }
0x1e: {  	s7 =	smul.u32 @!p0 $0xF7A, s2;
	p2 =	seq.s32 @!p0 s5, $0x0  }
0x1f: {  	s9 =	smul.u32 $0xF7A, s1;
	s8 =	simm.s32 @!p0 $0x1BF5;
	p2 =	por !p2, p0  }
0x20: {  	[sflag:s8] =	ssyncset.s32 @!p0 $0xFFFFF086;
	s6 =	sadd.s32 @!p0 s3, s7;
	s7 =	simm.s32 @!p0 $0x108  }
0x21: {  	s3 =	sadd.s32 s3, s9;
	s6 =	sadd.s32 @!p0 $0x88, s6;
	s7 =	simm.s32 @p2 $0x1082  }
0x22: {  	[simem:s7], [sflag:s8] =	dma.local @!p0 [hbm:s6], $0xF7A  }
0x23: {  	s9 =	sor.u32 $0xD0000000, s2;
	s6 =	simm.s32 $0x108;
	_ =	swait.ge @!p0 [sflag:s8], $0x0  }
0x24: {  	s3 =	sadd.s32 $0x88, s3;
	s6 =	simm.s32 @!p1 $0x1082;
	[sflag:s4] =	ssyncset.s32 $0xFFFFF086  }
0x25: {  	[simem:s6], [sflag:s4] =	dma.local [hbm:s3], $0xF7A  }
0x26: {  	[smem:$0x3F91] =	sst s1;
	(tag) =	ssettag s2;
	_ =	strace s9  }
0x27: {  	s1 =	sld [smem:$0x3FA1]  }
0x28: {  	s2 =	sld [smem:$0x3FA2]  }
0x29: {  	s4 =	sld [smem:$0x3FA4]  }
0x2a: {  	p0 =	seq.s32 s5, $0x0;
	s5 =	sld [smem:$0x3FA5]  }
0x2b: {  	s6 =	sld [smem:$0x3FA6]  }
0x2c: {  	s7 =	sld [smem:$0x3FA7]  }
0x2d: {  	s3 =	simm.s32 $0x108;
	s8 =	sld [smem:$0x3FA8]  }
0x2e: {  	s3 =	simm.s32 @!p0 $0x1082;
	s9 =	sld [smem:$0x3FA9]  }
0x2f: {  	lr =	sadd.s32 s0, s3;
	s0 =	sld [smem:$0x3FA0]  }
0x30: {  	s3 =	sld [smem:$0x3FA3]  }
0x31: {  	[smem:$0x3FAC] =	sst s10  }
0x32: {  	s10 =	sld [smem:$0x3FAA];
	_ =	sdelay $0x3  }
0x33: {  	p0 =	seq.s32 s10, $0x1;
	s10 =	sld [smem:$0x3FAC];
	_ =	sdelay $0x3  }
0x34: {  	[smem:$0x3FAC] =	sst s10  }
0x35: {  	s10 =	sld [smem:$0x3FAB];
	_ =	sdelay $0x3  }
0x36: {  	p1 =	seq.s32 s10, $0x1;
	s10 =	sld [smem:$0x3FAC];
	_ =	sdelay $0x3  }
0x37: {  	[smem:$0x3FAC] =	sst s10  }
0x38: {  	s10 =	sld [smem:$0x3FAD]  }
0x39: {  	_ = 	snop;
	(pc) =	sbr.ind lr, $3  }
0x3a: {  	_ = 	snop  }
0x3b: {  	_ = 	snop  }
0x3c: {  	p2 =	seq.s32 s10, $0x1;
	s10 =	sld [smem:$0x3FAC]  }
0x3d: {  	_ =	shalt  }
0x3e: {  	_ =	shalt  }
0x3f: {  	_ =	shalt  }
0x40: {  	_ =	shalt  }
0x41: {  	_ =	shalt  }
0x42: {  	_ =	shalt  }
0x43: {  	_ =	shalt  }
0x44: {  	_ =	shalt  }
0x45: {  	_ =	shalt  }
0x46: {  	_ =	shalt  }
0x47: {  	_ =	shalt  }
0x48: {  	_ =	shalt  }
0x49: {  	_ =	shalt  }
0x4a: {  	_ =	shalt  }
0x4b: {  	_ =	shalt  }
0x4c: {  	_ =	shalt  }
0x4d: {  	_ =	shalt  }
0x4e: {  	_ =	shalt  }
0x4f: {  	_ =	shalt  }
0x50: {  	_ =	shalt  }
0x51: {  	_ =	shalt  }
0x52: {  	_ =	shalt  }
0x53: {  	_ =	shalt  }
0x54: {  	_ =	shalt  }
0x55: {  	_ =	shalt  }
0x56: {  	_ =	shalt  }
0x57: {  	_ =	shalt  }
0x58: {  	_ =	shalt  }
0x59: {  	_ =	shalt  }
0x5a: {  	_ =	shalt  }
0x5b: {  	_ =	shalt  }
0x5c: {  	_ =	shalt  }
0x5d: {  	_ =	shalt  }
0x5e: {  	_ =	shalt  }
0x5f: {  	_ =	shalt  }
0x60: {  	_ =	shalt  }
0x61: {  	_ =	shalt  }
0x62: {  	_ =	shalt  }
0x63: {  	_ =	shalt  }
0x64: {  	_ =	shalt  }
0x65: {  	_ =	shalt  }
0x66: {  	_ =	shalt  }
0x67: {  	_ =	shalt  }
0x68: {  	_ =	shalt  }
0x69: {  	_ =	shalt  }
0x6a: {  	_ =	shalt  }
0x6b: {  	_ =	shalt  }
0x6c: {  	_ =	shalt  }
0x6d: {  	_ =	shalt  }
0x6e: {  	_ =	shalt  }
0x6f: {  	_ =	shalt  }
0x70: {  	_ =	shalt  }
0x71: {  	_ =	shalt  }
0x72: {  	_ =	shalt  }
0x73: {  	_ =	shalt  }
0x74: {  	_ =	shalt  }
0x75: {  	_ =	shalt  }
0x76: {  	_ =	shalt  }
0x77: {  	_ =	shalt  }
0x78: {  	_ =	shalt  }
0x79: {  	_ =	shalt  }
0x7a: {  	_ =	shalt  }
0x7b: {  	_ =	shalt  }
0x7c: {  	_ =	shalt  }
0x7d: {  	_ =	shalt  }
0x7e: {  	_ =	shalt  }
0x7f: {  	_ =	shalt  }
0x80: {  	_ =	shalt  }
0x81: {  	_ =	shalt  }
0x82: {  	_ =	shalt  }
0x83: {  	_ =	shalt  }
0x84: {  	_ =	shalt  }
0x85: {  	_ =	shalt  }
0x86: {  	_ =	shalt  }
0x87: {  	_ =	shalt  }
.Lfunc_end0:
.L_simem_size_0:
called_computation.2_lowered:
.L_overlay_start_0:
0x88: {  	s2 =	sld [smem:$0x3FD9]  }
0x89: {  	s3 =	sld [smem:$0x3FFE];
	_ =	sdelay $0x1  }
0x8a: {  	s1 =	srdreg.scid  }
0x8b: {  	s0 =	sand.u32 $0x1, s1  }
0x8c: {  	s14 =	sshll.u32 s0, $0xA;
	s2 =	sadd.s32 s3, s2  }
0x8d: {  	s2 =	sadd.s32 s2, s14  }
0x8e: {  	[smem:$0x3FB8] =	sst s2  }
0x8f: {  	_ = 	snop  }
0x90: {  	s2 =	sld [smem:$0x3FD0];
	_ =	sdelay $0x2  }
0x91: {  	s15 =	simm.s32 $0xB;
	s4 =	simm.s32 $0x10  }
0x92: {  	[smem:s4], [sflag:s15] =	dma.local [hbm:s2], $0x1  }
0x93: {  	_ =	swait.eq [sflag:s15], $0x1  }
0x94: {  	s16 =	sld [smem:$0x12]  }
0x95: {  	s17 =	sld [smem:$0x13];
	[sflag:s15] =	ssyncset.done $0x0  }
0x96: {  	s5 =	sld [smem:$0x14];
	[sflag:s15] =	ssyncadd.s32 $0xFFFFFFFF  }
0x97: {  	s18 =	sld [smem:$0x15];
	(tm) =	ssettm $0x1  }
0x98: {  	s6 =	sld [smem:$0x3FFB];
	_ =	sdelay $0x3  }
0x99: {  	_ =	strace s6  }
0x9a: {  	s6 =	sld [smem:$0x3FFC];
	_ =	sdelay $0x3  }
0x9b: {  	_ =	strace s6  }
0x9c: {  	s6 =	sld [smem:$0x3FFD];
	_ =	sdelay $0x3  }
0x9d: {  	_ =	strace s6  }
0x9e: {  	_ =	strace $0x8FFFFFFF  }
0x9f: {  	s19 =	sld [smem:$0x3FDB];
	_ =	sdelay $0x1  }
0xa0: {  	s7 =	simm.s32 $_scs_section_size  }
0xa1: {  	s8 =	simm.s32 $_size__tile_overlayer_lowered;
	s9 =	simm.s32 $_tile_overlayer_lowered  }
0xa2: {  	s22 =	simm.s32 $0x1BFF;
	s21 =	sshll.u32 s9, $0x1;
	s6 =	sadd.s32 s7, s19  }
0xa3: {  	s10 =	simm.s32 $0x0;
	s20 =	sshll.u32 s8, $0x1;
	s8 =	sadd.s32 s21, s6  }
0xa4: {  	[timem:s10], [sflag:s22] =	dma.local [hbm:s8], s20  }
0xa5: {  	_ =	swait.ge [sflag:s22], s20  }
0xa6: {  	s7 =	ssub.s32 $0x0, s20;
	[sflag:s22] =	ssyncset.done $0x0  }
0xa7: {  	[sflag:s22] =	ssyncadd.s32 s7;
	_ =	sdelay $0x1  }
0xa8: {  	s23 =	simm.s32 $0x1B8B  }
0xa9: {  	_ =	swait.ge [sflag:s23], $0x1  }
0xaa: {  	[sflag:s23] =	ssyncset.done $0x0  }
0xab: {  	s25 =	simm.s32 $0x1B8E;
	s24 =	sld [smem:$0x3FFE];
	[sflag:s23] =	ssyncadd.s32 $0xFFFFFFFF  }
0xac: {  	s26 =	simm.s32 $execute0_lowered;
	[smem:$0x3FD2] =	sst s25  }
0xad: {  	s8 =	sshll.u32 s26, $0x1;
	_ =	strace $0x8000004C;
	[dreg:$0x1] =	wrdreg $0xFFFFFFFF  }
0xae: {  	s28 =	simm.s32 $_size_execute0_lowered;
	s6 =	sadd.s32 s6, s8;
	[dreg:$0x0] =	wrdreg $0x0  }
0xaf: {  	s8 =	sshll.u32 s28, $0x1;
	[dreg:$0x2] =	wrdreg s6  }
0xb0: {  	[dreg:$0x3] =	wrdreg s8  }
0xb1: {  	[dreg:$0x4] =	wrdreg $0xC0  }
0xb2: {  	_ =	task [dreg:s10], $0x5FFFF  }
0xb3: {  	[dreg:$0x1] =	wrdreg $0xFFFFFFFF  }
0xb4: {  	[dreg:$0x0] =	wrdreg $0x60  }
0xb5: {  	[dreg:$0x2] =	wrdreg s24  }
0xb6: {  	[dreg:$0x3] =	wrdreg s17  }
0xb7: {  	[dreg:$0x4] =	wrdreg s5  }
0xb8: {  	[dreg:$0x5] =	wrdreg s16  }
0xb9: {  	[dreg:$0x6] =	wrdreg s18  }
0xba: {  	[dreg:$0x7] =	wrdreg $0xB7800  }
0xbb: {  	[dreg:$0x8] =	wrdreg $0x9  }
0xbc: {  	_ =	task.clear_ibuf [dreg:s10], $0x9FFFF;
	_ =	strace $0x9000004C  }
0xbd: {  	s29 =	simm.s32 $0x9;
	_ =	strace $0x8000004E  }
0xbe: {  	_ =	swait.ge [sflag:s29], $0x1  }
0xbf: {  	[sflag:s29] =	ssyncadd.s32 $0xFFFFFFFF  }
0xc0: {  	_ =	strace $0x9000004E  }
0xc1: {  	_ =	sfence  }
0xc2: {  	s30 =	sld [smem:$0x0];
	_ =	sdelay $0x2  }
0xc3: {  	s31 =	sshll.u32 s1, $0xD;
	s1 =	sshrl.u32 s1, $0x2  }
0xc4: {  	s3 =	sand.u32 $0x4000, s31;
	s1 =	sadd.s32 s1, s30  }
0xc5: {  	s0 =	sor.u32 s3, s0;
	s1 =	sshll.u32 s1, $0x11  }
0xc6: {  	s0 =	sor.u32 s1, s0  }
0xc7: {  	s0 =	sadd.s32 $0x8F2B, s0  }
0xc8: {  	[sflag:s0] =	ssyncadd.remote.s32 $0x1  }
0xc9: {  	_ =	sfence.sel $0xFFFF  }
0xca: {  	[dreg:$0x0] =	wrdreg $0xFFFFFFFF;
	(pc) =	sbr.abs _section_cstart, $3  }
0xcb: {  	[dreg:$0x1] =	wrdreg $0xFFFFFFFF  }
0xcc: {  	_ =	task.clear_ibuf [dreg:s10], $0x2FFFF;
	_ =	strace $0x9FFFFFFF  }
0xcd: {  	(tm) =	ssettm $0x7FFFFFFF  }
tec
execute0_lowered:
.L_overlay_start_1:
0x0: {  	(tag) =	ssettag $0x1  }
0x1: {  	s4 =	rddreg [dreg:$0x0]  }
0x2: {  	s7 =	rddreg [dreg:$0x1]  }
0x3: {  	s8 =	rddreg [dreg:$0x2]  }
0x4: {  	s1 =	rddreg [dreg:$0x3]  }
0x5: {  	s9 =	rddreg [dreg:$0x4]  }
0x6: {  	s2 =	rddreg [dreg:$0x5]  }
0x7: {  	s0 =	rddreg [dreg:$0x6];
	s3 =	simm.s32 $0x0;
	s5 =	srdreg.scid  }
0x8: {  	s17 =	simm.s32 $0x6780;
	s18 =	simm.s32 $0x8F80;
	s19 =	simm.s32 $0x1  }
0x9: {  	s20 =	simm.s32 $0x2;
	s21 =	simm.s32 $0x6480;
	s22 =	simm.s32 $0x26C0  }
0xa: {  	s6 =	sand.u32 $0x1, s5;
	s5 =	sadd.s32 $0x2D800, s4;
	s4 =	stileid.u32  }
0xb: {  	s23 =	simm.s32 $0x6500;
	[smem:$0x7FF] =	sst s3;
	s12 =	smul.u32 $0x50000, s4  }
0xc: {  	_ =	strace $0x8000004D;
	s10 =	ssub.s32 $0x2, s6;
	s15 =	smul.u32 $0x140000, s6  }
0xd: {  	s11 =	sshll.u32 s4, $0x1;
	s13 =	sshrl.u32 s4, $0x2;
	s28 =	smul.u32 $0x14000, s4  }
0xe: {  	s29 =	sshll.u32 s4, $0x6;
	s14 =	sshrl.u32 s10, $0x1;
	s11 =	sor.u32 s6, s11  }
0xf: {  	s13 =	smul.u32 $0x13C00, s13;
	s6 =	sor.u32 $0x1C03, s29;
	s10 =	ssub.s32 s10, s14  }
0x10: {  	s24 =	sshll.u32 s11, $0x7;
	s25 =	sshrl.u32 s12, $0x2;
	s30 =	sadd.s32 s28, s15  }
0x11: {  	s11 =	sshll.u32 s11, $0xB;
	s14 =	simm.s32 $0x400;
	s15 =	simm.s32 $0x2780  }
0x12: {  	s26 =	sand.u32 $0x380, s24;
	s16 =	sadd.s32 s25, s2;
	s31 =	sshrl.u32 s30, $0x3  }
0x13: {  	s8 =	sadd.s32 s8, s11;
	s10 =	smax.u32 s10, $0x1;
	s24 =	simm.s32 $0x6580  }
0x14: {  	s25 =	simm.s32 $0x0;
	s12 =	sor.u32 s13, s26;
	s9 =	sadd.s32 s9, s31  }
0x15: {  	s11 =	sshrl.u32 s16, $0x3;
	s13 =	simm.s32 $0x80;
	s12 =	sshrl.u32 s12, $0x3  }
0x16: {  	s16 =	simm.s32 $0x50;
	s7 =	sadd.s32 s7, s12;
	s12 =	simm.s32 $0x3  }
.LBB2_1:
0x17: {  	[spmem:s11], [sflag:s6] =	dma.local [hbm:s1], $0x2800  }
0x18: {  	_ =	swait.ge [sflag:s12], $0x2800  }
0x19: {  	[sflag:s12] =	ssyncset.done $0x0  }
0x1a: {  	[sflag:s12] =	ssyncadd.s32 $0xFFFFD800  }
0x1b: {  	[tilespmem:s3], [sflag:$0x3] =	stream.strided.gather [hbm4b:s7+s13], $0x2780, s14, s13, $0x38;
	[tilespmem:$0x1F780] =	vst v63  }
0x1c: {  	_ =	swait.ge [sflag:s12], $0x2780  }
0x1d: {  	[sflag:s12] =	ssyncset.done $0x0  }
0x1e: {  	[sflag:s12] =	ssyncadd.s32 $0xFFFFD880  }
0x1f: {  	[tilespmem:s15], [sflag:$0x3] =	stream.linear.gather [hbm4b:s8+s3], $0x3E80, $0x38;
	[tilespmem:$0x1F780] =	vst v63  }
0x20: {  	_ =	swait.ge [sflag:s12], $0x3E80  }
0x21: {  	[sflag:s12] =	ssyncset.done $0x0  }
0x22: {  	[sflag:s12] =	ssyncadd.s32 $0xFFFFC180  }
0x23: {  	[bflag:$0x0] =	sbarrier.arrive $0xFFFF  }
0x24: {  	[tilespmem:s17], [sflag:$0x1] =	stream.indirect.gather [hbm4b:s5+s16], $0x80, s3, s16, $0xb8;
	[tilespmem:$0x1F780] =	vst v63  }
0x25: {  	_ = 	snop  }
0x26: {  	[tilespmem:s18], [sflag:$0x2] =	stream.indirect.gather [hbm4b:s5+s16], $0x80, s16, s16, $0xb8;
	[tilespmem:$0x1F780] =	vst v63  }
0x27: {  	_ =	swait.ge [sflag:s19], $0x2800  }
0x28: {  	[sflag:s19] =	ssyncset.done $0x0  }
0x29: {  	s26 =	simm.s32 $0x2780;
	[sflag:s19] =	ssyncadd.s32 $0xFFFFD800  }
0x2a: {  	[spmem:s2] =	stream.indirect.scatter.add.f32 [tilespmem:s17], [sflag:$0x3], $0x80, s26, s16, $0xb8;
	[tilespmem:$0x1F780] =	vst v63  }
0x2b: {  	_ =	swait.ge [sflag:s12], $0x2800  }
0x2c: {  	[sflag:s12] =	ssyncset.done $0x0  }
0x2d: {  	s30 =	simm.s32 $0xA0;
	[sflag:s12] =	ssyncadd.s32 $0xFFFFD800  }
0x2e: {  	[tilespmem:s17], [sflag:$0x1] =	stream.indirect.gather [hbm4b:s5+s16], $0x80, s30, s16, $0xb8;
	[tilespmem:$0x1F780] =	vst v63  }
0x2f: {  	_ =	swait.ge [sflag:s20], $0x2800  }
0x30: {  	[sflag:s20] =	ssyncset.done $0x0  }
0x31: {  	s31 =	simm.s32 $0x2800;
	[sflag:s20] =	ssyncadd.s32 $0xFFFFD800  }
0x32: {  	[spmem:s2] =	stream.indirect.scatter.add.f32 [tilespmem:s18], [sflag:$0x3], $0x80, s31, s16, $0xb8;
	[tilespmem:$0x1F780] =	vst v63  }
0x33: {  	_ =	swait.ge [sflag:s12], $0x2800  }
0x34: {  	s29 =	simm.s32 $0xF0;
	[sflag:s12] =	ssyncset.done $0x0  }
0x35: {  	s28 =	simm.s32 $0x140;
	s26 =	simm.s32 $0x400;
	[sflag:s12] =	ssyncadd.s32 $0xFFFFD800  }
.LBB2_2:
0x36: {  	[tilespmem:s18], [sflag:$0x2] =	stream.indirect.gather [hbm4b:s5+s16], $0x80, s29, s16, $0xb8;
	[tilespmem:$0x1F780] =	vst v63  }
0x37: {  	s29 =	smov.u32 s26  }
0x38: {  	p0 =	sne.s32 s26, $0xF000;
	s26 =	sadd.s32 $0x400, s26;
	_ =	swait.ge [sflag:s19], $0x2800  }
0x39: {  	s29 =	sshra.s32 s29, $0x2;
	[sflag:s19] =	ssyncset.done $0x0  }
0x3a: {  	s30 =	sadd.s32 $0x2780, s29;
	[sflag:s19] =	ssyncadd.s32 $0xFFFFD800  }
0x3b: {  	[spmem:s2] =	stream.indirect.scatter.add.f32 [tilespmem:s17], [sflag:$0x3], $0x80, s30, s16, $0xb8;
	[tilespmem:$0x1F780] =	vst v63  }
0x3c: {  	_ =	swait.ge [sflag:s12], $0x2800  }
0x3d: {  	[sflag:s12] =	ssyncset.done $0x0  }
0x3e: {  	[sflag:s12] =	ssyncadd.s32 $0xFFFFD800  }
0x3f: {  	[tilespmem:s17], [sflag:$0x1] =	stream.indirect.gather [hbm4b:s5+s16], $0x80, s28, s16, $0xb8;
	[tilespmem:$0x1F780] =	vst v63  }
0x40: {  	_ =	swait.ge [sflag:s20], $0x2800  }
0x41: {  	[sflag:s20] =	ssyncset.done $0x0  }
.Ltmp0:
0x42: {  	s29 =	sadd.s32 $0x2800, s29;
	[sflag:s20] =	ssyncadd.s32 $0xFFFFD800;
	(pc) =	sbr.rel @p0 .LBB2_2-.Ltmp0, $4  }
0x43: {  	[spmem:s2] =	stream.indirect.scatter.add.f32 [tilespmem:s18], [sflag:$0x3], $0x80, s29, s16, $0xb8;
	[tilespmem:$0x1F780] =	vst v63  }
0x44: {  	_ =	swait.ge [sflag:s12], $0x2800  }
0x45: {  	[sflag:s12] =	ssyncset.done $0x0  }
0x46: {  	s29 =	sadd.s32 $0x50, s28;
	s28 =	sadd.s32 $0xA0, s28;
	[sflag:s12] =	ssyncadd.s32 $0xFFFFD800  }
0x47: {  	[tilespmem:s18], [sflag:$0x2] =	stream.indirect.gather [hbm4b:s5+s16], $0x80, s29, s16, $0xb8;
	[tilespmem:$0x1F780] =	vst v63  }
0x48: {  	_ =	swait.ge [sflag:s19], $0x2800  }
0x49: {  	[sflag:s19] =	ssyncset.done $0x0  }
0x4a: {  	[sflag:s19] =	ssyncadd.s32 $0xFFFFD800  }
0x4b: {  	[spmem:s2] =	stream.indirect.scatter.add.f32 [tilespmem:s17], [sflag:$0x3], $0x80, s21, s16, $0xb8;
	[tilespmem:$0x1F780] =	vst v63  }
0x4c: {  	_ =	swait.ge [sflag:s12], $0x2800  }
0x4d: {  	[sflag:s12] =	ssyncset.done $0x0  }
0x4e: {  	[sflag:s12] =	ssyncadd.s32 $0xFFFFD800  }
0x4f: {  	[tilespmem:s17], [sflag:$0x1] =	stream.indirect.gather [hbm4b:s5+s16], $0x80, s22, s16, $0xb8;
	[tilespmem:$0x1F780] =	vst v63  }
0x50: {  	_ =	swait.ge [sflag:s20], $0x2800  }
0x51: {  	[sflag:s20] =	ssyncset.done $0x0  }
0x52: {  	[sflag:s20] =	ssyncadd.s32 $0xFFFFD800  }
0x53: {  	[spmem:s2] =	stream.indirect.scatter.add.f32 [tilespmem:s18], [sflag:$0x3], $0x80, s23, s16, $0xb8;
	[tilespmem:$0x1F780] =	vst v63  }
0x54: {  	_ =	swait.ge [sflag:s12], $0x2800  }
0x55: {  	[sflag:s12] =	ssyncset.done $0x0  }
0x56: {  	[sflag:s12] =	ssyncadd.s32 $0xFFFFD800  }
0x57: {  	_ =	swait.ge [sflag:s19], $0x2800  }
0x58: {  	[sflag:s19] =	ssyncset.done $0x0  }
0x59: {  	[sflag:s19] =	ssyncadd.s32 $0xFFFFD800  }
0x5a: {  	[spmem:s2] =	stream.indirect.scatter.add.f32 [tilespmem:s17], [sflag:$0x3], $0x80, s24, s16, $0xb8;
	[tilespmem:$0x1F780] =	vst v63  }
0x5b: {  	_ =	swait.ge [sflag:s12], $0x2800  }
0x5c: {  	s25 =	sadd.s32 $0x1, s25;
	[sflag:s12] =	ssyncset.done $0x0  }
0x5d: {  	p0 =	sne.s32 s25, s10;
	[sflag:s12] =	ssyncadd.s32 $0xFFFFD800  }
.Ltmp1:
0x5e: {  	[bflag:$0x0] =	sbarrier.arrive $0xFFFF;
	(pc) =	sbr.rel @p0 .LBB2_1-.Ltmp1, $4  }
0x5f: {  	[hbm:s9], [sflag:s6] =	dma.local [spmem:s11], $0x2800  }
0x60: {  	_ =	swait.ge [sflag:s12], $0x2800  }
0x61: {  	[sflag:s12] =	ssyncset.done $0x0  }
0x62: {  	[sflag:s12] =	ssyncadd.s32 $0xFFFFD800  }
0x63: {  	_ =	sfence.sel $0x180000  }
0x64: {  	[bflag:$0x0] =	sbarrier.arrive $0xFFFF  }
0x65: {  	p0 =	sne.s32 s4, $0x0;
	_ =	strace $0x9000004D  }
0x66: {  	s0 =	sadd.s32 @!p0 $0x100000, s0;
	[bflag:$0x2] =	sbarrier.arrive $0xFFFF  }
0x67: {  	[sflag:s0] =	ssyncadd.tile.s32 @!p0 $0x1;
	_ =	shalt  }
.Lfunc_end2:
_tile_overlayer_lowered:
.L_overlay_start_2:
0x68: {  	(tag) =	ssettag $0x2  }
0x69: {  	s0 =	rddreg [dreg:$0x0];
	s2 =	stileid.u32  }
0x6a: {  	s1 =	rddreg [dreg:$0x1];
	p0 =	sne.s32 s2, $0x0  }
0x6b: {  	s3 =	rddreg [dreg:$0x2];
	[bflag:$0x3] =	sbarrier.arrive $0xFFFF;
	s2 =	simm.s32 @!p0 $0x1C03  }
0x6c: {  	[timem:s3], [sflag:s2] =	dma.local @!p0 [hbm:s0], s1  }
0x6d: {  	s0 =	simm.s32 @!p0 $0x3  }
0x6e: {  	_ =	swait.ge @!p0 [sflag:s0], s1  }
0x6f: {  	s1 =	ssub.s32 @!p0 $0x0, s1;
	[sflag:s0] =	ssyncset.done @!p0 $0x0  }
0x70: {  	[sflag:s0] =	ssyncadd.s32 @!p0 s1  }
0x71: {  	[bflag:$0x3] =	sbarrier.arrive $0xFFFF  }
0x72: {  	_ =	shalt  }

// kernel: kernel.23.cloned.1.call-start
scs
__scs_entry_jumppad:
0x0: {  	(pc) =	sbr.rel $0x88, $3  }
0x1: {  	(tag) =	ssettag $0x0;
	lr =	simm.s32 $0x1  }
0x2: {  	[smem:$0x3F91] =	sst lr;
	_ =	strace $0xD0000000  }
0x3: {  	_ = 	snop  }
0x4: {  	_ = 	snop  }
0x5: {  	_ = 	snop  }
0x6: {  	_ = 	snop  }
0x7: {  	_ = 	snop  }
__scs_overlays_trampoline_lowered:
0x8: {  	[smem:$0x3FA0] =	sst s0  }
0x9: {  	[smem:$0x3FA1] =	sst s1  }
0xa: {  	[smem:$0x3FA2] =	sst s2  }
0xb: {  	[smem:$0x3FA3] =	sst s3  }
0xc: {  	[smem:$0x3FA4] =	sst s4  }
0xd: {  	[smem:$0x3FA5] =	sst s5  }
0xe: {  	[smem:$0x3FA6] =	sst s6  }
0xf: {  	[smem:$0x3FA7] =	sst s7  }
0x10: {  	[smem:$0x3FA8] =	sst s8  }
0x11: {  	[smem:$0x3FA9] =	sst s9;
	s0 =	simm.s32 @!p0 $0x0  }
0x12: {  	s1 =	sld [smem:$0x3F8F];
	s0 =	simm.s32 @p0 $0x1  }
0x13: {  	[smem:$0x3FAA] =	sst s0;
	s0 =	simm.s32 @!p1 $0x0  }
0x14: {  	s2 =	sld [smem:$0x3F8E];
	s0 =	simm.s32 @p1 $0x1  }
0x15: {  	[smem:$0x3FAB] =	sst s0;
	s0 =	simm.s32 @!p2 $0x0  }
0x16: {  	s3 =	sld [smem:$0x3FDB];
	s0 =	simm.s32 @p2 $0x1  }
0x17: {  	s4 =	simm.s32 $0x1BF5;
	[smem:$0x3FAD] =	sst s0  }
0x18: {  	s0 =	sld [smem:$0x3F90];
	_ =	swait.ge [sflag:s4], $0x0  }
0x19: {  	s7 =	sld [smem:$0x3F91]  }
0x1a: {  	s8 =	sadd.s32 $0xFFFFE003, lr  }
0x1b: {  	s9 =	sadd.s32 $0xFFFFFEF7, lr;
	s5 =	simm.s32 $0xFFFFFFFF;
	p2 =	slt.u32 s8, $0xFFFFF086  }
0x1c: {  	p1 =	slt.u32 s9, $0xF7A;
	s5 =	simm.s32 @!p2 $0x0  }
0x1d: {  	s5 =	simm.s32 @p1 $0x1;
	p0 =	seq.s32 s7, s2  }
0x1e: {  	s7 =	smul.u32 @!p0 $0xF7A, s2;
	p2 =	seq.s32 @!p0 s5, $0x0  }
0x1f: {  	s9 =	smul.u32 $0xF7A, s1;
	s8 =	simm.s32 @!p0 $0x1BF5;
	p2 =	por !p2, p0  }
0x20: {  	[sflag:s8] =	ssyncset.s32 @!p0 $0xFFFFF086;
	s6 =	sadd.s32 @!p0 s3, s7;
	s7 =	simm.s32 @!p0 $0x108  }
0x21: {  	s3 =	sadd.s32 s3, s9;
	s6 =	sadd.s32 @!p0 $0x88, s6;
	s7 =	simm.s32 @p2 $0x1082  }
0x22: {  	[simem:s7], [sflag:s8] =	dma.local @!p0 [hbm:s6], $0xF7A  }
0x23: {  	s9 =	sor.u32 $0xD0000000, s2;
	s6 =	simm.s32 $0x108;
	_ =	swait.ge @!p0 [sflag:s8], $0x0  }
0x24: {  	s3 =	sadd.s32 $0x88, s3;
	s6 =	simm.s32 @!p1 $0x1082;
	[sflag:s4] =	ssyncset.s32 $0xFFFFF086  }
0x25: {  	[simem:s6], [sflag:s4] =	dma.local [hbm:s3], $0xF7A  }
0x26: {  	[smem:$0x3F91] =	sst s1;
	(tag) =	ssettag s2;
	_ =	strace s9  }
0x27: {  	s1 =	sld [smem:$0x3FA1]  }
0x28: {  	s2 =	sld [smem:$0x3FA2]  }
0x29: {  	s4 =	sld [smem:$0x3FA4]  }
0x2a: {  	p0 =	seq.s32 s5, $0x0;
	s5 =	sld [smem:$0x3FA5]  }
0x2b: {  	s6 =	sld [smem:$0x3FA6]  }
0x2c: {  	s7 =	sld [smem:$0x3FA7]  }
0x2d: {  	s3 =	simm.s32 $0x108;
	s8 =	sld [smem:$0x3FA8]  }
0x2e: {  	s3 =	simm.s32 @!p0 $0x1082;
	s9 =	sld [smem:$0x3FA9]  }
0x2f: {  	lr =	sadd.s32 s0, s3;
	s0 =	sld [smem:$0x3FA0]  }
0x30: {  	s3 =	sld [smem:$0x3FA3]  }
0x31: {  	[smem:$0x3FAC] =	sst s10  }
0x32: {  	s10 =	sld [smem:$0x3FAA];
	_ =	sdelay $0x3  }
0x33: {  	p0 =	seq.s32 s10, $0x1;
	s10 =	sld [smem:$0x3FAC];
	_ =	sdelay $0x3  }
0x34: {  	[smem:$0x3FAC] =	sst s10  }
0x35: {  	s10 =	sld [smem:$0x3FAB];
	_ =	sdelay $0x3  }
0x36: {  	p1 =	seq.s32 s10, $0x1;
	s10 =	sld [smem:$0x3FAC];
	_ =	sdelay $0x3  }
0x37: {  	[smem:$0x3FAC] =	sst s10  }
0x38: {  	s10 =	sld [smem:$0x3FAD]  }
0x39: {  	_ = 	snop;
	(pc) =	sbr.ind lr, $3  }
0x3a: {  	_ = 	snop  }
0x3b: {  	_ = 	snop  }
0x3c: {  	p2 =	seq.s32 s10, $0x1;
	s10 =	sld [smem:$0x3FAC]  }
0x3d: {  	_ =	shalt  }
0x3e: {  	_ =	shalt  }
0x3f: {  	_ =	shalt  }
0x40: {  	_ =	shalt  }
0x41: {  	_ =	shalt  }
0x42: {  	_ =	shalt  }
0x43: {  	_ =	shalt  }
0x44: {  	_ =	shalt  }
0x45: {  	_ =	shalt  }
0x46: {  	_ =	shalt  }
0x47: {  	_ =	shalt  }
0x48: {  	_ =	shalt  }
0x49: {  	_ =	shalt  }
0x4a: {  	_ =	shalt  }
0x4b: {  	_ =	shalt  }
0x4c: {  	_ =	shalt  }
0x4d: {  	_ =	shalt  }
0x4e: {  	_ =	shalt  }
0x4f: {  	_ =	shalt  }
0x50: {  	_ =	shalt  }
0x51: {  	_ =	shalt  }
0x52: {  	_ =	shalt  }
0x53: {  	_ =	shalt  }
0x54: {  	_ =	shalt  }
0x55: {  	_ =	shalt  }
0x56: {  	_ =	shalt  }
0x57: {  	_ =	shalt  }
0x58: {  	_ =	shalt  }
0x59: {  	_ =	shalt  }
0x5a: {  	_ =	shalt  }
0x5b: {  	_ =	shalt  }
0x5c: {  	_ =	shalt  }
0x5d: {  	_ =	shalt  }
0x5e: {  	_ =	shalt  }
0x5f: {  	_ =	shalt  }
0x60: {  	_ =	shalt  }
0x61: {  	_ =	shalt  }
0x62: {  	_ =	shalt  }
0x63: {  	_ =	shalt  }
0x64: {  	_ =	shalt  }
0x65: {  	_ =	shalt  }
0x66: {  	_ =	shalt  }
0x67: {  	_ =	shalt  }
0x68: {  	_ =	shalt  }
0x69: {  	_ =	shalt  }
0x6a: {  	_ =	shalt  }
0x6b: {  	_ =	shalt  }
0x6c: {  	_ =	shalt  }
0x6d: {  	_ =	shalt  }
0x6e: {  	_ =	shalt  }
0x6f: {  	_ =	shalt  }
0x70: {  	_ =	shalt  }
0x71: {  	_ =	shalt  }
0x72: {  	_ =	shalt  }
0x73: {  	_ =	shalt  }
0x74: {  	_ =	shalt  }
0x75: {  	_ =	shalt  }
0x76: {  	_ =	shalt  }
0x77: {  	_ =	shalt  }
0x78: {  	_ =	shalt  }
0x79: {  	_ =	shalt  }
0x7a: {  	_ =	shalt  }
0x7b: {  	_ =	shalt  }
0x7c: {  	_ =	shalt  }
0x7d: {  	_ =	shalt  }
0x7e: {  	_ =	shalt  }
0x7f: {  	_ =	shalt  }
0x80: {  	_ =	shalt  }
0x81: {  	_ =	shalt  }
0x82: {  	_ =	shalt  }
0x83: {  	_ =	shalt  }
0x84: {  	_ =	shalt  }
0x85: {  	_ =	shalt  }
0x86: {  	_ =	shalt  }
0x87: {  	_ =	shalt  }
.Lfunc_end0:
.L_simem_size_0:
called_computation.3_lowered:
.L_overlay_start_0:
0x88: {  	s2 =	sld [smem:$0x3FD9]  }
0x89: {  	s3 =	sld [smem:$0x3FFE];
	_ =	sdelay $0x1  }
0x8a: {  	s1 =	srdreg.scid  }
0x8b: {  	s0 =	sand.u32 $0x1, s1  }
0x8c: {  	s14 =	sshll.u32 s0, $0xA;
	s2 =	sadd.s32 s3, s2  }
0x8d: {  	s2 =	sadd.s32 s2, s14  }
0x8e: {  	[smem:$0x3FB8] =	sst s2  }
0x8f: {  	_ = 	snop  }
0x90: {  	s2 =	sld [smem:$0x3FD0];
	_ =	sdelay $0x2  }
0x91: {  	s15 =	simm.s32 $0xB;
	s4 =	simm.s32 $0x10  }
0x92: {  	[smem:s4], [sflag:s15] =	dma.local [hbm:s2], $0x1  }
0x93: {  	_ =	swait.eq [sflag:s15], $0x1  }
0x94: {  	s16 =	sld [smem:$0x12]  }
0x95: {  	s17 =	sld [smem:$0x13];
	[sflag:s15] =	ssyncset.done $0x0  }
0x96: {  	s5 =	sld [smem:$0x14];
	[sflag:s15] =	ssyncadd.s32 $0xFFFFFFFF  }
0x97: {  	s18 =	sld [smem:$0x15];
	(tm) =	ssettm $0x1  }
0x98: {  	s6 =	sld [smem:$0x3FFB];
	_ =	sdelay $0x3  }
0x99: {  	_ =	strace s6  }
0x9a: {  	s6 =	sld [smem:$0x3FFC];
	_ =	sdelay $0x3  }
0x9b: {  	_ =	strace s6  }
0x9c: {  	s6 =	sld [smem:$0x3FFD];
	_ =	sdelay $0x3  }
0x9d: {  	_ =	strace s6  }
0x9e: {  	_ =	strace $0x8FFFFFFF  }
0x9f: {  	s19 =	sld [smem:$0x3FDB];
	_ =	sdelay $0x1  }
0xa0: {  	s7 =	simm.s32 $_scs_section_size  }
0xa1: {  	s8 =	simm.s32 $_size__tile_overlayer_lowered;
	s9 =	simm.s32 $_tile_overlayer_lowered  }
0xa2: {  	s22 =	simm.s32 $0x1BFF;
	s21 =	sshll.u32 s9, $0x1;
	s6 =	sadd.s32 s7, s19  }
0xa3: {  	s10 =	simm.s32 $0x0;
	s20 =	sshll.u32 s8, $0x1;
	s8 =	sadd.s32 s21, s6  }
0xa4: {  	[timem:s10], [sflag:s22] =	dma.local [hbm:s8], s20  }
0xa5: {  	_ =	swait.ge [sflag:s22], s20  }
0xa6: {  	s7 =	ssub.s32 $0x0, s20;
	[sflag:s22] =	ssyncset.done $0x0  }
0xa7: {  	[sflag:s22] =	ssyncadd.s32 s7;
	_ =	sdelay $0x1  }
0xa8: {  	s23 =	simm.s32 $0x1B8B  }
0xa9: {  	_ =	swait.ge [sflag:s23], $0x1  }
0xaa: {  	[sflag:s23] =	ssyncset.done $0x0  }
0xab: {  	s25 =	simm.s32 $0x1B8E;
	s24 =	sld [smem:$0x3FFE];
	[sflag:s23] =	ssyncadd.s32 $0xFFFFFFFF  }
0xac: {  	s26 =	simm.s32 $execute0_lowered;
	[smem:$0x3FD2] =	sst s25  }
0xad: {  	s8 =	sshll.u32 s26, $0x1;
	_ =	strace $0x8000004F;
	[dreg:$0x1] =	wrdreg $0xFFFFFFFF  }
0xae: {  	s28 =	simm.s32 $_size_execute0_lowered;
	s6 =	sadd.s32 s6, s8;
	[dreg:$0x0] =	wrdreg $0x0  }
0xaf: {  	s8 =	sshll.u32 s28, $0x1;
	[dreg:$0x2] =	wrdreg s6  }
0xb0: {  	[dreg:$0x3] =	wrdreg s8  }
0xb1: {  	[dreg:$0x4] =	wrdreg $0xC0  }
0xb2: {  	_ =	task [dreg:s10], $0x5FFFF  }
0xb3: {  	[dreg:$0x1] =	wrdreg $0xFFFFFFFF  }
0xb4: {  	[dreg:$0x0] =	wrdreg $0x60  }
0xb5: {  	[dreg:$0x2] =	wrdreg s24  }
0xb6: {  	[dreg:$0x3] =	wrdreg s17  }
0xb7: {  	[dreg:$0x4] =	wrdreg s5  }
0xb8: {  	[dreg:$0x5] =	wrdreg s16  }
0xb9: {  	[dreg:$0x6] =	wrdreg s18  }
0xba: {  	[dreg:$0x7] =	wrdreg $0xB7800  }
0xbb: {  	[dreg:$0x8] =	wrdreg $0x9  }
0xbc: {  	_ =	task.clear_ibuf [dreg:s10], $0x9FFFF;
	_ =	strace $0x9000004F  }
0xbd: {  	s29 =	simm.s32 $0x9;
	_ =	strace $0x80000051  }
0xbe: {  	_ =	swait.ge [sflag:s29], $0x1  }
0xbf: {  	[sflag:s29] =	ssyncadd.s32 $0xFFFFFFFF  }
0xc0: {  	_ =	strace $0x90000051  }
0xc1: {  	_ =	sfence  }
0xc2: {  	s30 =	sld [smem:$0x0];
	_ =	sdelay $0x2  }
0xc3: {  	s31 =	sshll.u32 s1, $0xD;
	s1 =	sshrl.u32 s1, $0x2  }
0xc4: {  	s3 =	sand.u32 $0x4000, s31;
	s1 =	sadd.s32 s1, s30  }
0xc5: {  	s0 =	sor.u32 s3, s0;
	s1 =	sshll.u32 s1, $0x11  }
0xc6: {  	s0 =	sor.u32 s1, s0  }
0xc7: {  	s0 =	sadd.s32 $0x8F2B, s0  }
0xc8: {  	[sflag:s0] =	ssyncadd.remote.s32 $0x1  }
0xc9: {  	_ =	sfence.sel $0xFFFF  }
0xca: {  	[dreg:$0x0] =	wrdreg $0xFFFFFFFF;
	(pc) =	sbr.abs _section_cstart, $3  }
0xcb: {  	[dreg:$0x1] =	wrdreg $0xFFFFFFFF  }
0xcc: {  	_ =	task.clear_ibuf [dreg:s10], $0x2FFFF;
	_ =	strace $0x9FFFFFFF  }
0xcd: {  	(tm) =	ssettm $0x7FFFFFFF  }
tec
execute0_lowered:
.L_overlay_start_1:
0x0: {  	(tag) =	ssettag $0x1  }
0x1: {  	s4 =	rddreg [dreg:$0x0]  }
0x2: {  	s7 =	rddreg [dreg:$0x1]  }
0x3: {  	s8 =	rddreg [dreg:$0x2]  }
0x4: {  	s1 =	rddreg [dreg:$0x3]  }
0x5: {  	s9 =	rddreg [dreg:$0x4]  }
0x6: {  	s2 =	rddreg [dreg:$0x5]  }
0x7: {  	s0 =	rddreg [dreg:$0x6];
	s3 =	simm.s32 $0x0;
	s5 =	srdreg.scid  }
0x8: {  	s17 =	simm.s32 $0x6780;
	s18 =	simm.s32 $0x8F80;
	s19 =	simm.s32 $0x1  }
0x9: {  	s20 =	simm.s32 $0x2;
	s21 =	simm.s32 $0x6480;
	s22 =	simm.s32 $0x26C0  }
0xa: {  	s6 =	sand.u32 $0x1, s5;
	s5 =	sadd.s32 $0x2D800, s4;
	s4 =	stileid.u32  }
0xb: {  	s23 =	simm.s32 $0x6500;
	[smem:$0x7FF] =	sst s3;
	s12 =	smul.u32 $0x50000, s4  }
0xc: {  	_ =	strace $0x80000050;
	s10 =	ssub.s32 $0x2, s6;
	s15 =	smul.u32 $0x140000, s6  }
0xd: {  	s11 =	sshll.u32 s4, $0x1;
	s13 =	sshrl.u32 s4, $0x2;
	s28 =	smul.u32 $0x14000, s4  }
0xe: {  	s29 =	sshll.u32 s4, $0x6;
	s14 =	sshrl.u32 s10, $0x1;
	s11 =	sor.u32 s6, s11  }
0xf: {  	s13 =	smul.u32 $0x13C00, s13;
	s6 =	sor.u32 $0x1C03, s29;
	s10 =	ssub.s32 s10, s14  }
0x10: {  	s24 =	sshll.u32 s11, $0x7;
	s25 =	sshrl.u32 s12, $0x2;
	s30 =	sadd.s32 s28, s15  }
0x11: {  	s11 =	sshll.u32 s11, $0xB;
	s14 =	simm.s32 $0x400;
	s15 =	simm.s32 $0x2780  }
0x12: {  	s26 =	sand.u32 $0x380, s24;
	s16 =	sadd.s32 s25, s2;
	s31 =	sshrl.u32 s30, $0x3  }
0x13: {  	s8 =	sadd.s32 s8, s11;
	s10 =	smax.u32 s10, $0x1;
	s24 =	simm.s32 $0x6580  }
0x14: {  	s25 =	simm.s32 $0x0;
	s12 =	sor.u32 s13, s26;
	s9 =	sadd.s32 s9, s31  }
0x15: {  	s11 =	sshrl.u32 s16, $0x3;
	s13 =	simm.s32 $0x80;
	s12 =	sshrl.u32 s12, $0x3  }
0x16: {  	s16 =	simm.s32 $0x50;
	s7 =	sadd.s32 s7, s12;
	s12 =	simm.s32 $0x3  }
.LBB2_1:
0x17: {  	[spmem:s11], [sflag:s6] =	dma.local [hbm:s1], $0x2800  }
0x18: {  	_ =	swait.ge [sflag:s12], $0x2800  }
0x19: {  	[sflag:s12] =	ssyncset.done $0x0  }
0x1a: {  	[sflag:s12] =	ssyncadd.s32 $0xFFFFD800  }
0x1b: {  	[tilespmem:s3], [sflag:$0x3] =	stream.strided.gather [hbm4b:s7+s13], $0x2780, s14, s13, $0x38;
	[tilespmem:$0x1F780] =	vst v63  }
0x1c: {  	_ =	swait.ge [sflag:s12], $0x2780  }
0x1d: {  	[sflag:s12] =	ssyncset.done $0x0  }
0x1e: {  	[sflag:s12] =	ssyncadd.s32 $0xFFFFD880  }
0x1f: {  	[tilespmem:s15], [sflag:$0x3] =	stream.linear.gather [hbm4b:s8+s3], $0x3E80, $0x38;
	[tilespmem:$0x1F780] =	vst v63  }
0x20: {  	_ =	swait.ge [sflag:s12], $0x3E80  }
0x21: {  	[sflag:s12] =	ssyncset.done $0x0  }
0x22: {  	[sflag:s12] =	ssyncadd.s32 $0xFFFFC180  }
0x23: {  	[bflag:$0x0] =	sbarrier.arrive $0xFFFF  }
0x24: {  	[tilespmem:s17], [sflag:$0x1] =	stream.indirect.gather [hbm4b:s5+s16], $0x80, s3, s16, $0xb8;
	[tilespmem:$0x1F780] =	vst v63  }
0x25: {  	_ = 	snop  }
0x26: {  	[tilespmem:s18], [sflag:$0x2] =	stream.indirect.gather [hbm4b:s5+s16], $0x80, s16, s16, $0xb8;
	[tilespmem:$0x1F780] =	vst v63  }
0x27: {  	_ =	swait.ge [sflag:s19], $0x2800  }
0x28: {  	[sflag:s19] =	ssyncset.done $0x0  }
0x29: {  	s26 =	simm.s32 $0x2780;
	[sflag:s19] =	ssyncadd.s32 $0xFFFFD800  }
0x2a: {  	[spmem:s2] =	stream.indirect.scatter.add.f32 [tilespmem:s17], [sflag:$0x3], $0x80, s26, s16, $0xb8;
	[tilespmem:$0x1F780] =	vst v63  }
0x2b: {  	_ =	swait.ge [sflag:s12], $0x2800  }
0x2c: {  	[sflag:s12] =	ssyncset.done $0x0  }
0x2d: {  	s30 =	simm.s32 $0xA0;
	[sflag:s12] =	ssyncadd.s32 $0xFFFFD800  }
0x2e: {  	[tilespmem:s17], [sflag:$0x1] =	stream.indirect.gather [hbm4b:s5+s16], $0x80, s30, s16, $0xb8;
	[tilespmem:$0x1F780] =	vst v63  }
0x2f: {  	_ =	swait.ge [sflag:s20], $0x2800  }
0x30: {  	[sflag:s20] =	ssyncset.done $0x0  }
0x31: {  	s31 =	simm.s32 $0x2800;
	[sflag:s20] =	ssyncadd.s32 $0xFFFFD800  }
0x32: {  	[spmem:s2] =	stream.indirect.scatter.add.f32 [tilespmem:s18], [sflag:$0x3], $0x80, s31, s16, $0xb8;
	[tilespmem:$0x1F780] =	vst v63  }
0x33: {  	_ =	swait.ge [sflag:s12], $0x2800  }
0x34: {  	s29 =	simm.s32 $0xF0;
	[sflag:s12] =	ssyncset.done $0x0  }
0x35: {  	s28 =	simm.s32 $0x140;
	s26 =	simm.s32 $0x400;
	[sflag:s12] =	ssyncadd.s32 $0xFFFFD800  }
.LBB2_2:
0x36: {  	[tilespmem:s18], [sflag:$0x2] =	stream.indirect.gather [hbm4b:s5+s16], $0x80, s29, s16, $0xb8;
	[tilespmem:$0x1F780] =	vst v63  }
0x37: {  	s29 =	smov.u32 s26  }
0x38: {  	p0 =	sne.s32 s26, $0xF000;
	s26 =	sadd.s32 $0x400, s26;
	_ =	swait.ge [sflag:s19], $0x2800  }
0x39: {  	s29 =	sshra.s32 s29, $0x2;
	[sflag:s19] =	ssyncset.done $0x0  }
0x3a: {  	s30 =	sadd.s32 $0x2780, s29;
	[sflag:s19] =	ssyncadd.s32 $0xFFFFD800  }
0x3b: {  	[spmem:s2] =	stream.indirect.scatter.add.f32 [tilespmem:s17], [sflag:$0x3], $0x80, s30, s16, $0xb8;
	[tilespmem:$0x1F780] =	vst v63  }
0x3c: {  	_ =	swait.ge [sflag:s12], $0x2800  }
0x3d: {  	[sflag:s12] =	ssyncset.done $0x0  }
0x3e: {  	[sflag:s12] =	ssyncadd.s32 $0xFFFFD800  }
0x3f: {  	[tilespmem:s17], [sflag:$0x1] =	stream.indirect.gather [hbm4b:s5+s16], $0x80, s28, s16, $0xb8;
	[tilespmem:$0x1F780] =	vst v63  }
0x40: {  	_ =	swait.ge [sflag:s20], $0x2800  }
0x41: {  	[sflag:s20] =	ssyncset.done $0x0  }
.Ltmp0:
0x42: {  	s29 =	sadd.s32 $0x2800, s29;
	[sflag:s20] =	ssyncadd.s32 $0xFFFFD800;
	(pc) =	sbr.rel @p0 .LBB2_2-.Ltmp0, $4  }
0x43: {  	[spmem:s2] =	stream.indirect.scatter.add.f32 [tilespmem:s18], [sflag:$0x3], $0x80, s29, s16, $0xb8;
	[tilespmem:$0x1F780] =	vst v63  }
0x44: {  	_ =	swait.ge [sflag:s12], $0x2800  }
0x45: {  	[sflag:s12] =	ssyncset.done $0x0  }
0x46: {  	s29 =	sadd.s32 $0x50, s28;
	s28 =	sadd.s32 $0xA0, s28;
	[sflag:s12] =	ssyncadd.s32 $0xFFFFD800  }
0x47: {  	[tilespmem:s18], [sflag:$0x2] =	stream.indirect.gather [hbm4b:s5+s16], $0x80, s29, s16, $0xb8;
	[tilespmem:$0x1F780] =	vst v63  }
0x48: {  	_ =	swait.ge [sflag:s19], $0x2800  }
0x49: {  	[sflag:s19] =	ssyncset.done $0x0  }
0x4a: {  	[sflag:s19] =	ssyncadd.s32 $0xFFFFD800  }
0x4b: {  	[spmem:s2] =	stream.indirect.scatter.add.f32 [tilespmem:s17], [sflag:$0x3], $0x80, s21, s16, $0xb8;
	[tilespmem:$0x1F780] =	vst v63  }
0x4c: {  	_ =	swait.ge [sflag:s12], $0x2800  }
0x4d: {  	[sflag:s12] =	ssyncset.done $0x0  }
0x4e: {  	[sflag:s12] =	ssyncadd.s32 $0xFFFFD800  }
0x4f: {  	[tilespmem:s17], [sflag:$0x1] =	stream.indirect.gather [hbm4b:s5+s16], $0x80, s22, s16, $0xb8;
	[tilespmem:$0x1F780] =	vst v63  }
0x50: {  	_ =	swait.ge [sflag:s20], $0x2800  }
0x51: {  	[sflag:s20] =	ssyncset.done $0x0  }
0x52: {  	[sflag:s20] =	ssyncadd.s32 $0xFFFFD800  }
0x53: {  	[spmem:s2] =	stream.indirect.scatter.add.f32 [tilespmem:s18], [sflag:$0x3], $0x80, s23, s16, $0xb8;
	[tilespmem:$0x1F780] =	vst v63  }
0x54: {  	_ =	swait.ge [sflag:s12], $0x2800  }
0x55: {  	[sflag:s12] =	ssyncset.done $0x0  }
0x56: {  	[sflag:s12] =	ssyncadd.s32 $0xFFFFD800  }
0x57: {  	_ =	swait.ge [sflag:s19], $0x2800  }
0x58: {  	[sflag:s19] =	ssyncset.done $0x0  }
0x59: {  	[sflag:s19] =	ssyncadd.s32 $0xFFFFD800  }
0x5a: {  	[spmem:s2] =	stream.indirect.scatter.add.f32 [tilespmem:s17], [sflag:$0x3], $0x80, s24, s16, $0xb8;
	[tilespmem:$0x1F780] =	vst v63  }
0x5b: {  	_ =	swait.ge [sflag:s12], $0x2800  }
0x5c: {  	s25 =	sadd.s32 $0x1, s25;
	[sflag:s12] =	ssyncset.done $0x0  }
0x5d: {  	p0 =	sne.s32 s25, s10;
	[sflag:s12] =	ssyncadd.s32 $0xFFFFD800  }
.Ltmp1:
0x5e: {  	[bflag:$0x0] =	sbarrier.arrive $0xFFFF;
	(pc) =	sbr.rel @p0 .LBB2_1-.Ltmp1, $4  }
0x5f: {  	[hbm:s9], [sflag:s6] =	dma.local [spmem:s11], $0x2800  }
0x60: {  	_ =	swait.ge [sflag:s12], $0x2800  }
0x61: {  	[sflag:s12] =	ssyncset.done $0x0  }
0x62: {  	[sflag:s12] =	ssyncadd.s32 $0xFFFFD800  }
0x63: {  	_ =	sfence.sel $0x180000  }
0x64: {  	[bflag:$0x0] =	sbarrier.arrive $0xFFFF  }
0x65: {  	p0 =	sne.s32 s4, $0x0;
	_ =	strace $0x90000050  }
0x66: {  	s0 =	sadd.s32 @!p0 $0x100000, s0;
	[bflag:$0x2] =	sbarrier.arrive $0xFFFF  }
0x67: {  	[sflag:s0] =	ssyncadd.tile.s32 @!p0 $0x1;
	_ =	shalt  }
.Lfunc_end2:
_tile_overlayer_lowered:
.L_overlay_start_2:
0x68: {  	(tag) =	ssettag $0x2  }
0x69: {  	s0 =	rddreg [dreg:$0x0];
	s2 =	stileid.u32  }
0x6a: {  	s1 =	rddreg [dreg:$0x1];
	p0 =	sne.s32 s2, $0x0  }
0x6b: {  	s3 =	rddreg [dreg:$0x2];
	[bflag:$0x3] =	sbarrier.arrive $0xFFFF;
	s2 =	simm.s32 @!p0 $0x1C03  }
0x6c: {  	[timem:s3], [sflag:s2] =	dma.local @!p0 [hbm:s0], s1  }
0x6d: {  	s0 =	simm.s32 @!p0 $0x3  }
0x6e: {  	_ =	swait.ge @!p0 [sflag:s0], s1  }
0x6f: {  	s1 =	ssub.s32 @!p0 $0x0, s1;
	[sflag:s0] =	ssyncset.done @!p0 $0x0  }
0x70: {  	[sflag:s0] =	ssyncadd.s32 @!p0 s1  }
0x71: {  	[bflag:$0x3] =	sbarrier.arrive $0xFFFF  }
0x72: {  	_ =	shalt  }

// kernel: kernel.26.cloned.1.call-start
scs
__scs_entry_jumppad:
0x0: {  	(pc) =	sbr.rel $0x88, $3  }
0x1: {  	(tag) =	ssettag $0x0;
	lr =	simm.s32 $0x1  }
0x2: {  	[smem:$0x3F91] =	sst lr;
	_ =	strace $0xD0000000  }
0x3: {  	_ = 	snop  }
0x4: {  	_ = 	snop  }
0x5: {  	_ = 	snop  }
0x6: {  	_ = 	snop  }
0x7: {  	_ = 	snop  }
__scs_overlays_trampoline_lowered:
0x8: {  	[smem:$0x3FA0] =	sst s0  }
0x9: {  	[smem:$0x3FA1] =	sst s1  }
0xa: {  	[smem:$0x3FA2] =	sst s2  }
0xb: {  	[smem:$0x3FA3] =	sst s3  }
0xc: {  	[smem:$0x3FA4] =	sst s4  }
0xd: {  	[smem:$0x3FA5] =	sst s5  }
0xe: {  	[smem:$0x3FA6] =	sst s6  }
0xf: {  	[smem:$0x3FA7] =	sst s7  }
0x10: {  	[smem:$0x3FA8] =	sst s8  }
0x11: {  	[smem:$0x3FA9] =	sst s9;
	s0 =	simm.s32 @!p0 $0x0  }
0x12: {  	s1 =	sld [smem:$0x3F8F];
	s0 =	simm.s32 @p0 $0x1  }
0x13: {  	[smem:$0x3FAA] =	sst s0;
	s0 =	simm.s32 @!p1 $0x0  }
0x14: {  	s2 =	sld [smem:$0x3F8E];
	s0 =	simm.s32 @p1 $0x1  }
0x15: {  	[smem:$0x3FAB] =	sst s0;
	s0 =	simm.s32 @!p2 $0x0  }
0x16: {  	s3 =	sld [smem:$0x3FDB];
	s0 =	simm.s32 @p2 $0x1  }
0x17: {  	s4 =	simm.s32 $0x1BF5;
	[smem:$0x3FAD] =	sst s0  }
0x18: {  	s0 =	sld [smem:$0x3F90];
	_ =	swait.ge [sflag:s4], $0x0  }
0x19: {  	s7 =	sld [smem:$0x3F91]  }
0x1a: {  	s8 =	sadd.s32 $0xFFFFE003, lr  }
0x1b: {  	s9 =	sadd.s32 $0xFFFFFEF7, lr;
	s5 =	simm.s32 $0xFFFFFFFF;
	p2 =	slt.u32 s8, $0xFFFFF086  }
0x1c: {  	p1 =	slt.u32 s9, $0xF7A;
	s5 =	simm.s32 @!p2 $0x0  }
0x1d: {  	s5 =	simm.s32 @p1 $0x1;
	p0 =	seq.s32 s7, s2  }
0x1e: {  	s7 =	smul.u32 @!p0 $0xF7A, s2;
	p2 =	seq.s32 @!p0 s5, $0x0  }
0x1f: {  	s9 =	smul.u32 $0xF7A, s1;
	s8 =	simm.s32 @!p0 $0x1BF5;
	p2 =	por !p2, p0  }
0x20: {  	[sflag:s8] =	ssyncset.s32 @!p0 $0xFFFFF086;
	s6 =	sadd.s32 @!p0 s3, s7;
	s7 =	simm.s32 @!p0 $0x108  }
0x21: {  	s3 =	sadd.s32 s3, s9;
	s6 =	sadd.s32 @!p0 $0x88, s6;
	s7 =	simm.s32 @p2 $0x1082  }
0x22: {  	[simem:s7], [sflag:s8] =	dma.local @!p0 [hbm:s6], $0xF7A  }
0x23: {  	s9 =	sor.u32 $0xD0000000, s2;
	s6 =	simm.s32 $0x108;
	_ =	swait.ge @!p0 [sflag:s8], $0x0  }
0x24: {  	s3 =	sadd.s32 $0x88, s3;
	s6 =	simm.s32 @!p1 $0x1082;
	[sflag:s4] =	ssyncset.s32 $0xFFFFF086  }
0x25: {  	[simem:s6], [sflag:s4] =	dma.local [hbm:s3], $0xF7A  }
0x26: {  	[smem:$0x3F91] =	sst s1;
	(tag) =	ssettag s2;
	_ =	strace s9  }
0x27: {  	s1 =	sld [smem:$0x3FA1]  }
0x28: {  	s2 =	sld [smem:$0x3FA2]  }
0x29: {  	s4 =	sld [smem:$0x3FA4]  }
0x2a: {  	p0 =	seq.s32 s5, $0x0;
	s5 =	sld [smem:$0x3FA5]  }
0x2b: {  	s6 =	sld [smem:$0x3FA6]  }
0x2c: {  	s7 =	sld [smem:$0x3FA7]  }
0x2d: {  	s3 =	simm.s32 $0x108;
	s8 =	sld [smem:$0x3FA8]  }
0x2e: {  	s3 =	simm.s32 @!p0 $0x1082;
	s9 =	sld [smem:$0x3FA9]  }
0x2f: {  	lr =	sadd.s32 s0, s3;
	s0 =	sld [smem:$0x3FA0]  }
0x30: {  	s3 =	sld [smem:$0x3FA3]  }
0x31: {  	[smem:$0x3FAC] =	sst s10  }
0x32: {  	s10 =	sld [smem:$0x3FAA];
	_ =	sdelay $0x3  }
0x33: {  	p0 =	seq.s32 s10, $0x1;
	s10 =	sld [smem:$0x3FAC];
	_ =	sdelay $0x3  }
0x34: {  	[smem:$0x3FAC] =	sst s10  }
0x35: {  	s10 =	sld [smem:$0x3FAB];
	_ =	sdelay $0x3  }
0x36: {  	p1 =	seq.s32 s10, $0x1;
	s10 =	sld [smem:$0x3FAC];
	_ =	sdelay $0x3  }
0x37: {  	[smem:$0x3FAC] =	sst s10  }
0x38: {  	s10 =	sld [smem:$0x3FAD]  }
0x39: {  	_ = 	snop;
	(pc) =	sbr.ind lr, $3  }
0x3a: {  	_ = 	snop  }
0x3b: {  	_ = 	snop  }
0x3c: {  	p2 =	seq.s32 s10, $0x1;
	s10 =	sld [smem:$0x3FAC]  }
0x3d: {  	_ =	shalt  }
0x3e: {  	_ =	shalt  }
0x3f: {  	_ =	shalt  }
0x40: {  	_ =	shalt  }
0x41: {  	_ =	shalt  }
0x42: {  	_ =	shalt  }
0x43: {  	_ =	shalt  }
0x44: {  	_ =	shalt  }
0x45: {  	_ =	shalt  }
0x46: {  	_ =	shalt  }
0x47: {  	_ =	shalt  }
0x48: {  	_ =	shalt  }
0x49: {  	_ =	shalt  }
0x4a: {  	_ =	shalt  }
0x4b: {  	_ =	shalt  }
0x4c: {  	_ =	shalt  }
0x4d: {  	_ =	shalt  }
0x4e: {  	_ =	shalt  }
0x4f: {  	_ =	shalt  }
0x50: {  	_ =	shalt  }
0x51: {  	_ =	shalt  }
0x52: {  	_ =	shalt  }
0x53: {  	_ =	shalt  }
0x54: {  	_ =	shalt  }
0x55: {  	_ =	shalt  }
0x56: {  	_ =	shalt  }
0x57: {  	_ =	shalt  }
0x58: {  	_ =	shalt  }
0x59: {  	_ =	shalt  }
0x5a: {  	_ =	shalt  }
0x5b: {  	_ =	shalt  }
0x5c: {  	_ =	shalt  }
0x5d: {  	_ =	shalt  }
0x5e: {  	_ =	shalt  }
0x5f: {  	_ =	shalt  }
0x60: {  	_ =	shalt  }
0x61: {  	_ =	shalt  }
0x62: {  	_ =	shalt  }
0x63: {  	_ =	shalt  }
0x64: {  	_ =	shalt  }
0x65: {  	_ =	shalt  }
0x66: {  	_ =	shalt  }
0x67: {  	_ =	shalt  }
0x68: {  	_ =	shalt  }
0x69: {  	_ =	shalt  }
0x6a: {  	_ =	shalt  }
0x6b: {  	_ =	shalt  }
0x6c: {  	_ =	shalt  }
0x6d: {  	_ =	shalt  }
0x6e: {  	_ =	shalt  }
0x6f: {  	_ =	shalt  }
0x70: {  	_ =	shalt  }
0x71: {  	_ =	shalt  }
0x72: {  	_ =	shalt  }
0x73: {  	_ =	shalt  }
0x74: {  	_ =	shalt  }
0x75: {  	_ =	shalt  }
0x76: {  	_ =	shalt  }
0x77: {  	_ =	shalt  }
0x78: {  	_ =	shalt  }
0x79: {  	_ =	shalt  }
0x7a: {  	_ =	shalt  }
0x7b: {  	_ =	shalt  }
0x7c: {  	_ =	shalt  }
0x7d: {  	_ =	shalt  }
0x7e: {  	_ =	shalt  }
0x7f: {  	_ =	shalt  }
0x80: {  	_ =	shalt  }
0x81: {  	_ =	shalt  }
0x82: {  	_ =	shalt  }
0x83: {  	_ =	shalt  }
0x84: {  	_ =	shalt  }
0x85: {  	_ =	shalt  }
0x86: {  	_ =	shalt  }
0x87: {  	_ =	shalt  }
.Lfunc_end0:
.L_simem_size_0:
called_computation.4_lowered:
.L_overlay_start_0:
0x88: {  	s2 =	sld [smem:$0x3FD9]  }
0x89: {  	s3 =	sld [smem:$0x3FFE];
	_ =	sdelay $0x1  }
0x8a: {  	s1 =	srdreg.scid  }
0x8b: {  	s0 =	sand.u32 $0x1, s1  }
0x8c: {  	s14 =	sshll.u32 s0, $0xA;
	s2 =	sadd.s32 s3, s2  }
0x8d: {  	s2 =	sadd.s32 s2, s14  }
0x8e: {  	[smem:$0x3FB8] =	sst s2  }
0x8f: {  	_ = 	snop  }
0x90: {  	s2 =	sld [smem:$0x3FD0];
	_ =	sdelay $0x2  }
0x91: {  	s15 =	simm.s32 $0xB;
	s4 =	simm.s32 $0x10  }
0x92: {  	[smem:s4], [sflag:s15] =	dma.local [hbm:s2], $0x1  }
0x93: {  	_ =	swait.eq [sflag:s15], $0x1  }
0x94: {  	s16 =	sld [smem:$0x12];
	[sflag:s15] =	ssyncset.done $0x0  }
0x95: {  	s17 =	sld [smem:$0x13];
	[sflag:s15] =	ssyncadd.s32 $0xFFFFFFFF  }
0x96: {  	s18 =	sld [smem:$0x14];
	(tm) =	ssettm $0x1  }
0x97: {  	s5 =	sld [smem:$0x3FFB];
	_ =	sdelay $0x3  }
0x98: {  	_ =	strace s5  }
0x99: {  	s5 =	sld [smem:$0x3FFC];
	_ =	sdelay $0x3  }
0x9a: {  	_ =	strace s5  }
0x9b: {  	s5 =	sld [smem:$0x3FFD];
	_ =	sdelay $0x3  }
0x9c: {  	_ =	strace s5  }
0x9d: {  	_ =	strace $0x8FFFFFFF  }
0x9e: {  	s19 =	sld [smem:$0x3FDB];
	_ =	sdelay $0x1  }
0x9f: {  	s6 =	simm.s32 $_scs_section_size  }
0xa0: {  	s7 =	simm.s32 $_size__tile_overlayer_lowered;
	s8 =	simm.s32 $_tile_overlayer_lowered  }
0xa1: {  	s22 =	simm.s32 $0x1BFF;
	s21 =	sshll.u32 s8, $0x1;
	s5 =	sadd.s32 s6, s19  }
0xa2: {  	s9 =	simm.s32 $0x0;
	s20 =	sshll.u32 s7, $0x1;
	s7 =	sadd.s32 s21, s5  }
0xa3: {  	[timem:s9], [sflag:s22] =	dma.local [hbm:s7], s20  }
0xa4: {  	_ =	swait.ge [sflag:s22], s20  }
0xa5: {  	s6 =	ssub.s32 $0x0, s20;
	[sflag:s22] =	ssyncset.done $0x0  }
0xa6: {  	[sflag:s22] =	ssyncadd.s32 s6;
	_ =	sdelay $0x1  }
0xa7: {  	s23 =	simm.s32 $0x1B8B  }
0xa8: {  	_ =	swait.ge [sflag:s23], $0x1  }
0xa9: {  	[sflag:s23] =	ssyncset.done $0x0  }
0xaa: {  	s25 =	simm.s32 $0x1B8E;
	s24 =	sld [smem:$0x3FFE];
	[sflag:s23] =	ssyncadd.s32 $0xFFFFFFFF  }
0xab: {  	s26 =	simm.s32 $execute0_lowered;
	[smem:$0x3FD2] =	sst s25  }
0xac: {  	s7 =	sshll.u32 s26, $0x1;
	_ =	strace $0x80000052;
	[dreg:$0x1] =	wrdreg $0xFFFFFFFF  }
0xad: {  	s28 =	simm.s32 $_size_execute0_lowered;
	s5 =	sadd.s32 s5, s7;
	[dreg:$0x0] =	wrdreg $0x0  }
0xae: {  	s7 =	sshll.u32 s28, $0x1;
	[dreg:$0x2] =	wrdreg s5  }
0xaf: {  	[dreg:$0x3] =	wrdreg s7  }
0xb0: {  	[dreg:$0x4] =	wrdreg $0xC0  }
0xb1: {  	_ =	task [dreg:s9], $0x5FFFF  }
0xb2: {  	[dreg:$0x1] =	wrdreg $0xFFFFFFFF  }
0xb3: {  	[dreg:$0x0] =	wrdreg $0x60  }
0xb4: {  	[dreg:$0x2] =	wrdreg s24  }
0xb5: {  	[dreg:$0x3] =	wrdreg s17  }
0xb6: {  	[dreg:$0x4] =	wrdreg s18  }
0xb7: {  	[dreg:$0x5] =	wrdreg s16  }
0xb8: {  	[dreg:$0x6] =	wrdreg $0xB7800  }
0xb9: {  	[dreg:$0x7] =	wrdreg $0x9  }
0xba: {  	_ =	task.clear_ibuf [dreg:s9], $0x8FFFF;
	_ =	strace $0x90000052  }
0xbb: {  	s29 =	simm.s32 $0x9;
	_ =	strace $0x80000054  }
0xbc: {  	_ =	swait.ge [sflag:s29], $0x1  }
0xbd: {  	[sflag:s29] =	ssyncadd.s32 $0xFFFFFFFF  }
0xbe: {  	_ =	strace $0x90000054  }
0xbf: {  	_ =	sfence  }
0xc0: {  	s30 =	sld [smem:$0x0];
	_ =	sdelay $0x2  }
0xc1: {  	s31 =	sshll.u32 s1, $0xD;
	s1 =	sshrl.u32 s1, $0x2  }
0xc2: {  	s3 =	sand.u32 $0x4000, s31;
	s1 =	sadd.s32 s1, s30  }
0xc3: {  	s0 =	sor.u32 s3, s0;
	s1 =	sshll.u32 s1, $0x11  }
0xc4: {  	s0 =	sor.u32 s1, s0  }
0xc5: {  	s0 =	sadd.s32 $0x8F2B, s0  }
0xc6: {  	[sflag:s0] =	ssyncadd.remote.s32 $0x1  }
0xc7: {  	_ =	sfence.sel $0xFFFF  }
0xc8: {  	[dreg:$0x0] =	wrdreg $0xFFFFFFFF;
	(pc) =	sbr.abs _section_cstart, $3  }
0xc9: {  	[dreg:$0x1] =	wrdreg $0xFFFFFFFF  }
0xca: {  	_ =	task.clear_ibuf [dreg:s9], $0x2FFFF;
	_ =	strace $0x9FFFFFFF  }
0xcb: {  	(tm) =	ssettm $0x7FFFFFFF  }
tec
execute0_lowered:
.L_overlay_start_1:
0x0: {  	(tag) =	ssettag $0x1  }
0x1: {  	s6 =	rddreg [dreg:$0x0]  }
0x2: {  	s7 =	rddreg [dreg:$0x1]  }
0x3: {  	s8 =	rddreg [dreg:$0x2]  }
0x4: {  	s2 =	rddreg [dreg:$0x3]  }
0x5: {  	s0 =	srdreg.scid;
	s3 =	rddreg [dreg:$0x4]  }
0x6: {  	s1 =	stileid.u32;
	s4 =	simm.s32 $0x0;
	s16 =	simm.s32 $0x50  }
0x7: {  	s17 =	simm.s32 $0x6780;
	s18 =	simm.s32 $0x8F80;
	s19 =	simm.s32 $0x1  }
0x8: {  	s20 =	simm.s32 $0x2;
	s21 =	simm.s32 $0x6480;
	s22 =	simm.s32 $0x26C0  }
0x9: {  	s23 =	simm.s32 $0x6500;
	s24 =	simm.s32 $0x6580;
	s25 =	simm.s32 $0x0  }
0xa: {  	s9 =	sand.u32 $0x1, s0;
	s0 =	rddreg [dreg:$0x5];
	s10 =	smul.u32 $0x14000, s1  }
0xb: {  	[smem:$0x7FF] =	sst s4;
	s11 =	sshll.u32 s1, $0x1;
	s12 =	smul.u32 $0x50000, s1  }
0xc: {  	s13 =	sshrl.u32 s1, $0x2;
	s30 =	sshll.u32 s1, $0x6;
	s5 =	smul.u32 $0x140000, s9  }
0xd: {  	_ =	strace $0x80000053;
	s11 =	sor.u32 s9, s11;
	s9 =	ssub.s32 $0x2, s9  }
0xe: {  	s13 =	smul.u32 $0x13C00, s13;
	s14 =	sshll.u32 s11, $0x7;
	s26 =	sshrl.u32 s9, $0x1  }
0xf: {  	s28 =	sshrl.u32 s12, $0x2;
	s31 =	sshll.u32 s11, $0xB;
	s10 =	sadd.s32 s10, s5  }
0x10: {  	s5 =	sadd.s32 $0x2D800, s6;
	s14 =	sand.u32 $0x380, s14;
	s15 =	ssub.s32 s9, s26  }
0x11: {  	s12 =	sadd.s32 s28, s3;
	s8 =	sadd.s32 s8, s31;
	s10 =	sshrl.u32 s10, $0x3  }
0x12: {  	s29 =	sor.u32 s13, s14;
	s11 =	sshrl.u32 s12, $0x3;
	s12 =	simm.s32 $0x3  }
0x13: {  	s13 =	simm.s32 $0x80;
	s14 =	simm.s32 $0x400;
	s9 =	sshrl.u32 s29, $0x3  }
0x14: {  	s10 =	sadd.s32 s10, s6;
	s6 =	sor.u32 $0x1C03, s30;
	s7 =	sadd.s32 s7, s9  }
0x15: {  	s9 =	sadd.s32 $0x7D800, s10;
	s10 =	smax.u32 s15, $0x1;
	s15 =	simm.s32 $0x2780  }
.LBB2_1:
0x16: {  	[spmem:s11], [sflag:s6] =	dma.local [hbm:s2], $0x2800  }
0x17: {  	_ =	swait.ge [sflag:s12], $0x2800  }
0x18: {  	[sflag:s12] =	ssyncset.done $0x0  }
0x19: {  	[sflag:s12] =	ssyncadd.s32 $0xFFFFD800  }
0x1a: {  	[tilespmem:s4], [sflag:$0x3] =	stream.strided.gather [hbm4b:s7+s13], $0x2780, s14, s13, $0x38;
	[tilespmem:$0x1F780] =	vst v63  }
0x1b: {  	_ =	swait.ge [sflag:s12], $0x2780  }
0x1c: {  	[sflag:s12] =	ssyncset.done $0x0  }
0x1d: {  	[sflag:s12] =	ssyncadd.s32 $0xFFFFD880  }
0x1e: {  	[tilespmem:s15], [sflag:$0x3] =	stream.linear.gather [hbm4b:s8+s4], $0x3E80, $0x38;
	[tilespmem:$0x1F780] =	vst v63  }
0x1f: {  	_ =	swait.ge [sflag:s12], $0x3E80  }
0x20: {  	[sflag:s12] =	ssyncset.done $0x0  }
0x21: {  	[sflag:s12] =	ssyncadd.s32 $0xFFFFC180  }
0x22: {  	[bflag:$0x0] =	sbarrier.arrive $0xFFFF  }
0x23: {  	[tilespmem:s17], [sflag:$0x1] =	stream.indirect.gather [hbm4b:s5+s16], $0x80, s4, s16, $0xb8;
	[tilespmem:$0x1F780] =	vst v63  }
0x24: {  	_ = 	snop  }
0x25: {  	[tilespmem:s18], [sflag:$0x2] =	stream.indirect.gather [hbm4b:s5+s16], $0x80, s16, s16, $0xb8;
	[tilespmem:$0x1F780] =	vst v63  }
0x26: {  	_ =	swait.ge [sflag:s19], $0x2800  }
0x27: {  	[sflag:s19] =	ssyncset.done $0x0  }
0x28: {  	s26 =	simm.s32 $0x2780;
	[sflag:s19] =	ssyncadd.s32 $0xFFFFD800  }
0x29: {  	[spmem:s3] =	stream.indirect.scatter.add.f32 [tilespmem:s17], [sflag:$0x3], $0x80, s26, s16, $0xb8;
	[tilespmem:$0x1F780] =	vst v63  }
0x2a: {  	_ =	swait.ge [sflag:s12], $0x2800  }
0x2b: {  	[sflag:s12] =	ssyncset.done $0x0  }
0x2c: {  	s30 =	simm.s32 $0xA0;
	[sflag:s12] =	ssyncadd.s32 $0xFFFFD800  }
0x2d: {  	[tilespmem:s17], [sflag:$0x1] =	stream.indirect.gather [hbm4b:s5+s16], $0x80, s30, s16, $0xb8;
	[tilespmem:$0x1F780] =	vst v63  }
0x2e: {  	_ =	swait.ge [sflag:s20], $0x2800  }
0x2f: {  	[sflag:s20] =	ssyncset.done $0x0  }
0x30: {  	s31 =	simm.s32 $0x2800;
	[sflag:s20] =	ssyncadd.s32 $0xFFFFD800  }
0x31: {  	[spmem:s3] =	stream.indirect.scatter.add.f32 [tilespmem:s18], [sflag:$0x3], $0x80, s31, s16, $0xb8;
	[tilespmem:$0x1F780] =	vst v63  }
0x32: {  	_ =	swait.ge [sflag:s12], $0x2800  }
0x33: {  	s29 =	simm.s32 $0xF0;
	[sflag:s12] =	ssyncset.done $0x0  }
0x34: {  	s28 =	simm.s32 $0x140;
	s26 =	simm.s32 $0x400;
	[sflag:s12] =	ssyncadd.s32 $0xFFFFD800  }
.LBB2_2:
0x35: {  	[tilespmem:s18], [sflag:$0x2] =	stream.indirect.gather [hbm4b:s5+s16], $0x80, s29, s16, $0xb8;
	[tilespmem:$0x1F780] =	vst v63  }
0x36: {  	s29 =	smov.u32 s26  }
0x37: {  	p0 =	sne.s32 s26, $0xF000;
	s26 =	sadd.s32 $0x400, s26;
	_ =	swait.ge [sflag:s19], $0x2800  }
0x38: {  	s29 =	sshra.s32 s29, $0x2;
	[sflag:s19] =	ssyncset.done $0x0  }
0x39: {  	s30 =	sadd.s32 $0x2780, s29;
	[sflag:s19] =	ssyncadd.s32 $0xFFFFD800  }
0x3a: {  	[spmem:s3] =	stream.indirect.scatter.add.f32 [tilespmem:s17], [sflag:$0x3], $0x80, s30, s16, $0xb8;
	[tilespmem:$0x1F780] =	vst v63  }
0x3b: {  	_ =	swait.ge [sflag:s12], $0x2800  }
0x3c: {  	[sflag:s12] =	ssyncset.done $0x0  }
0x3d: {  	[sflag:s12] =	ssyncadd.s32 $0xFFFFD800  }
0x3e: {  	[tilespmem:s17], [sflag:$0x1] =	stream.indirect.gather [hbm4b:s5+s16], $0x80, s28, s16, $0xb8;
	[tilespmem:$0x1F780] =	vst v63  }
0x3f: {  	_ =	swait.ge [sflag:s20], $0x2800  }
0x40: {  	[sflag:s20] =	ssyncset.done $0x0  }
.Ltmp0:
0x41: {  	s29 =	sadd.s32 $0x2800, s29;
	[sflag:s20] =	ssyncadd.s32 $0xFFFFD800;
	(pc) =	sbr.rel @p0 .LBB2_2-.Ltmp0, $4  }
0x42: {  	[spmem:s3] =	stream.indirect.scatter.add.f32 [tilespmem:s18], [sflag:$0x3], $0x80, s29, s16, $0xb8;
	[tilespmem:$0x1F780] =	vst v63  }
0x43: {  	_ =	swait.ge [sflag:s12], $0x2800  }
0x44: {  	[sflag:s12] =	ssyncset.done $0x0  }
0x45: {  	s29 =	sadd.s32 $0x50, s28;
	s28 =	sadd.s32 $0xA0, s28;
	[sflag:s12] =	ssyncadd.s32 $0xFFFFD800  }
0x46: {  	[tilespmem:s18], [sflag:$0x2] =	stream.indirect.gather [hbm4b:s5+s16], $0x80, s29, s16, $0xb8;
	[tilespmem:$0x1F780] =	vst v63  }
0x47: {  	_ =	swait.ge [sflag:s19], $0x2800  }
0x48: {  	[sflag:s19] =	ssyncset.done $0x0  }
0x49: {  	[sflag:s19] =	ssyncadd.s32 $0xFFFFD800  }
0x4a: {  	[spmem:s3] =	stream.indirect.scatter.add.f32 [tilespmem:s17], [sflag:$0x3], $0x80, s21, s16, $0xb8;
	[tilespmem:$0x1F780] =	vst v63  }
0x4b: {  	_ =	swait.ge [sflag:s12], $0x2800  }
0x4c: {  	[sflag:s12] =	ssyncset.done $0x0  }
0x4d: {  	[sflag:s12] =	ssyncadd.s32 $0xFFFFD800  }
0x4e: {  	[tilespmem:s17], [sflag:$0x1] =	stream.indirect.gather [hbm4b:s5+s16], $0x80, s22, s16, $0xb8;
	[tilespmem:$0x1F780] =	vst v63  }
0x4f: {  	_ =	swait.ge [sflag:s20], $0x2800  }
0x50: {  	[sflag:s20] =	ssyncset.done $0x0  }
0x51: {  	[sflag:s20] =	ssyncadd.s32 $0xFFFFD800  }
0x52: {  	[spmem:s3] =	stream.indirect.scatter.add.f32 [tilespmem:s18], [sflag:$0x3], $0x80, s23, s16, $0xb8;
	[tilespmem:$0x1F780] =	vst v63  }
0x53: {  	_ =	swait.ge [sflag:s12], $0x2800  }
0x54: {  	[sflag:s12] =	ssyncset.done $0x0  }
0x55: {  	[sflag:s12] =	ssyncadd.s32 $0xFFFFD800  }
0x56: {  	_ =	swait.ge [sflag:s19], $0x2800  }
0x57: {  	[sflag:s19] =	ssyncset.done $0x0  }
0x58: {  	[sflag:s19] =	ssyncadd.s32 $0xFFFFD800  }
0x59: {  	[spmem:s3] =	stream.indirect.scatter.add.f32 [tilespmem:s17], [sflag:$0x3], $0x80, s24, s16, $0xb8;
	[tilespmem:$0x1F780] =	vst v63  }
0x5a: {  	_ =	swait.ge [sflag:s12], $0x2800  }
0x5b: {  	s25 =	sadd.s32 $0x1, s25;
	[sflag:s12] =	ssyncset.done $0x0  }
0x5c: {  	p0 =	sne.s32 s25, s10;
	[sflag:s12] =	ssyncadd.s32 $0xFFFFD800  }
.Ltmp1:
0x5d: {  	[bflag:$0x0] =	sbarrier.arrive $0xFFFF;
	(pc) =	sbr.rel @p0 .LBB2_1-.Ltmp1, $4  }
0x5e: {  	[hbm:s9], [sflag:s6] =	dma.local [spmem:s11], $0x2800  }
0x5f: {  	_ =	swait.ge [sflag:s12], $0x2800  }
0x60: {  	[sflag:s12] =	ssyncset.done $0x0  }
0x61: {  	[sflag:s12] =	ssyncadd.s32 $0xFFFFD800  }
0x62: {  	_ =	sfence.sel $0x180000  }
0x63: {  	[bflag:$0x0] =	sbarrier.arrive $0xFFFF  }
0x64: {  	p0 =	sne.s32 s1, $0x0;
	_ =	strace $0x90000053  }
0x65: {  	s0 =	sadd.s32 @!p0 $0x100000, s0;
	[bflag:$0x2] =	sbarrier.arrive $0xFFFF  }
0x66: {  	[sflag:s0] =	ssyncadd.tile.s32 @!p0 $0x1;
	_ =	shalt  }
.Lfunc_end2:
_tile_overlayer_lowered:
.L_overlay_start_2:
0x67: {  	(tag) =	ssettag $0x2  }
0x68: {  	s0 =	rddreg [dreg:$0x0];
	s2 =	stileid.u32  }
0x69: {  	s1 =	rddreg [dreg:$0x1];
	p0 =	sne.s32 s2, $0x0  }
0x6a: {  	s3 =	rddreg [dreg:$0x2];
	[bflag:$0x3] =	sbarrier.arrive $0xFFFF;
	s2 =	simm.s32 @!p0 $0x1C03  }
0x6b: {  	[timem:s3], [sflag:s2] =	dma.local @!p0 [hbm:s0], s1  }
0x6c: {  	s0 =	simm.s32 @!p0 $0x3  }
0x6d: {  	_ =	swait.ge @!p0 [sflag:s0], s1  }
0x6e: {  	s1 =	ssub.s32 @!p0 $0x0, s1;
	[sflag:s0] =	ssyncset.done @!p0 $0x0  }
0x6f: {  	[sflag:s0] =	ssyncadd.s32 @!p0 s1  }
0x70: {  	[bflag:$0x3] =	sbarrier.arrive $0xFFFF  }
0x71: {  	_ =	shalt  }

// kernel: kernel.29.cloned.1.call-start
scs
__scs_entry_jumppad:
0x0: {  	(pc) =	sbr.rel $0x88, $3  }
0x1: {  	(tag) =	ssettag $0x0;
	lr =	simm.s32 $0x1  }
0x2: {  	[smem:$0x3F91] =	sst lr;
	_ =	strace $0xD0000000  }
0x3: {  	_ = 	snop  }
0x4: {  	_ = 	snop  }
0x5: {  	_ = 	snop  }
0x6: {  	_ = 	snop  }
0x7: {  	_ = 	snop  }
__scs_overlays_trampoline_lowered:
0x8: {  	[smem:$0x3FA0] =	sst s0  }
0x9: {  	[smem:$0x3FA1] =	sst s1  }
0xa: {  	[smem:$0x3FA2] =	sst s2  }
0xb: {  	[smem:$0x3FA3] =	sst s3  }
0xc: {  	[smem:$0x3FA4] =	sst s4  }
0xd: {  	[smem:$0x3FA5] =	sst s5  }
0xe: {  	[smem:$0x3FA6] =	sst s6  }
0xf: {  	[smem:$0x3FA7] =	sst s7  }
0x10: {  	[smem:$0x3FA8] =	sst s8  }
0x11: {  	[smem:$0x3FA9] =	sst s9;
	s0 =	simm.s32 @!p0 $0x0  }
0x12: {  	s1 =	sld [smem:$0x3F8F];
	s0 =	simm.s32 @p0 $0x1  }
0x13: {  	[smem:$0x3FAA] =	sst s0;
	s0 =	simm.s32 @!p1 $0x0  }
0x14: {  	s2 =	sld [smem:$0x3F8E];
	s0 =	simm.s32 @p1 $0x1  }
0x15: {  	[smem:$0x3FAB] =	sst s0;
	s0 =	simm.s32 @!p2 $0x0  }
0x16: {  	s3 =	sld [smem:$0x3FDB];
	s0 =	simm.s32 @p2 $0x1  }
0x17: {  	s4 =	simm.s32 $0x1BF5;
	[smem:$0x3FAD] =	sst s0  }
0x18: {  	s0 =	sld [smem:$0x3F90];
	_ =	swait.ge [sflag:s4], $0x0  }
0x19: {  	s7 =	sld [smem:$0x3F91]  }
0x1a: {  	s8 =	sadd.s32 $0xFFFFE003, lr  }
0x1b: {  	s9 =	sadd.s32 $0xFFFFFEF7, lr;
	s5 =	simm.s32 $0xFFFFFFFF;
	p2 =	slt.u32 s8, $0xFFFFF086  }
0x1c: {  	p1 =	slt.u32 s9, $0xF7A;
	s5 =	simm.s32 @!p2 $0x0  }
0x1d: {  	s5 =	simm.s32 @p1 $0x1;
	p0 =	seq.s32 s7, s2  }
0x1e: {  	s7 =	smul.u32 @!p0 $0xF7A, s2;
	p2 =	seq.s32 @!p0 s5, $0x0  }
0x1f: {  	s9 =	smul.u32 $0xF7A, s1;
	s8 =	simm.s32 @!p0 $0x1BF5;
	p2 =	por !p2, p0  }
0x20: {  	[sflag:s8] =	ssyncset.s32 @!p0 $0xFFFFF086;
	s6 =	sadd.s32 @!p0 s3, s7;
	s7 =	simm.s32 @!p0 $0x108  }
0x21: {  	s3 =	sadd.s32 s3, s9;
	s6 =	sadd.s32 @!p0 $0x88, s6;
	s7 =	simm.s32 @p2 $0x1082  }
0x22: {  	[simem:s7], [sflag:s8] =	dma.local @!p0 [hbm:s6], $0xF7A  }
0x23: {  	s9 =	sor.u32 $0xD0000000, s2;
	s6 =	simm.s32 $0x108;
	_ =	swait.ge @!p0 [sflag:s8], $0x0  }
0x24: {  	s3 =	sadd.s32 $0x88, s3;
	s6 =	simm.s32 @!p1 $0x1082;
	[sflag:s4] =	ssyncset.s32 $0xFFFFF086  }
0x25: {  	[simem:s6], [sflag:s4] =	dma.local [hbm:s3], $0xF7A  }
0x26: {  	[smem:$0x3F91] =	sst s1;
	(tag) =	ssettag s2;
	_ =	strace s9  }
0x27: {  	s1 =	sld [smem:$0x3FA1]  }
0x28: {  	s2 =	sld [smem:$0x3FA2]  }
0x29: {  	s4 =	sld [smem:$0x3FA4]  }
0x2a: {  	p0 =	seq.s32 s5, $0x0;
	s5 =	sld [smem:$0x3FA5]  }
0x2b: {  	s6 =	sld [smem:$0x3FA6]  }
0x2c: {  	s7 =	sld [smem:$0x3FA7]  }
0x2d: {  	s3 =	simm.s32 $0x108;
	s8 =	sld [smem:$0x3FA8]  }
0x2e: {  	s3 =	simm.s32 @!p0 $0x1082;
	s9 =	sld [smem:$0x3FA9]  }
0x2f: {  	lr =	sadd.s32 s0, s3;
	s0 =	sld [smem:$0x3FA0]  }
0x30: {  	s3 =	sld [smem:$0x3FA3]  }
0x31: {  	[smem:$0x3FAC] =	sst s10  }
0x32: {  	s10 =	sld [smem:$0x3FAA];
	_ =	sdelay $0x3  }
0x33: {  	p0 =	seq.s32 s10, $0x1;
	s10 =	sld [smem:$0x3FAC];
	_ =	sdelay $0x3  }
0x34: {  	[smem:$0x3FAC] =	sst s10  }
0x35: {  	s10 =	sld [smem:$0x3FAB];
	_ =	sdelay $0x3  }
0x36: {  	p1 =	seq.s32 s10, $0x1;
	s10 =	sld [smem:$0x3FAC];
	_ =	sdelay $0x3  }
0x37: {  	[smem:$0x3FAC] =	sst s10  }
0x38: {  	s10 =	sld [smem:$0x3FAD]  }
0x39: {  	_ = 	snop;
	(pc) =	sbr.ind lr, $3  }
0x3a: {  	_ = 	snop  }
0x3b: {  	_ = 	snop  }
0x3c: {  	p2 =	seq.s32 s10, $0x1;
	s10 =	sld [smem:$0x3FAC]  }
0x3d: {  	_ =	shalt  }
0x3e: {  	_ =	shalt  }
0x3f: {  	_ =	shalt  }
0x40: {  	_ =	shalt  }
0x41: {  	_ =	shalt  }
0x42: {  	_ =	shalt  }
0x43: {  	_ =	shalt  }
0x44: {  	_ =	shalt  }
0x45: {  	_ =	shalt  }
0x46: {  	_ =	shalt  }
0x47: {  	_ =	shalt  }
0x48: {  	_ =	shalt  }
0x49: {  	_ =	shalt  }
0x4a: {  	_ =	shalt  }
0x4b: {  	_ =	shalt  }
0x4c: {  	_ =	shalt  }
0x4d: {  	_ =	shalt  }
0x4e: {  	_ =	shalt  }
0x4f: {  	_ =	shalt  }
0x50: {  	_ =	shalt  }
0x51: {  	_ =	shalt  }
0x52: {  	_ =	shalt  }
0x53: {  	_ =	shalt  }
0x54: {  	_ =	shalt  }
0x55: {  	_ =	shalt  }
0x56: {  	_ =	shalt  }
0x57: {  	_ =	shalt  }
0x58: {  	_ =	shalt  }
0x59: {  	_ =	shalt  }
0x5a: {  	_ =	shalt  }
0x5b: {  	_ =	shalt  }
0x5c: {  	_ =	shalt  }
0x5d: {  	_ =	shalt  }
0x5e: {  	_ =	shalt  }
0x5f: {  	_ =	shalt  }
0x60: {  	_ =	shalt  }
0x61: {  	_ =	shalt  }
0x62: {  	_ =	shalt  }
0x63: {  	_ =	shalt  }
0x64: {  	_ =	shalt  }
0x65: {  	_ =	shalt  }
0x66: {  	_ =	shalt  }
0x67: {  	_ =	shalt  }
0x68: {  	_ =	shalt  }
0x69: {  	_ =	shalt  }
0x6a: {  	_ =	shalt  }
0x6b: {  	_ =	shalt  }
0x6c: {  	_ =	shalt  }
0x6d: {  	_ =	shalt  }
0x6e: {  	_ =	shalt  }
0x6f: {  	_ =	shalt  }
0x70: {  	_ =	shalt  }
0x71: {  	_ =	shalt  }
0x72: {  	_ =	shalt  }
0x73: {  	_ =	shalt  }
0x74: {  	_ =	shalt  }
0x75: {  	_ =	shalt  }
0x76: {  	_ =	shalt  }
0x77: {  	_ =	shalt  }
0x78: {  	_ =	shalt  }
0x79: {  	_ =	shalt  }
0x7a: {  	_ =	shalt  }
0x7b: {  	_ =	shalt  }
0x7c: {  	_ =	shalt  }
0x7d: {  	_ =	shalt  }
0x7e: {  	_ =	shalt  }
0x7f: {  	_ =	shalt  }
0x80: {  	_ =	shalt  }
0x81: {  	_ =	shalt  }
0x82: {  	_ =	shalt  }
0x83: {  	_ =	shalt  }
0x84: {  	_ =	shalt  }
0x85: {  	_ =	shalt  }
0x86: {  	_ =	shalt  }
0x87: {  	_ =	shalt  }
.Lfunc_end0:
.L_simem_size_0:
called_computation.5_lowered:
.L_overlay_start_0:
0x88: {  	s2 =	sld [smem:$0x3FD9]  }
0x89: {  	s3 =	sld [smem:$0x3FFE];
	_ =	sdelay $0x1  }
0x8a: {  	s1 =	srdreg.scid  }
0x8b: {  	s0 =	sand.u32 $0x1, s1  }
0x8c: {  	s15 =	sshll.u32 s0, $0xA;
	s2 =	sadd.s32 s3, s2  }
0x8d: {  	s2 =	sadd.s32 s2, s15  }
0x8e: {  	[smem:$0x3FB8] =	sst s2  }
0x8f: {  	_ = 	snop  }
0x90: {  	s2 =	sld [smem:$0x3FD0];
	_ =	sdelay $0x2  }
0x91: {  	s5 =	simm.s32 $0xB;
	s16 =	simm.s32 $0x10  }
0x92: {  	[smem:s16], [sflag:s5] =	dma.local [hbm:s2], $0x1  }
0x93: {  	_ =	swait.eq [sflag:s5], $0x1  }
0x94: {  	s17 =	sld [smem:$0x12];
	[sflag:s5] =	ssyncset.done $0x0  }
0x95: {  	s4 =	sld [smem:$0x13];
	[sflag:s5] =	ssyncadd.s32 $0xFFFFFFFF  }
0x96: {  	s18 =	sld [smem:$0x14];
	(tm) =	ssettm $0x1  }
0x97: {  	s19 =	sld [smem:$0x3FFB];
	_ =	sdelay $0x3  }
0x98: {  	_ =	strace s19  }
0x99: {  	s2 =	sld [smem:$0x3FFC];
	_ =	sdelay $0x3  }
0x9a: {  	_ =	strace s2  }
0x9b: {  	s2 =	sld [smem:$0x3FFD];
	_ =	sdelay $0x3  }
0x9c: {  	_ =	strace s2  }
0x9d: {  	_ =	strace $0x8FFFFFFF  }
0x9e: {  	s20 =	sld [smem:$0x3FDB];
	_ =	sdelay $0x1  }
0x9f: {  	s6 =	simm.s32 $_scs_section_size  }
0xa0: {  	s7 =	simm.s32 $_size__tile_overlayer_lowered;
	s8 =	simm.s32 $_tile_overlayer_lowered  }
0xa1: {  	s9 =	simm.s32 $0x1BFF;
	s21 =	sshll.u32 s8, $0x1;
	s6 =	sadd.s32 s6, s20  }
0xa2: {  	s22 =	simm.s32 $0x0;
	s7 =	sshll.u32 s7, $0x1;
	s8 =	sadd.s32 s21, s6  }
0xa3: {  	[timem:s22], [sflag:s9] =	dma.local [hbm:s8], s7  }
0xa4: {  	_ =	swait.ge [sflag:s9], s7  }
0xa5: {  	s7 =	ssub.s32 $0x0, s7;
	[sflag:s9] =	ssyncset.done $0x0  }
0xa6: {  	[sflag:s9] =	ssyncadd.s32 s7;
	_ =	sdelay $0x1  }
0xa7: {  	s23 =	simm.s32 $0x1B8B  }
0xa8: {  	_ =	swait.ge [sflag:s23], $0x1  }
0xa9: {  	[sflag:s23] =	ssyncset.done $0x0  }
0xaa: {  	[sflag:s23] =	ssyncadd.s32 $0xFFFFFFFF  }
0xab: {  	s7 =	sld [smem:$0x0]  }
0xac: {  	s8 =	sand.u32 $0xFFFFFFFE, s1  }
0xad: {  	p0 =	sne.s32 s1, s8  }
0xae: {  	s8 =	sshll.u32 @p0 s8, $0xE  }
0xaf: {  	s8 =	sadd.s32 @p0 $0x11B8D, s8;
	s9 =	sshll.u32 @p0 s7, $0x11  }
0xb0: {  	s8 =	sor.u32 @p0 s9, s8  }
0xb1: {  	[sflag:s8] =	ssyncadd.remote.s32 @p0 $0x1;
	_ =	sdelay $0x1  }
0xb2: {  	s8 =	simm.s32 @p0 $0x1B8D  }
0xb3: {  	_ =	swait.eq @p0 [sflag:s8], $0x1  }
0xb4: {  	[sflag:s8] =	ssyncadd.s32 @p0 $0xFFFFFFFF  }
0xb5: {  	s9 =	sshll.u32 @!p0 s1, $0xE  }
0xb6: {  	s9 =	sor.u32 @!p0 $0x4000, s9;
	s8 =	simm.s32 @!p0 $0x1B8D  }
0xb7: {  	s7 =	sshll.u32 @!p0 s7, $0x11;
	s9 =	sadd.s32 @!p0 $0x11B8D, s9;
	_ =	swait.eq @!p0 [sflag:s8], $0x1  }
0xb8: {  	s7 =	sor.u32 @!p0 s7, s9;
	[sflag:s8] =	ssyncadd.s32 @!p0 $0xFFFFFFFF  }
0xb9: {  	s25 =	simm.s32 $0x1B8E;
	s24 =	sld [smem:$0x3FFE];
	[sflag:s7] =	ssyncadd.remote.s32 @!p0 $0x1  }
0xba: {  	s26 =	simm.s32 $execute0_lowered;
	[smem:$0x3FD2] =	sst s25  }
0xbb: {  	s8 =	sshll.u32 s26, $0x1;
	_ =	strace $0x80000055;
	[dreg:$0x1] =	wrdreg $0xFFFFFFFF  }
0xbc: {  	s28 =	simm.s32 $_size_execute0_lowered;
	s6 =	sadd.s32 s6, s8;
	[dreg:$0x0] =	wrdreg $0x0  }
0xbd: {  	s8 =	sshll.u32 s28, $0x1;
	[dreg:$0x2] =	wrdreg s6  }
0xbe: {  	[dreg:$0x3] =	wrdreg s8  }
0xbf: {  	[dreg:$0x4] =	wrdreg $0xC0  }
0xc0: {  	_ =	task [dreg:s22], $0x5FFFF  }
0xc1: {  	[dreg:$0x1] =	wrdreg $0xFFFFFFFF  }
0xc2: {  	[dreg:$0x0] =	wrdreg $0x60  }
0xc3: {  	[dreg:$0x2] =	wrdreg s24  }
0xc4: {  	[dreg:$0x3] =	wrdreg s4  }
0xc5: {  	[dreg:$0x4] =	wrdreg s18  }
0xc6: {  	[dreg:$0x5] =	wrdreg s17  }
0xc7: {  	[dreg:$0x6] =	wrdreg $0xB7800  }
0xc8: {  	[dreg:$0x7] =	wrdreg $0xA  }
0xc9: {  	_ =	task.clear_ibuf [dreg:s22], $0x8FFFF;
	_ =	strace $0x90000055  }
0xca: {  	s29 =	simm.s32 $0xA;
	_ =	strace $0x80000057  }
0xcb: {  	_ =	swait.ge [sflag:s29], $0x1  }
0xcc: {  	[sflag:s29] =	ssyncadd.s32 $0xFFFFFFFF  }
0xcd: {  	_ =	strace $0x90000057  }
0xce: {  	_ =	sfence  }
0xcf: {  	s30 =	sld [smem:$0x0];
	_ =	sdelay $0x2  }
0xd0: {  	s31 =	sshll.u32 s1, $0xD;
	s1 =	sshrl.u32 s1, $0x2  }
0xd1: {  	s4 =	sand.u32 $0x4000, s31;
	s1 =	sadd.s32 s1, s30  }
0xd2: {  	s0 =	sor.u32 s4, s0;
	s1 =	sshll.u32 s1, $0x11  }
0xd3: {  	s0 =	sor.u32 s1, s0  }
0xd4: {  	s0 =	sadd.s32 $0x8F2B, s0  }
0xd5: {  	[sflag:s0] =	ssyncadd.remote.s32 $0x1  }
0xd6: {  	_ =	sfence.sel $0xFFFF  }
0xd7: {  	[dreg:$0x0] =	wrdreg $0xFFFFFFFF;
	(pc) =	sbr.abs _section_cstart, $3  }
0xd8: {  	[dreg:$0x1] =	wrdreg $0xFFFFFFFF  }
0xd9: {  	_ =	task.clear_ibuf [dreg:s22], $0x2FFFF;
	_ =	strace $0x9FFFFFFF  }
0xda: {  	(tm) =	ssettm $0x7FFFFFFF  }
0xdb: {  	_ =	shalt  }
tec
execute0_lowered:
.L_overlay_start_1:
0x0: {  	(tag) =	ssettag $0x1  }
0x1: {  	s6 =	rddreg [dreg:$0x0]  }
0x2: {  	s7 =	rddreg [dreg:$0x1]  }
0x3: {  	s8 =	rddreg [dreg:$0x2]  }
0x4: {  	s2 =	rddreg [dreg:$0x3]  }
0x5: {  	s0 =	srdreg.scid;
	s3 =	rddreg [dreg:$0x4]  }
0x6: {  	s1 =	stileid.u32;
	s4 =	simm.s32 $0x0;
	s16 =	simm.s32 $0x50  }
0x7: {  	s17 =	simm.s32 $0x6780;
	s18 =	simm.s32 $0x8F80;
	s19 =	simm.s32 $0x1  }
0x8: {  	s20 =	simm.s32 $0x2;
	s21 =	simm.s32 $0x6480;
	s22 =	simm.s32 $0x26C0  }
0x9: {  	s23 =	simm.s32 $0x6500;
	s24 =	simm.s32 $0x6580;
	s25 =	simm.s32 $0x0  }
0xa: {  	s9 =	sand.u32 $0x1, s0;
	s0 =	rddreg [dreg:$0x5];
	s10 =	smul.u32 $0x14000, s1  }
0xb: {  	[smem:$0x7FF] =	sst s4;
	s11 =	sshll.u32 s1, $0x1;
	s12 =	smul.u32 $0x50000, s1  }
0xc: {  	s13 =	sshrl.u32 s1, $0x2;
	s30 =	sshll.u32 s1, $0x6;
	s5 =	smul.u32 $0x140000, s9  }
0xd: {  	_ =	strace $0x80000056;
	s11 =	sor.u32 s9, s11;
	s9 =	ssub.s32 $0x2, s9  }
0xe: {  	s13 =	smul.u32 $0x13C00, s13;
	s14 =	sshll.u32 s11, $0x7;
	s26 =	sshrl.u32 s9, $0x1  }
0xf: {  	s28 =	sshrl.u32 s12, $0x2;
	s31 =	sshll.u32 s11, $0xB;
	s10 =	sadd.s32 s10, s5  }
0x10: {  	s5 =	sadd.s32 $0x55800, s6;
	s14 =	sand.u32 $0x380, s14;
	s15 =	ssub.s32 s9, s26  }
0x11: {  	s12 =	sadd.s32 s28, s3;
	s8 =	sadd.s32 s8, s31;
	s10 =	sshrl.u32 s10, $0x3  }
0x12: {  	s29 =	sor.u32 s13, s14;
	s11 =	sshrl.u32 s12, $0x3;
	s12 =	simm.s32 $0x3  }
0x13: {  	s13 =	simm.s32 $0x80;
	s14 =	simm.s32 $0x400;
	s9 =	sshrl.u32 s29, $0x3  }
0x14: {  	s10 =	sadd.s32 s10, s6;
	s6 =	sor.u32 $0x1C03, s30;
	s7 =	sadd.s32 s7, s9  }
0x15: {  	s9 =	sadd.s32 $0xCD800, s10;
	s10 =	smax.u32 s15, $0x1;
	s15 =	simm.s32 $0x2780  }
.LBB2_1:
0x16: {  	[spmem:s11], [sflag:s6] =	dma.local [hbm:s2], $0x2800  }
0x17: {  	_ =	swait.ge [sflag:s12], $0x2800  }
0x18: {  	[sflag:s12] =	ssyncset.done $0x0  }
0x19: {  	[sflag:s12] =	ssyncadd.s32 $0xFFFFD800  }
0x1a: {  	[tilespmem:s4], [sflag:$0x3] =	stream.strided.gather [hbm4b:s7+s13], $0x2780, s14, s13, $0x38;
	[tilespmem:$0x1F780] =	vst v63  }
0x1b: {  	_ =	swait.ge [sflag:s12], $0x2780  }
0x1c: {  	[sflag:s12] =	ssyncset.done $0x0  }
0x1d: {  	[sflag:s12] =	ssyncadd.s32 $0xFFFFD880  }
0x1e: {  	[tilespmem:s15], [sflag:$0x3] =	stream.linear.gather [hbm4b:s8+s4], $0x3E80, $0x38;
	[tilespmem:$0x1F780] =	vst v63  }
0x1f: {  	_ =	swait.ge [sflag:s12], $0x3E80  }
0x20: {  	[sflag:s12] =	ssyncset.done $0x0  }
0x21: {  	[sflag:s12] =	ssyncadd.s32 $0xFFFFC180  }
0x22: {  	[bflag:$0x0] =	sbarrier.arrive $0xFFFF  }
0x23: {  	[tilespmem:s17], [sflag:$0x1] =	stream.indirect.gather [hbm4b:s5+s16], $0x80, s4, s16, $0xb8;
	[tilespmem:$0x1F780] =	vst v63  }
0x24: {  	_ = 	snop  }
0x25: {  	[tilespmem:s18], [sflag:$0x2] =	stream.indirect.gather [hbm4b:s5+s16], $0x80, s16, s16, $0xb8;
	[tilespmem:$0x1F780] =	vst v63  }
0x26: {  	_ =	swait.ge [sflag:s19], $0x2800  }
0x27: {  	[sflag:s19] =	ssyncset.done $0x0  }
0x28: {  	s26 =	simm.s32 $0x2780;
	[sflag:s19] =	ssyncadd.s32 $0xFFFFD800  }
0x29: {  	[spmem:s3] =	stream.indirect.scatter.add.f32 [tilespmem:s17], [sflag:$0x3], $0x80, s26, s16, $0xb8;
	[tilespmem:$0x1F780] =	vst v63  }
0x2a: {  	_ =	swait.ge [sflag:s12], $0x2800  }
0x2b: {  	[sflag:s12] =	ssyncset.done $0x0  }
0x2c: {  	s30 =	simm.s32 $0xA0;
	[sflag:s12] =	ssyncadd.s32 $0xFFFFD800  }
0x2d: {  	[tilespmem:s17], [sflag:$0x1] =	stream.indirect.gather [hbm4b:s5+s16], $0x80, s30, s16, $0xb8;
	[tilespmem:$0x1F780] =	vst v63  }
0x2e: {  	_ =	swait.ge [sflag:s20], $0x2800  }
0x2f: {  	[sflag:s20] =	ssyncset.done $0x0  }
0x30: {  	s31 =	simm.s32 $0x2800;
	[sflag:s20] =	ssyncadd.s32 $0xFFFFD800  }
0x31: {  	[spmem:s3] =	stream.indirect.scatter.add.f32 [tilespmem:s18], [sflag:$0x3], $0x80, s31, s16, $0xb8;
	[tilespmem:$0x1F780] =	vst v63  }
0x32: {  	_ =	swait.ge [sflag:s12], $0x2800  }
0x33: {  	s29 =	simm.s32 $0xF0;
	[sflag:s12] =	ssyncset.done $0x0  }
0x34: {  	s28 =	simm.s32 $0x140;
	s26 =	simm.s32 $0x400;
	[sflag:s12] =	ssyncadd.s32 $0xFFFFD800  }
.LBB2_2:
0x35: {  	[tilespmem:s18], [sflag:$0x2] =	stream.indirect.gather [hbm4b:s5+s16], $0x80, s29, s16, $0xb8;
	[tilespmem:$0x1F780] =	vst v63  }
0x36: {  	s29 =	smov.u32 s26  }
0x37: {  	p0 =	sne.s32 s26, $0xF000;
	s26 =	sadd.s32 $0x400, s26;
	_ =	swait.ge [sflag:s19], $0x2800  }
0x38: {  	s29 =	sshra.s32 s29, $0x2;
	[sflag:s19] =	ssyncset.done $0x0  }
0x39: {  	s30 =	sadd.s32 $0x2780, s29;
	[sflag:s19] =	ssyncadd.s32 $0xFFFFD800  }
0x3a: {  	[spmem:s3] =	stream.indirect.scatter.add.f32 [tilespmem:s17], [sflag:$0x3], $0x80, s30, s16, $0xb8;
	[tilespmem:$0x1F780] =	vst v63  }
0x3b: {  	_ =	swait.ge [sflag:s12], $0x2800  }
0x3c: {  	[sflag:s12] =	ssyncset.done $0x0  }
0x3d: {  	[sflag:s12] =	ssyncadd.s32 $0xFFFFD800  }
0x3e: {  	[tilespmem:s17], [sflag:$0x1] =	stream.indirect.gather [hbm4b:s5+s16], $0x80, s28, s16, $0xb8;
	[tilespmem:$0x1F780] =	vst v63  }
0x3f: {  	_ =	swait.ge [sflag:s20], $0x2800  }
0x40: {  	[sflag:s20] =	ssyncset.done $0x0  }
.Ltmp0:
0x41: {  	s29 =	sadd.s32 $0x2800, s29;
	[sflag:s20] =	ssyncadd.s32 $0xFFFFD800;
	(pc) =	sbr.rel @p0 .LBB2_2-.Ltmp0, $4  }
0x42: {  	[spmem:s3] =	stream.indirect.scatter.add.f32 [tilespmem:s18], [sflag:$0x3], $0x80, s29, s16, $0xb8;
	[tilespmem:$0x1F780] =	vst v63  }
0x43: {  	_ =	swait.ge [sflag:s12], $0x2800  }
0x44: {  	[sflag:s12] =	ssyncset.done $0x0  }
0x45: {  	s29 =	sadd.s32 $0x50, s28;
	s28 =	sadd.s32 $0xA0, s28;
	[sflag:s12] =	ssyncadd.s32 $0xFFFFD800  }
0x46: {  	[tilespmem:s18], [sflag:$0x2] =	stream.indirect.gather [hbm4b:s5+s16], $0x80, s29, s16, $0xb8;
	[tilespmem:$0x1F780] =	vst v63  }
0x47: {  	_ =	swait.ge [sflag:s19], $0x2800  }
0x48: {  	[sflag:s19] =	ssyncset.done $0x0  }
0x49: {  	[sflag:s19] =	ssyncadd.s32 $0xFFFFD800  }
0x4a: {  	[spmem:s3] =	stream.indirect.scatter.add.f32 [tilespmem:s17], [sflag:$0x3], $0x80, s21, s16, $0xb8;
	[tilespmem:$0x1F780] =	vst v63  }
0x4b: {  	_ =	swait.ge [sflag:s12], $0x2800  }
0x4c: {  	[sflag:s12] =	ssyncset.done $0x0  }
0x4d: {  	[sflag:s12] =	ssyncadd.s32 $0xFFFFD800  }
0x4e: {  	[tilespmem:s17], [sflag:$0x1] =	stream.indirect.gather [hbm4b:s5+s16], $0x80, s22, s16, $0xb8;
	[tilespmem:$0x1F780] =	vst v63  }
0x4f: {  	_ =	swait.ge [sflag:s20], $0x2800  }
0x50: {  	[sflag:s20] =	ssyncset.done $0x0  }
0x51: {  	[sflag:s20] =	ssyncadd.s32 $0xFFFFD800  }
0x52: {  	[spmem:s3] =	stream.indirect.scatter.add.f32 [tilespmem:s18], [sflag:$0x3], $0x80, s23, s16, $0xb8;
	[tilespmem:$0x1F780] =	vst v63  }
0x53: {  	_ =	swait.ge [sflag:s12], $0x2800  }
0x54: {  	[sflag:s12] =	ssyncset.done $0x0  }
0x55: {  	[sflag:s12] =	ssyncadd.s32 $0xFFFFD800  }
0x56: {  	_ =	swait.ge [sflag:s19], $0x2800  }
0x57: {  	[sflag:s19] =	ssyncset.done $0x0  }
0x58: {  	[sflag:s19] =	ssyncadd.s32 $0xFFFFD800  }
0x59: {  	[spmem:s3] =	stream.indirect.scatter.add.f32 [tilespmem:s17], [sflag:$0x3], $0x80, s24, s16, $0xb8;
	[tilespmem:$0x1F780] =	vst v63  }
0x5a: {  	_ =	swait.ge [sflag:s12], $0x2800  }
0x5b: {  	s25 =	sadd.s32 $0x1, s25;
	[sflag:s12] =	ssyncset.done $0x0  }
0x5c: {  	p0 =	sne.s32 s25, s10;
	[sflag:s12] =	ssyncadd.s32 $0xFFFFD800  }
.Ltmp1:
0x5d: {  	[bflag:$0x0] =	sbarrier.arrive $0xFFFF;
	(pc) =	sbr.rel @p0 .LBB2_1-.Ltmp1, $4  }
0x5e: {  	[hbm:s9], [sflag:s6] =	dma.local [spmem:s11], $0x2800  }
0x5f: {  	_ =	swait.ge [sflag:s12], $0x2800  }
0x60: {  	[sflag:s12] =	ssyncset.done $0x0  }
0x61: {  	[sflag:s12] =	ssyncadd.s32 $0xFFFFD800  }
0x62: {  	_ =	sfence.sel $0x180000  }
0x63: {  	[bflag:$0x0] =	sbarrier.arrive $0xFFFF  }
0x64: {  	p0 =	sne.s32 s1, $0x0;
	_ =	strace $0x90000056  }
0x65: {  	s0 =	sadd.s32 @!p0 $0x100000, s0;
	[bflag:$0x2] =	sbarrier.arrive $0xFFFF  }
0x66: {  	[sflag:s0] =	ssyncadd.tile.s32 @!p0 $0x1;
	_ =	shalt  }
.Lfunc_end2:
_tile_overlayer_lowered:
.L_overlay_start_2:
0x67: {  	(tag) =	ssettag $0x2  }
0x68: {  	s0 =	rddreg [dreg:$0x0];
	s2 =	stileid.u32  }
0x69: {  	s1 =	rddreg [dreg:$0x1];
	p0 =	sne.s32 s2, $0x0  }
0x6a: {  	s3 =	rddreg [dreg:$0x2];
	[bflag:$0x3] =	sbarrier.arrive $0xFFFF;
	s2 =	simm.s32 @!p0 $0x1C03  }
0x6b: {  	[timem:s3], [sflag:s2] =	dma.local @!p0 [hbm:s0], s1  }
0x6c: {  	s0 =	simm.s32 @!p0 $0x3  }
0x6d: {  	_ =	swait.ge @!p0 [sflag:s0], s1  }
0x6e: {  	s1 =	ssub.s32 @!p0 $0x0, s1;
	[sflag:s0] =	ssyncset.done @!p0 $0x0  }
0x6f: {  	[sflag:s0] =	ssyncadd.s32 @!p0 s1  }
0x70: {  	[bflag:$0x3] =	sbarrier.arrive $0xFFFF  }
0x71: {  	_ =	shalt  }

</sc_bundles>
